<compile_context>
chip_gen: v7x
topology: tpu7x:2x2x1
jax: 0.10.2.dev20260603
libtpu: 0.0.44.dev20260713+nightly
codegen_flags: <defaults>
</compile_context>

<pallas_src>
import functools

import jax
import jax.numpy as jnp
from jax import lax
from jax.experimental import pallas as pl
from jax.experimental.pallas import tpu as pltpu
from jax.experimental.pallas import tpu_sc as plsc

NUM_FIELDS = 26
VOCAB = 100000
D_MODEL = 32
B, C, T = 1024, 1, 20
N = B * C * T * NUM_FIELDS
NBT = B * C * T
NW = 32
PER_W = NBT // NW
NBUF = 4
L = 16
SL = PER_W // L

_mesh = plsc.VectorSubcoreMesh(core_axis_name="c", subcore_axis_name="s")


@functools.partial(
    pl.kernel,
    mesh=_mesh,
    out_type=jax.ShapeDtypeStruct((N, D_MODEL), jnp.float32),
    scratch_types=[
        pltpu.VMEM((PER_W,), jnp.int32),
        pltpu.VMEM((PER_W,), jnp.int32),
        pltpu.VMEM((PER_W,), jnp.int32),
        pltpu.VMEM((PER_W,), jnp.int32),
        pltpu.VMEM((PER_W,), jnp.int32),
        pltpu.VMEM((PER_W,), jnp.int32),
        pltpu.VMEM((PER_W,), jnp.int32),
        pltpu.VMEM((PER_W,), jnp.int32),
        pltpu.VMEM((PER_W, D_MODEL), jnp.float32),
        pltpu.VMEM((PER_W, D_MODEL), jnp.float32),
        pltpu.VMEM((PER_W, D_MODEL), jnp.float32),
        pltpu.VMEM((PER_W, D_MODEL), jnp.float32),
        pltpu.SemaphoreType.DMA,
        pltpu.SemaphoreType.DMA,
        pltpu.SemaphoreType.DMA,
        pltpu.SemaphoreType.DMA,
        pltpu.SemaphoreType.DMA,
        pltpu.SemaphoreType.DMA,
        pltpu.SemaphoreType.DMA,
        pltpu.SemaphoreType.DMA,
    ],
    compiler_params=pltpu.CompilerParams(use_tc_tiling_on_sc=False),
)
def _embed(x_hbm, tab_hbm, out_hbm, i0, i1, i2, i3, o0, o1, o2, o3,
           r0, r1, r2, r3, g0, g1, g2, g3, s0, s1, s2, s3):
    idxb = (i0, i1, i2, i3)
    oidx = (o0, o1, o2, o3)
    rows = (r0, r1, r2, r3)
    gsem = (g0, g1, g2, g3)
    osem = (s0, s1, s2, s3)
    wid = lax.axis_index("s") * 2 + lax.axis_index("c")
    jbase = wid * PER_W

    def stage(f, b):
        pltpu.sync_copy(x_hbm.at[f].at[pl.ds(jbase, PER_W)], idxb[b])

        def mk(t, carry):
            jv = t * L + lax.iota(jnp.int32, L)
            oidx[b][pl.ds(t * L, L)] = (jbase + jv) * NUM_FIELDS + f
            return carry

        lax.fori_loop(0, SL, mk, 0)

    def start_gather(f, b):
        pltpu.async_copy(tab_hbm.at[f].at[idxb[b]], rows[b], gsem[b])

    def wait_gather(f, b):
        pltpu.make_async_copy(
            tab_hbm.at[f].at[idxb[b]], rows[b], gsem[b]).wait()

    def start_out(b):
        pltpu.async_copy(rows[b], out_hbm.at[oidx[b]], osem[b])

    def wait_out(b):
        pltpu.make_async_copy(rows[b], out_hbm.at[oidx[b]], osem[b]).wait()

    def step(f, b, first, last):
        if not last:
            bn = (b + 2) % NBUF
            if not first:
                wait_out(bn)
            stage(f + 2, bn)
            start_gather(f + 2, bn)
        wait_gather(f, b)
        start_out(b)

    stage(0, 0)
    stage(1, 1)
    start_gather(0, 0)
    start_gather(1, 1)
    for f in range(NUM_FIELDS):
        step(f, f % NBUF, f < 2, f >= NUM_FIELDS - 2)
    for f in range(NUM_FIELDS - NBUF, NUM_FIELDS):
        wait_out(f % NBUF)


def kernel(x, tables):
    xt = jnp.transpose(x.reshape(B * C * T, NUM_FIELDS)).astype(jnp.int32)
    out = _embed(xt, tables)
    return out.reshape(B, C, T, NUM_FIELDS, D_MODEL)

# --- scband reference (transcript-rebuilt; emitter-appended) ---
"""Pipeline reference for scband-categorical-embedding-42545946034641 (READ-ONLY COPY).

The authoritative reference and input builder live on the scoring server;
editing this copy changes nothing except your own understanding.
"""

import jax, jax.numpy as jnp
import numpy as np

NUM_FIELDS = 26
VOCAB = 100000
D_MODEL = 32
B, C, T = 1024, 1, 20

def setup_inputs(seed: int = 0) -> dict:
    key = jax.random.key(seed)
    k1, k2 = jax.random.split(key)
    x = jax.random.randint(k1, (B, C, T, NUM_FIELDS), 0, VOCAB, dtype=jnp.int64 if jax.config.jax_enable_x64 else jnp.int32)
    tables = jax.random.normal(k2, (NUM_FIELDS, VOCAB, D_MODEL), dtype=jnp.float32)
    # padding_idx=0: row 0 of every table is zero (matches nn.Embedding padding_idx init)
    tables = tables.at[:, 0, :].set(0.0)
    return {"x": x, "tables": tables}

def reference(x, tables):
    # Original: x.unsqueeze(-2); per-field embedding lookup; cat along dim=-2
    # ee_i = embedding_i(x[..., i]) -> [B, C, T, D]; stacked over fields -> [B, C, T, NUM_FIELDS, D]
    outputs = []
    for i in range(NUM_FIELDS):
        ee = jnp.take(tables[i], x[..., i], axis=0)
        outputs.append(ee)
    return jnp.stack(outputs, axis=-2)

if __name__ == "__main__":
    import jax
    _d = setup_inputs()
    print(jax.jit(kernel)(*tuple(_d.values())))

</pallas_src>

<mosaic_0001>
#map = affine_map<(d0, d1) -> (0, 0)>
#map1 = affine_map<(d0, d1) -> (0, 0, 0)>
module attributes {stable_mosaic.version = 14 : i64} {
  func.func @_embed(%arg0: i32, %arg1: i32, %arg2: memref<26x20480xi32, #tpu.memory_space<hbm>>, %arg3: memref<26x100000x32xf32, #tpu.memory_space<hbm>>, %arg4: memref<532480x32xf32, #tpu.memory_space<hbm>>, %arg5: memref<640xi32, #tpu.memory_space<vmem>>, %arg6: memref<640xi32, #tpu.memory_space<vmem>>, %arg7: memref<640xi32, #tpu.memory_space<vmem>>, %arg8: memref<640xi32, #tpu.memory_space<vmem>>, %arg9: memref<640xi32, #tpu.memory_space<vmem>>, %arg10: memref<640xi32, #tpu.memory_space<vmem>>, %arg11: memref<640xi32, #tpu.memory_space<vmem>>, %arg12: memref<640xi32, #tpu.memory_space<vmem>>, %arg13: memref<640x32xf32, #tpu.memory_space<vmem>>, %arg14: memref<640x32xf32, #tpu.memory_space<vmem>>, %arg15: memref<640x32xf32, #tpu.memory_space<vmem>>, %arg16: memref<640x32xf32, #tpu.memory_space<vmem>>, %arg17: memref<!tpu.dma_semaphore, #tpu.memory_space<semaphore_mem>>, %arg18: memref<!tpu.dma_semaphore, #tpu.memory_space<semaphore_mem>>, %arg19: memref<!tpu.dma_semaphore, #tpu.memory_space<semaphore_mem>>, %arg20: memref<!tpu.dma_semaphore, #tpu.memory_space<semaphore_mem>>, %arg21: memref<!tpu.dma_semaphore, #tpu.memory_space<semaphore_mem>>, %arg22: memref<!tpu.dma_semaphore, #tpu.memory_space<semaphore_mem>>, %arg23: memref<!tpu.dma_semaphore, #tpu.memory_space<semaphore_mem>>, %arg24: memref<!tpu.dma_semaphore, #tpu.memory_space<semaphore_mem>>) attributes {dimension_semantics = [#tpu.dimension_semantics<core_parallel>, #tpu.dimension_semantics<subcore_parallel>], iteration_bounds = array<i64: 2, 16>, scalar_prefetch = 0 : i64, scratch_operands = 20 : i64, tpu.core_type = #tpu.core_type<sc_vector_subcore>, window_params = [{transform_indices = #map}, {transform_indices = #map1}, {transform_indices = #map}]} {
    %mul3A = arith.constant 2 : i32
    %mul3A_0 = arith.muli %arg1, %mul3A : i32
    %add3A = arith.addi %mul3A_0, %arg0 : i32
    %mul3A_1 = arith.constant 640 : i32
    %mul3A_2 = arith.muli %add3A, %mul3A_1 : i32
    %run_scoped3A = arith.constant 0 : i32
    "tpu.region"() ({
      %run_scoped3A_753 = tpu.sem_alloc : memref<!tpu.dma_semaphore, #tpu.memory_space<semaphore_mem>>
      %dma_start3A_754 = arith.constant 0 : i32
      %dma_start3A_755 = tpu.memref_slice %arg2[%run_scoped3A, %dma_start3A_754] : memref<26x20480xi32, #tpu.memory_space<hbm>> -> memref<1x20480xi32, #tpu.memory_space<hbm>>
      %dma_start3A_756 = tpu.memref_squeeze %dma_start3A_755 : memref<1x20480xi32, #tpu.memory_space<hbm>> -> memref<20480xi32, #tpu.memory_space<hbm>>
      %dma_start3A_757 = tpu.memref_slice %dma_start3A_756[%mul3A_2] : memref<20480xi32, #tpu.memory_space<hbm>> -> memref<640xi32, #tpu.memory_space<hbm>>
      %dma_start3A_758 = arith.constant 0 : i32
      %dma_start3A_759 = tpu.memref_slice %arg2[%run_scoped3A, %dma_start3A_758] : memref<26x20480xi32, #tpu.memory_space<hbm>> -> memref<1x20480xi32, #tpu.memory_space<hbm>>
      %dma_start3A_760 = tpu.memref_squeeze %dma_start3A_759 : memref<1x20480xi32, #tpu.memory_space<hbm>> -> memref<20480xi32, #tpu.memory_space<hbm>>
      %dma_start3A_761 = tpu.memref_slice %dma_start3A_760[%mul3A_2] : memref<20480xi32, #tpu.memory_space<hbm>> -> memref<640xi32, #tpu.memory_space<hbm>>
      tpu.enqueue_dma source(%dma_start3A_761 : memref<640xi32, #tpu.memory_space<hbm>>) target(%arg5 : memref<640xi32, #tpu.memory_space<vmem>>) target_semaphore(%run_scoped3A_753 : memref<!tpu.dma_semaphore, #tpu.memory_space<semaphore_mem>>)
      %dma_wait3A_762 = arith.constant 0 : i32
      %dma_wait3A_763 = tpu.memref_slice %arg2[%run_scoped3A, %dma_wait3A_762] : memref<26x20480xi32, #tpu.memory_space<hbm>> -> memref<1x20480xi32, #tpu.memory_space<hbm>>
      %dma_wait3A_764 = tpu.memref_squeeze %dma_wait3A_763 : memref<1x20480xi32, #tpu.memory_space<hbm>> -> memref<20480xi32, #tpu.memory_space<hbm>>
      %dma_wait3A_765 = tpu.memref_slice %dma_wait3A_764[%mul3A_2] : memref<20480xi32, #tpu.memory_space<hbm>> -> memref<640xi32, #tpu.memory_space<hbm>>
      %dma_wait3A_766 = arith.constant 0 : i32
      %dma_wait3A_767 = tpu.memref_slice %arg2[%run_scoped3A, %dma_wait3A_766] : memref<26x20480xi32, #tpu.memory_space<hbm>> -> memref<1x20480xi32, #tpu.memory_space<hbm>>
      %dma_wait3A_768 = tpu.memref_squeeze %dma_wait3A_767 : memref<1x20480xi32, #tpu.memory_space<hbm>> -> memref<20480xi32, #tpu.memory_space<hbm>>
      %dma_wait3A_769 = tpu.memref_slice %dma_wait3A_768[%mul3A_2] : memref<20480xi32, #tpu.memory_space<hbm>> -> memref<640xi32, #tpu.memory_space<hbm>>
      tpu.wait_dma2 semaphore(%run_scoped3A_753 : memref<!tpu.dma_semaphore, #tpu.memory_space<semaphore_mem>>) src(%dma_wait3A_769 : memref<640xi32, #tpu.memory_space<hbm>>) dst(%arg5 : memref<640xi32, #tpu.memory_space<vmem>>)
      tpu.yield
    }) : () -> ()
    %scan3A = arith.constant 0 : i32
    %scan3A_3 = arith.constant 0 : i32
    %scan3A_4 = arith.constant 40 : i32
    %scan3A_5 = arith.addi %scan3A_3, %scan3A_4 : i32
    %scan3A_6 = arith.constant 1 : i32
    scf.for %scan3A_753 = %scan3A_3 to %scan3A_5 step %scan3A_6  : i32 {
      %mul3A_754 = arith.constant 16 : i32
      %mul3A_755 = arith.muli %scan3A_753, %mul3A_754 : i32
      %iota3A = tpu.iota {dimensions = array<i32: 0>} : vector<16xi32>
      %add3A_756 = vector.broadcast %mul3A_755 : i32 to vector<16xi32>
      %add3A_757 = arith.addi %add3A_756, %iota3A : vector<16xi32>
      %add3A_758 = vector.broadcast %mul3A_2 : i32 to vector<16xi32>
      %add3A_759 = arith.addi %add3A_758, %add3A_757 : vector<16xi32>
      %mul3A_760 = arith.constant 26 : i32
      %mul3A_761 = vector.broadcast %mul3A_760 : i32 to vector<16xi32>
      %mul3A_762 = arith.muli %add3A_759, %mul3A_761 : vector<16xi32>
      %add3A_763 = arith.constant 0 : i32
      %add3A_764 = vector.broadcast %add3A_763 : i32 to vector<16xi32>
      %add3A_765 = arith.addi %mul3A_762, %add3A_764 : vector<16xi32>
      %mul3A_766 = arith.constant 16 : i32
      %mul3A_767 = arith.muli %scan3A_753, %mul3A_766 : i32
      %swap3A = arith.index_cast %mul3A_767 : i32 to index
      %swap3A_768 = tpu.vector_load %arg9[%swap3A] {strides = array<i32>} : memref<640xi32, #tpu.memory_space<vmem>>, vector<16xi32>,
      %swap3A_769 = vector.shape_cast %swap3A_768 : vector<16xi32> to vector<16xi32>
      %swap3A_770 = vector.shape_cast %add3A_765 : vector<16xi32> to vector<16xi32>
      tpu.vector_store %arg9[%swap3A], %swap3A_770 {strides = array<i32>} : memref<640xi32, #tpu.memory_space<vmem>>, vector<16xi32>,
    }
    %scan3A_7 = arith.constant 40 : i32
    %run_scoped3A_8 = arith.constant 1 : i32
    "tpu.region"() ({
      %run_scoped3A_753 = tpu.sem_alloc : memref<!tpu.dma_semaphore, #tpu.memory_space<semaphore_mem>>
      %dma_start3A_754 = arith.constant 0 : i32
      %dma_start3A_755 = tpu.memref_slice %arg2[%run_scoped3A_8, %dma_start3A_754] : memref<26x20480xi32, #tpu.memory_space<hbm>> -> memref<1x20480xi32, #tpu.memory_space<hbm>>
      %dma_start3A_756 = tpu.memref_squeeze %dma_start3A_755 : memref<1x20480xi32, #tpu.memory_space<hbm>> -> memref<20480xi32, #tpu.memory_space<hbm>>
      %dma_start3A_757 = tpu.memref_slice %dma_start3A_756[%mul3A_2] : memref<20480xi32, #tpu.memory_space<hbm>> -> memref<640xi32, #tpu.memory_space<hbm>>
      %dma_start3A_758 = arith.constant 0 : i32
      %dma_start3A_759 = tpu.memref_slice %arg2[%run_scoped3A_8, %dma_start3A_758] : memref<26x20480xi32, #tpu.memory_space<hbm>> -> memref<1x20480xi32, #tpu.memory_space<hbm>>
      %dma_start3A_760 = tpu.memref_squeeze %dma_start3A_759 : memref<1x20480xi32, #tpu.memory_space<hbm>> -> memref<20480xi32, #tpu.memory_space<hbm>>
      %dma_start3A_761 = tpu.memref_slice %dma_start3A_760[%mul3A_2] : memref<20480xi32, #tpu.memory_space<hbm>> -> memref<640xi32, #tpu.memory_space<hbm>>
      tpu.enqueue_dma source(%dma_start3A_761 : memref<640xi32, #tpu.memory_space<hbm>>) target(%arg6 : memref<640xi32, #tpu.memory_space<vmem>>) target_semaphore(%run_scoped3A_753 : memref<!tpu.dma_semaphore, #tpu.memory_space<semaphore_mem>>)
      %dma_wait3A_762 = arith.constant 0 : i32
      %dma_wait3A_763 = tpu.memref_slice %arg2[%run_scoped3A_8, %dma_wait3A_762] : memref<26x20480xi32, #tpu.memory_space<hbm>> -> memref<1x20480xi32, #tpu.memory_space<hbm>>
      %dma_wait3A_764 = tpu.memref_squeeze %dma_wait3A_763 : memref<1x20480xi32, #tpu.memory_space<hbm>> -> memref<20480xi32, #tpu.memory_space<hbm>>
      %dma_wait3A_765 = tpu.memref_slice %dma_wait3A_764[%mul3A_2] : memref<20480xi32, #tpu.memory_space<hbm>> -> memref<640xi32, #tpu.memory_space<hbm>>
      %dma_wait3A_766 = arith.constant 0 : i32
      %dma_wait3A_767 = tpu.memref_slice %arg2[%run_scoped3A_8, %dma_wait3A_766] : memref<26x20480xi32, #tpu.memory_space<hbm>> -> memref<1x20480xi32, #tpu.memory_space<hbm>>
      %dma_wait3A_768 = tpu.memref_squeeze %dma_wait3A_767 : memref<1x20480xi32, #tpu.memory_space<hbm>> -> memref<20480xi32, #tpu.memory_space<hbm>>
      %dma_wait3A_769 = tpu.memref_slice %dma_wait3A_768[%mul3A_2] : memref<20480xi32, #tpu.memory_space<hbm>> -> memref<640xi32, #tpu.memory_space<hbm>>
      tpu.wait_dma2 semaphore(%run_scoped3A_753 : memref<!tpu.dma_semaphore, #tpu.memory_space<semaphore_mem>>) src(%dma_wait3A_769 : memref<640xi32, #tpu.memory_space<hbm>>) dst(%arg6 : memref<640xi32, #tpu.memory_space<vmem>>)
      tpu.yield
    }) : () -> ()
    %scan3A_9 = arith.constant 0 : i32
    %scan3A_10 = arith.constant 0 : i32
    %scan3A_11 = arith.constant 40 : i32
    %scan3A_12 = arith.addi %scan3A_10, %scan3A_11 : i32
    %scan3A_13 = arith.constant 1 : i32
    scf.for %scan3A_753 = %scan3A_10 to %scan3A_12 step %scan3A_13  : i32 {
      %mul3A_754 = arith.constant 16 : i32
      %mul3A_755 = arith.muli %scan3A_753, %mul3A_754 : i32
      %iota3A = tpu.iota {dimensions = array<i32: 0>} : vector<16xi32>
      %add3A_756 = vector.broadcast %mul3A_755 : i32 to vector<16xi32>
      %add3A_757 = arith.addi %add3A_756, %iota3A : vector<16xi32>
      %add3A_758 = vector.broadcast %mul3A_2 : i32 to vector<16xi32>
      %add3A_759 = arith.addi %add3A_758, %add3A_757 : vector<16xi32>
      %mul3A_760 = arith.constant 26 : i32
      %mul3A_761 = vector.broadcast %mul3A_760 : i32 to vector<16xi32>
      %mul3A_762 = arith.muli %add3A_759, %mul3A_761 : vector<16xi32>
      %add3A_763 = arith.constant 1 : i32
      %add3A_764 = vector.broadcast %add3A_763 : i32 to vector<16xi32>
      %add3A_765 = arith.addi %mul3A_762, %add3A_764 : vector<16xi32>
      %mul3A_766 = arith.constant 16 : i32
      %mul3A_767 = arith.muli %scan3A_753, %mul3A_766 : i32
      %swap3A = arith.index_cast %mul3A_767 : i32 to index
      %swap3A_768 = tpu.vector_load %arg10[%swap3A] {strides = array<i32>} : memref<640xi32, #tpu.memory_space<vmem>>, vector<16xi32>,
      %swap3A_769 = vector.shape_cast %swap3A_768 : vector<16xi32> to vector<16xi32>
      %swap3A_770 = vector.shape_cast %add3A_765 : vector<16xi32> to vector<16xi32>
      tpu.vector_store %arg10[%swap3A], %swap3A_770 {strides = array<i32>} : memref<640xi32, #tpu.memory_space<vmem>>, vector<16xi32>,
    }
    %scan3A_14 = arith.constant 40 : i32
    %dma_start3A = arith.constant 0 : i32
    %dma_start3A_15 = arith.constant 0 : i32
    %dma_start3A_16 = arith.constant 0 : i32
    %dma_start3A_17 = tpu.memref_slice %arg3[%dma_start3A, %dma_start3A_15, %dma_start3A_16] : memref<26x100000x32xf32, #tpu.memory_space<hbm>> -> memref<1x100000x32xf32, #tpu.memory_space<hbm>>
    %dma_start3A_18 = tpu.memref_squeeze %dma_start3A_17 : memref<1x100000x32xf32, #tpu.memory_space<hbm>> -> memref<100000x32xf32, #tpu.memory_space<hbm>>
    %dma_start3A_19 = arith.constant 0 : i32
    %dma_start3A_20 = arith.constant 0 : i32
    %dma_start3A_21 = tpu.memref_slice %dma_start3A_18[%dma_start3A_19, %dma_start3A_20] : memref<100000x32xf32, #tpu.memory_space<hbm>> -> memref<100000x32xf32, #tpu.memory_space<hbm>>
    tpu.enqueue_indirect_dma source(%dma_start3A_21 : memref<100000x32xf32, #tpu.memory_space<hbm>>) target(%arg13 : memref<640x32xf32, #tpu.memory_space<vmem>>) offsets(%arg5 : memref<640xi32, #tpu.memory_space<vmem>>) semaphore(%arg17 : memref<!tpu.dma_semaphore, #tpu.memory_space<semaphore_mem>>)
    %dma_start3A_22 = arith.constant 1 : i32
    %dma_start3A_23 = arith.constant 0 : i32
    %dma_start3A_24 = arith.constant 0 : i32
    %dma_start3A_25 = tpu.memref_slice %arg3[%dma_start3A_22, %dma_start3A_23, %dma_start3A_24] : memref<26x100000x32xf32, #tpu.memory_space<hbm>> -> memref<1x100000x32xf32, #tpu.memory_space<hbm>>
    %dma_start3A_26 = tpu.memref_squeeze %dma_start3A_25 : memref<1x100000x32xf32, #tpu.memory_space<hbm>> -> memref<100000x32xf32, #tpu.memory_space<hbm>>
    %dma_start3A_27 = arith.constant 0 : i32
    %dma_start3A_28 = arith.constant 0 : i32
    %dma_start3A_29 = tpu.memref_slice %dma_start3A_26[%dma_start3A_27, %dma_start3A_28] : memref<100000x32xf32, #tpu.memory_space<hbm>> -> memref<100000x32xf32, #tpu.memory_space<hbm>>
    tpu.enqueue_indirect_dma source(%dma_start3A_29 : memref<100000x32xf32, #tpu.memory_space<hbm>>) target(%arg14 : memref<640x32xf32, #tpu.memory_space<vmem>>) offsets(%arg6 : memref<640xi32, #tpu.memory_space<vmem>>) semaphore(%arg18 : memref<!tpu.dma_semaphore, #tpu.memory_space<semaphore_mem>>)
    %run_scoped3A_30 = arith.constant 2 : i32
    "tpu.region"() ({
      %run_scoped3A_753 = tpu.sem_alloc : memref<!tpu.dma_semaphore, #tpu.memory_space<semaphore_mem>>
      %dma_start3A_754 = arith.constant 0 : i32
      %dma_start3A_755 = tpu.memref_slice %arg2[%run_scoped3A_30, %dma_start3A_754] : memref<26x20480xi32, #tpu.memory_space<hbm>> -> memref<1x20480xi32, #tpu.memory_space<hbm>>
      %dma_start3A_756 = tpu.memref_squeeze %dma_start3A_755 : memref<1x20480xi32, #tpu.memory_space<hbm>> -> memref<20480xi32, #tpu.memory_space<hbm>>
      %dma_start3A_757 = tpu.memref_slice %dma_start3A_756[%mul3A_2] : memref<20480xi32, #tpu.memory_space<hbm>> -> memref<640xi32, #tpu.memory_space<hbm>>
      %dma_start3A_758 = arith.constant 0 : i32
      %dma_start3A_759 = tpu.memref_slice %arg2[%run_scoped3A_30, %dma_start3A_758] : memref<26x20480xi32, #tpu.memory_space<hbm>> -> memref<1x20480xi32, #tpu.memory_space<hbm>>
      %dma_start3A_760 = tpu.memref_squeeze %dma_start3A_759 : memref<1x20480xi32, #tpu.memory_space<hbm>> -> memref<20480xi32, #tpu.memory_space<hbm>>
      %dma_start3A_761 = tpu.memref_slice %dma_start3A_760[%mul3A_2] : memref<20480xi32, #tpu.memory_space<hbm>> -> memref<640xi32, #tpu.memory_space<hbm>>
      tpu.enqueue_dma source(%dma_start3A_761 : memref<640xi32, #tpu.memory_space<hbm>>) target(%arg7 : memref<640xi32, #tpu.memory_space<vmem>>) target_semaphore(%run_scoped3A_753 : memref<!tpu.dma_semaphore, #tpu.memory_space<semaphore_mem>>)
      %dma_wait3A_762 = arith.constant 0 : i32
      %dma_wait3A_763 = tpu.memref_slice %arg2[%run_scoped3A_30, %dma_wait3A_762] : memref<26x20480xi32, #tpu.memory_space<hbm>> -> memref<1x20480xi32, #tpu.memory_space<hbm>>
      %dma_wait3A_764 = tpu.memref_squeeze %dma_wait3A_763 : memref<1x20480xi32, #tpu.memory_space<hbm>> -> memref<20480xi32, #tpu.memory_space<hbm>>
      %dma_wait3A_765 = tpu.memref_slice %dma_wait3A_764[%mul3A_2] : memref<20480xi32, #tpu.memory_space<hbm>> -> memref<640xi32, #tpu.memory_space<hbm>>
      %dma_wait3A_766 = arith.constant 0 : i32
      %dma_wait3A_767 = tpu.memref_slice %arg2[%run_scoped3A_30, %dma_wait3A_766] : memref<26x20480xi32, #tpu.memory_space<hbm>> -> memref<1x20480xi32, #tpu.memory_space<hbm>>
      %dma_wait3A_768 = tpu.memref_squeeze %dma_wait3A_767 : memref<1x20480xi32, #tpu.memory_space<hbm>> -> memref<20480xi32, #tpu.memory_space<hbm>>
      %dma_wait3A_769 = tpu.memref_slice %dma_wait3A_768[%mul3A_2] : memref<20480xi32, #tpu.memory_space<hbm>> -> memref<640xi32, #tpu.memory_space<hbm>>
      tpu.wait_dma2 semaphore(%run_scoped3A_753 : memref<!tpu.dma_semaphore, #tpu.memory_space<semaphore_mem>>) src(%dma_wait3A_769 : memref<640xi32, #tpu.memory_space<hbm>>) dst(%arg7 : memref<640xi32, #tpu.memory_space<vmem>>)
      tpu.yield
    }) : () -> ()
    %scan3A_31 = arith.constant 0 : i32
    %scan3A_32 = arith.constant 0 : i32
    %scan3A_33 = arith.constant 40 : i32
    %scan3A_34 = arith.addi %scan3A_32, %scan3A_33 : i32
    %scan3A_35 = arith.constant 1 : i32
    scf.for %scan3A_753 = %scan3A_32 to %scan3A_34 step %scan3A_35  : i32 {
      %mul3A_754 = arith.constant 16 : i32
      %mul3A_755 = arith.muli %scan3A_753, %mul3A_754 : i32
      %iota3A = tpu.iota {dimensions = array<i32: 0>} : vector<16xi32>
      %add3A_756 = vector.broadcast %mul3A_755 : i32 to vector<16xi32>
      %add3A_757 = arith.addi %add3A_756, %iota3A : vector<16xi32>
      %add3A_758 = vector.broadcast %mul3A_2 : i32 to vector<16xi32>
      %add3A_759 = arith.addi %add3A_758, %add3A_757 : vector<16xi32>
      %mul3A_760 = arith.constant 26 : i32
      %mul3A_761 = vector.broadcast %mul3A_760 : i32 to vector<16xi32>
      %mul3A_762 = arith.muli %add3A_759, %mul3A_761 : vector<16xi32>
      %add3A_763 = arith.constant 2 : i32
      %add3A_764 = vector.broadcast %add3A_763 : i32 to vector<16xi32>
      %add3A_765 = arith.addi %mul3A_762, %add3A_764 : vector<16xi32>
      %mul3A_766 = arith.constant 16 : i32
      %mul3A_767 = arith.muli %scan3A_753, %mul3A_766 : i32
      %swap3A = arith.index_cast %mul3A_767 : i32 to index
      %swap3A_768 = tpu.vector_load %arg11[%swap3A] {strides = array<i32>} : memref<640xi32, #tpu.memory_space<vmem>>, vector<16xi32>,
      %swap3A_769 = vector.shape_cast %swap3A_768 : vector<16xi32> to vector<16xi32>
      %swap3A_770 = vector.shape_cast %add3A_765 : vector<16xi32> to vector<16xi32>
      tpu.vector_store %arg11[%swap3A], %swap3A_770 {strides = array<i32>} : memref<640xi32, #tpu.memory_space<vmem>>, vector<16xi32>,
    }
    %scan3A_36 = arith.constant 40 : i32
    %dma_start3A_37 = arith.constant 2 : i32
    %dma_start3A_38 = arith.constant 0 : i32
    %dma_start3A_39 = arith.constant 0 : i32
    %dma_start3A_40 = tpu.memref_slice %arg3[%dma_start3A_37, %dma_start3A_38, %dma_start3A_39] : memref<26x100000x32xf32, #tpu.memory_space<hbm>> -> memref<1x100000x32xf32, #tpu.memory_space<hbm>>
    %dma_start3A_41 = tpu.memref_squeeze %dma_start3A_40 : memref<1x100000x32xf32, #tpu.memory_space<hbm>> -> memref<100000x32xf32, #tpu.memory_space<hbm>>
    %dma_start3A_42 = arith.constant 0 : i32
    %dma_start3A_43 = arith.constant 0 : i32
    %dma_start3A_44 = tpu.memref_slice %dma_start3A_41[%dma_start3A_42, %dma_start3A_43] : memref<100000x32xf32, #tpu.memory_space<hbm>> -> memref<100000x32xf32, #tpu.memory_space<hbm>>
    tpu.enqueue_indirect_dma source(%dma_start3A_44 : memref<100000x32xf32, #tpu.memory_space<hbm>>) target(%arg15 : memref<640x32xf32, #tpu.memory_space<vmem>>) offsets(%arg7 : memref<640xi32, #tpu.memory_space<vmem>>) semaphore(%arg19 : memref<!tpu.dma_semaphore, #tpu.memory_space<semaphore_mem>>)
    %dma_wait3A = arith.constant 0 : i32
    %dma_wait3A_45 = arith.constant 0 : i32
    %dma_wait3A_46 = arith.constant 0 : i32
    %dma_wait3A_47 = tpu.memref_slice %arg3[%dma_wait3A, %dma_wait3A_45, %dma_wait3A_46] : memref<26x100000x32xf32, #tpu.memory_space<hbm>> -> memref<1x100000x32xf32, #tpu.memory_space<hbm>>
    %dma_wait3A_48 = tpu.memref_squeeze %dma_wait3A_47 : memref<1x100000x32xf32, #tpu.memory_space<hbm>> -> memref<100000x32xf32, #tpu.memory_space<hbm>>
    %dma_wait3A_49 = arith.constant 0 : i32
    %dma_wait3A_50 = arith.constant 0 : i32
    %dma_wait3A_51 = tpu.memref_slice %dma_wait3A_48[%dma_wait3A_49, %dma_wait3A_50] : memref<100000x32xf32, #tpu.memory_space<hbm>> -> memref<100000x32xf32, #tpu.memory_space<hbm>>
    tpu.wait_indirect_dma semaphore(%arg17 : memref<!tpu.dma_semaphore, #tpu.memory_space<semaphore_mem>>) src(%dma_wait3A_51 : memref<100000x32xf32, #tpu.memory_space<hbm>>) dst(%arg13 : memref<640x32xf32, #tpu.memory_space<vmem>>)
    %dma_start3A_52 = arith.constant 0 : i32
    %dma_start3A_53 = arith.constant 0 : i32
    %dma_start3A_54 = tpu.memref_slice %arg4[%dma_start3A_52, %dma_start3A_53] : memref<532480x32xf32, #tpu.memory_space<hbm>> -> memref<532480x32xf32, #tpu.memory_space<hbm>>
    tpu.enqueue_indirect_dma source(%arg13 : memref<640x32xf32, #tpu.memory_space<vmem>>) target(%dma_start3A_54 : memref<532480x32xf32, #tpu.memory_space<hbm>>) offsets(%arg9 : memref<640xi32, #tpu.memory_space<vmem>>) semaphore(%arg21 : memref<!tpu.dma_semaphore, #tpu.memory_space<semaphore_mem>>)
    %run_scoped3A_55 = arith.constant 3 : i32
    "tpu.region"() ({
      %run_scoped3A_753 = tpu.sem_alloc : memref<!tpu.dma_semaphore, #tpu.memory_space<semaphore_mem>>
      %dma_start3A_754 = arith.constant 0 : i32
      %dma_start3A_755 = tpu.memref_slice %arg2[%run_scoped3A_55, %dma_start3A_754] : memref<26x20480xi32, #tpu.memory_space<hbm>> -> memref<1x20480xi32, #tpu.memory_space<hbm>>
      %dma_start3A_756 = tpu.memref_squeeze %dma_start3A_755 : memref<1x20480xi32, #tpu.memory_space<hbm>> -> memref<20480xi32, #tpu.memory_space<hbm>>
      %dma_start3A_757 = tpu.memref_slice %dma_start3A_756[%mul3A_2] : memref<20480xi32, #tpu.memory_space<hbm>> -> memref<640xi32, #tpu.memory_space<hbm>>
      %dma_start3A_758 = arith.constant 0 : i32
      %dma_start3A_759 = tpu.memref_slice %arg2[%run_scoped3A_55, %dma_start3A_758] : memref<26x20480xi32, #tpu.memory_space<hbm>> -> memref<1x20480xi32, #tpu.memory_space<hbm>>
      %dma_start3A_760 = tpu.memref_squeeze %dma_start3A_759 : memref<1x20480xi32, #tpu.memory_space<hbm>> -> memref<20480xi32, #tpu.memory_space<hbm>>
      %dma_start3A_761 = tpu.memref_slice %dma_start3A_760[%mul3A_2] : memref<20480xi32, #tpu.memory_space<hbm>> -> memref<640xi32, #tpu.memory_space<hbm>>
      tpu.enqueue_dma source(%dma_start3A_761 : memref<640xi32, #tpu.memory_space<hbm>>) target(%arg8 : memref<640xi32, #tpu.memory_space<vmem>>) target_semaphore(%run_scoped3A_753 : memref<!tpu.dma_semaphore, #tpu.memory_space<semaphore_mem>>)
      %dma_wait3A_762 = arith.constant 0 : i32
      %dma_wait3A_763 = tpu.memref_slice %arg2[%run_scoped3A_55, %dma_wait3A_762] : memref<26x20480xi32, #tpu.memory_space<hbm>> -> memref<1x20480xi32, #tpu.memory_space<hbm>>
      %dma_wait3A_764 = tpu.memref_squeeze %dma_wait3A_763 : memref<1x20480xi32, #tpu.memory_space<hbm>> -> memref<20480xi32, #tpu.memory_space<hbm>>
      %dma_wait3A_765 = tpu.memref_slice %dma_wait3A_764[%mul3A_2] : memref<20480xi32, #tpu.memory_space<hbm>> -> memref<640xi32, #tpu.memory_space<hbm>>
      %dma_wait3A_766 = arith.constant 0 : i32
      %dma_wait3A_767 = tpu.memref_slice %arg2[%run_scoped3A_55, %dma_wait3A_766] : memref<26x20480xi32, #tpu.memory_space<hbm>> -> memref<1x20480xi32, #tpu.memory_space<hbm>>
      %dma_wait3A_768 = tpu.memref_squeeze %dma_wait3A_767 : memref<1x20480xi32, #tpu.memory_space<hbm>> -> memref<20480xi32, #tpu.memory_space<hbm>>
      %dma_wait3A_769 = tpu.memref_slice %dma_wait3A_768[%mul3A_2] : memref<20480xi32, #tpu.memory_space<hbm>> -> memref<640xi32, #tpu.memory_space<hbm>>
      tpu.wait_dma2 semaphore(%run_scoped3A_753 : memref<!tpu.dma_semaphore, #tpu.memory_space<semaphore_mem>>) src(%dma_wait3A_769 : memref<640xi32, #tpu.memory_space<hbm>>) dst(%arg8 : memref<640xi32, #tpu.memory_space<vmem>>)
      tpu.yield
    }) : () -> ()
    %scan3A_56 = arith.constant 0 : i32
    %scan3A_57 = arith.constant 0 : i32
    %scan3A_58 = arith.constant 40 : i32
    %scan3A_59 = arith.addi %scan3A_57, %scan3A_58 : i32
    %scan3A_60 = arith.constant 1 : i32
    scf.for %scan3A_753 = %scan3A_57 to %scan3A_59 step %scan3A_60  : i32 {
      %mul3A_754 = arith.constant 16 : i32
      %mul3A_755 = arith.muli %scan3A_753, %mul3A_754 : i32
      %iota3A = tpu.iota {dimensions = array<i32: 0>} : vector<16xi32>
      %add3A_756 = vector.broadcast %mul3A_755 : i32 to vector<16xi32>
      %add3A_757 = arith.addi %add3A_756, %iota3A : vector<16xi32>
      %add3A_758 = vector.broadcast %mul3A_2 : i32 to vector<16xi32>
      %add3A_759 = arith.addi %add3A_758, %add3A_757 : vector<16xi32>
      %mul3A_760 = arith.constant 26 : i32
      %mul3A_761 = vector.broadcast %mul3A_760 : i32 to vector<16xi32>
      %mul3A_762 = arith.muli %add3A_759, %mul3A_761 : vector<16xi32>
      %add3A_763 = arith.constant 3 : i32
      %add3A_764 = vector.broadcast %add3A_763 : i32 to vector<16xi32>
      %add3A_765 = arith.addi %mul3A_762, %add3A_764 : vector<16xi32>
      %mul3A_766 = arith.constant 16 : i32
      %mul3A_767 = arith.muli %scan3A_753, %mul3A_766 : i32
      %swap3A = arith.index_cast %mul3A_767 : i32 to index
      %swap3A_768 = tpu.vector_load %arg12[%swap3A] {strides = array<i32>} : memref<640xi32, #tpu.memory_space<vmem>>, vector<16xi32>,
      %swap3A_769 = vector.shape_cast %swap3A_768 : vector<16xi32> to vector<16xi32>
      %swap3A_770 = vector.shape_cast %add3A_765 : vector<16xi32> to vector<16xi32>
      tpu.vector_store %arg12[%swap3A], %swap3A_770 {strides = array<i32>} : memref<640xi32, #tpu.memory_space<vmem>>, vector<16xi32>,
    }
    %scan3A_61 = arith.constant 40 : i32
    %dma_start3A_62 = arith.constant 3 : i32
    %dma_start3A_63 = arith.constant 0 : i32
    %dma_start3A_64 = arith.constant 0 : i32
    %dma_start3A_65 = tpu.memref_slice %arg3[%dma_start3A_62, %dma_start3A_63, %dma_start3A_64] : memref<26x100000x32xf32, #tpu.memory_space<hbm>> -> memref<1x100000x32xf32, #tpu.memory_space<hbm>>
    %dma_start3A_66 = tpu.memref_squeeze %dma_start3A_65 : memref<1x100000x32xf32, #tpu.memory_space<hbm>> -> memref<100000x32xf32, #tpu.memory_space<hbm>>
    %dma_start3A_67 = arith.constant 0 : i32
    %dma_start3A_68 = arith.constant 0 : i32
    %dma_start3A_69 = tpu.memref_slice %dma_start3A_66[%dma_start3A_67, %dma_start3A_68] : memref<100000x32xf32, #tpu.memory_space<hbm>> -> memref<100000x32xf32, #tpu.memory_space<hbm>>
    tpu.enqueue_indirect_dma source(%dma_start3A_69 : memref<100000x32xf32, #tpu.memory_space<hbm>>) target(%arg16 : memref<640x32xf32, #tpu.memory_space<vmem>>) offsets(%arg8 : memref<640xi32, #tpu.memory_space<vmem>>) semaphore(%arg20 : memref<!tpu.dma_semaphore, #tpu.memory_space<semaphore_mem>>)
    %dma_wait3A_70 = arith.constant 1 : i32
    %dma_wait3A_71 = arith.constant 0 : i32
    %dma_wait3A_72 = arith.constant 0 : i32
    %dma_wait3A_73 = tpu.memref_slice %arg3[%dma_wait3A_70, %dma_wait3A_71, %dma_wait3A_72] : memref<26x100000x32xf32, #tpu.memory_space<hbm>> -> memref<1x100000x32xf32, #tpu.memory_space<hbm>>
    %dma_wait3A_74 = tpu.memref_squeeze %dma_wait3A_73 : memref<1x100000x32xf32, #tpu.memory_space<hbm>> -> memref<100000x32xf32, #tpu.memory_space<hbm>>
    %dma_wait3A_75 = arith.constant 0 : i32
    %dma_wait3A_76 = arith.constant 0 : i32
    %dma_wait3A_77 = tpu.memref_slice %dma_wait3A_74[%dma_wait3A_75, %dma_wait3A_76] : memref<100000x32xf32, #tpu.memory_space<hbm>> -> memref<100000x32xf32, #tpu.memory_space<hbm>>
    tpu.wait_indirect_dma semaphore(%arg18 : memref<!tpu.dma_semaphore, #tpu.memory_space<semaphore_mem>>) src(%dma_wait3A_77 : memref<100000x32xf32, #tpu.memory_space<hbm>>) dst(%arg14 : memref<640x32xf32, #tpu.memory_space<vmem>>)
    %dma_start3A_78 = arith.constant 0 : i32
    %dma_start3A_79 = arith.constant 0 : i32
    %dma_start3A_80 = tpu.memref_slice %arg4[%dma_start3A_78, %dma_start3A_79] : memref<532480x32xf32, #tpu.memory_space<hbm>> -> memref<532480x32xf32, #tpu.memory_space<hbm>>
    tpu.enqueue_indirect_dma source(%arg14 : memref<640x32xf32, #tpu.memory_space<vmem>>) target(%dma_start3A_80 : memref<532480x32xf32, #tpu.memory_space<hbm>>) offsets(%arg10 : memref<640xi32, #tpu.memory_space<vmem>>) semaphore(%arg22 : memref<!tpu.dma_semaphore, #tpu.memory_space<semaphore_mem>>)
    %dma_wait3A_81 = arith.constant 0 : i32
    %dma_wait3A_82 = arith.constant 0 : i32
    %dma_wait3A_83 = tpu.memref_slice %arg4[%dma_wait3A_81, %dma_wait3A_82] : memref<532480x32xf32, #tpu.memory_space<hbm>> -> memref<532480x32xf32, #tpu.memory_space<hbm>>
    tpu.wait_indirect_dma semaphore(%arg21 : memref<!tpu.dma_semaphore, #tpu.memory_space<semaphore_mem>>) src(%arg13 : memref<640x32xf32, #tpu.memory_space<vmem>>) dst(%dma_wait3A_83 : memref<532480x32xf32, #tpu.memory_space<hbm>>)
    %run_scoped3A_84 = arith.constant 4 : i32
    "tpu.region"() ({
      %run_scoped3A_753 = tpu.sem_alloc : memref<!tpu.dma_semaphore, #tpu.memory_space<semaphore_mem>>
      %dma_start3A_754 = arith.constant 0 : i32
      %dma_start3A_755 = tpu.memref_slice %arg2[%run_scoped3A_84, %dma_start3A_754] : memref<26x20480xi32, #tpu.memory_space<hbm>> -> memref<1x20480xi32, #tpu.memory_space<hbm>>
      %dma_start3A_756 = tpu.memref_squeeze %dma_start3A_755 : memref<1x20480xi32, #tpu.memory_space<hbm>> -> memref<20480xi32, #tpu.memory_space<hbm>>
      %dma_start3A_757 = tpu.memref_slice %dma_start3A_756[%mul3A_2] : memref<20480xi32, #tpu.memory_space<hbm>> -> memref<640xi32, #tpu.memory_space<hbm>>
      %dma_start3A_758 = arith.constant 0 : i32
      %dma_start3A_759 = tpu.memref_slice %arg2[%run_scoped3A_84, %dma_start3A_758] : memref<26x20480xi32, #tpu.memory_space<hbm>> -> memref<1x20480xi32, #tpu.memory_space<hbm>>
      %dma_start3A_760 = tpu.memref_squeeze %dma_start3A_759 : memref<1x20480xi32, #tpu.memory_space<hbm>> -> memref<20480xi32, #tpu.memory_space<hbm>>
      %dma_start3A_761 = tpu.memref_slice %dma_start3A_760[%mul3A_2] : memref<20480xi32, #tpu.memory_space<hbm>> -> memref<640xi32, #tpu.memory_space<hbm>>
      tpu.enqueue_dma source(%dma_start3A_761 : memref<640xi32, #tpu.memory_space<hbm>>) target(%arg5 : memref<640xi32, #tpu.memory_space<vmem>>) target_semaphore(%run_scoped3A_753 : memref<!tpu.dma_semaphore, #tpu.memory_space<semaphore_mem>>)
      %dma_wait3A_762 = arith.constant 0 : i32
      %dma_wait3A_763 = tpu.memref_slice %arg2[%run_scoped3A_84, %dma_wait3A_762] : memref<26x20480xi32, #tpu.memory_space<hbm>> -> memref<1x20480xi32, #tpu.memory_space<hbm>>
      %dma_wait3A_764 = tpu.memref_squeeze %dma_wait3A_763 : memref<1x20480xi32, #tpu.memory_space<hbm>> -> memref<20480xi32, #tpu.memory_space<hbm>>
      %dma_wait3A_765 = tpu.memref_slice %dma_wait3A_764[%mul3A_2] : memref<20480xi32, #tpu.memory_space<hbm>> -> memref<640xi32, #tpu.memory_space<hbm>>
      %dma_wait3A_766 = arith.constant 0 : i32
      %dma_wait3A_767 = tpu.memref_slice %arg2[%run_scoped3A_84, %dma_wait3A_766] : memref<26x20480xi32, #tpu.memory_space<hbm>> -> memref<1x20480xi32, #tpu.memory_space<hbm>>
      %dma_wait3A_768 = tpu.memref_squeeze %dma_wait3A_767 : memref<1x20480xi32, #tpu.memory_space<hbm>> -> memref<20480xi32, #tpu.memory_space<hbm>>
      %dma_wait3A_769 = tpu.memref_slice %dma_wait3A_768[%mul3A_2] : memref<20480xi32, #tpu.memory_space<hbm>> -> memref<640xi32, #tpu.memory_space<hbm>>
      tpu.wait_dma2 semaphore(%run_scoped3A_753 : memref<!tpu.dma_semaphore, #tpu.memory_space<semaphore_mem>>) src(%dma_wait3A_769 : memref<640xi32, #tpu.memory_space<hbm>>) dst(%arg5 : memref<640xi32, #tpu.memory_space<vmem>>)
      tpu.yield
    }) : () -> ()
    %scan3A_85 = arith.constant 0 : i32
    %scan3A_86 = arith.constant 0 : i32
    %scan3A_87 = arith.constant 40 : i32
    %scan3A_88 = arith.addi %scan3A_86, %scan3A_87 : i32
    %scan3A_89 = arith.constant 1 : i32
    scf.for %scan3A_753 = %scan3A_86 to %scan3A_88 step %scan3A_89  : i32 {
      %mul3A_754 = arith.constant 16 : i32
      %mul3A_755 = arith.muli %scan3A_753, %mul3A_754 : i32
      %iota3A = tpu.iota {dimensions = array<i32: 0>} : vector<16xi32>
      %add3A_756 = vector.broadcast %mul3A_755 : i32 to vector<16xi32>
      %add3A_757 = arith.addi %add3A_756, %iota3A : vector<16xi32>
      %add3A_758 = vector.broadcast %mul3A_2 : i32 to vector<16xi32>
      %add3A_759 = arith.addi %add3A_758, %add3A_757 : vector<16xi32>
      %mul3A_760 = arith.constant 26 : i32
      %mul3A_761 = vector.broadcast %mul3A_760 : i32 to vector<16xi32>
      %mul3A_762 = arith.muli %add3A_759, %mul3A_761 : vector<16xi32>
      %add3A_763 = arith.constant 4 : i32
      %add3A_764 = vector.broadcast %add3A_763 : i32 to vector<16xi32>
      %add3A_765 = arith.addi %mul3A_762, %add3A_764 : vector<16xi32>
      %mul3A_766 = arith.constant 16 : i32
      %mul3A_767 = arith.muli %scan3A_753, %mul3A_766 : i32
      %swap3A = arith.index_cast %mul3A_767 : i32 to index
      %swap3A_768 = tpu.vector_load %arg9[%swap3A] {strides = array<i32>} : memref<640xi32, #tpu.memory_space<vmem>>, vector<16xi32>,
      %swap3A_769 = vector.shape_cast %swap3A_768 : vector<16xi32> to vector<16xi32>
      %swap3A_770 = vector.shape_cast %add3A_765 : vector<16xi32> to vector<16xi32>
      tpu.vector_store %arg9[%swap3A], %swap3A_770 {strides = array<i32>} : memref<640xi32, #tpu.memory_space<vmem>>, vector<16xi32>,
    }
    %scan3A_90 = arith.constant 40 : i32
    %dma_start3A_91 = arith.constant 4 : i32
    %dma_start3A_92 = arith.constant 0 : i32
    %dma_start3A_93 = arith.constant 0 : i32
    %dma_start3A_94 = tpu.memref_slice %arg3[%dma_start3A_91, %dma_start3A_92, %dma_start3A_93] : memref<26x100000x32xf32, #tpu.memory_space<hbm>> -> memref<1x100000x32xf32, #tpu.memory_space<hbm>>
    %dma_start3A_95 = tpu.memref_squeeze %dma_start3A_94 : memref<1x100000x32xf32, #tpu.memory_space<hbm>> -> memref<100000x32xf32, #tpu.memory_space<hbm>>
    %dma_start3A_96 = arith.constant 0 : i32
    %dma_start3A_97 = arith.constant 0 : i32
    %dma_start3A_98 = tpu.memref_slice %dma_start3A_95[%dma_start3A_96, %dma_start3A_97] : memref<100000x32xf32, #tpu.memory_space<hbm>> -> memref<100000x32xf32, #tpu.memory_space<hbm>>
    tpu.enqueue_indirect_dma source(%dma_start3A_98 : memref<100000x32xf32, #tpu.memory_space<hbm>>) target(%arg13 : memref<640x32xf32, #tpu.memory_space<vmem>>) offsets(%arg5 : memref<640xi32, #tpu.memory_space<vmem>>) semaphore(%arg17 : memref<!tpu.dma_semaphore, #tpu.memory_space<semaphore_mem>>)
    %dma_wait3A_99 = arith.constant 2 : i32
    %dma_wait3A_100 = arith.constant 0 : i32
    %dma_wait3A_101 = arith.constant 0 : i32
    %dma_wait3A_102 = tpu.memref_slice %arg3[%dma_wait3A_99, %dma_wait3A_100, %dma_wait3A_101] : memref<26x100000x32xf32, #tpu.memory_space<hbm>> -> memref<1x100000x32xf32, #tpu.memory_space<hbm>>
    %dma_wait3A_103 = tpu.memref_squeeze %dma_wait3A_102 : memref<1x100000x32xf32, #tpu.memory_space<hbm>> -> memref<100000x32xf32, #tpu.memory_space<hbm>>
    %dma_wait3A_104 = arith.constant 0 : i32
    %dma_wait3A_105 = arith.constant 0 : i32
    %dma_wait3A_106 = tpu.memref_slice %dma_wait3A_103[%dma_wait3A_104, %dma_wait3A_105] : memref<100000x32xf32, #tpu.memory_space<hbm>> -> memref<100000x32xf32, #tpu.memory_space<hbm>>
    tpu.wait_indirect_dma semaphore(%arg19 : memref<!tpu.dma_semaphore, #tpu.memory_space<semaphore_mem>>) src(%dma_wait3A_106 : memref<100000x32xf32, #tpu.memory_space<hbm>>) dst(%arg15 : memref<640x32xf32, #tpu.memory_space<vmem>>)
    %dma_start3A_107 = arith.constant 0 : i32
    %dma_start3A_108 = arith.constant 0 : i32
    %dma_start3A_109 = tpu.memref_slice %arg4[%dma_start3A_107, %dma_start3A_108] : memref<532480x32xf32, #tpu.memory_space<hbm>> -> memref<532480x32xf32, #tpu.memory_space<hbm>>
    tpu.enqueue_indirect_dma source(%arg15 : memref<640x32xf32, #tpu.memory_space<vmem>>) target(%dma_start3A_109 : memref<532480x32xf32, #tpu.memory_space<hbm>>) offsets(%arg11 : memref<640xi32, #tpu.memory_space<vmem>>) semaphore(%arg23 : memref<!tpu.dma_semaphore, #tpu.memory_space<semaphore_mem>>)
    %dma_wait3A_110 = arith.constant 0 : i32
    %dma_wait3A_111 = arith.constant 0 : i32
    %dma_wait3A_112 = tpu.memref_slice %arg4[%dma_wait3A_110, %dma_wait3A_111] : memref<532480x32xf32, #tpu.memory_space<hbm>> -> memref<532480x32xf32, #tpu.memory_space<hbm>>
    tpu.wait_indirect_dma semaphore(%arg22 : memref<!tpu.dma_semaphore, #tpu.memory_space<semaphore_mem>>) src(%arg14 : memref<640x32xf32, #tpu.memory_space<vmem>>) dst(%dma_wait3A_112 : memref<532480x32xf32, #tpu.memory_space<hbm>>)
    %run_scoped3A_113 = arith.constant 5 : i32
    "tpu.region"() ({
      %run_scoped3A_753 = tpu.sem_alloc : memref<!tpu.dma_semaphore, #tpu.memory_space<semaphore_mem>>
      %dma_start3A_754 = arith.constant 0 : i32
      %dma_start3A_755 = tpu.memref_slice %arg2[%run_scoped3A_113, %dma_start3A_754] : memref<26x20480xi32, #tpu.memory_space<hbm>> -> memref<1x20480xi32, #tpu.memory_space<hbm>>
      %dma_start3A_756 = tpu.memref_squeeze %dma_start3A_755 : memref<1x20480xi32, #tpu.memory_space<hbm>> -> memref<20480xi32, #tpu.memory_space<hbm>>
      %dma_start3A_757 = tpu.memref_slice %dma_start3A_756[%mul3A_2] : memref<20480xi32, #tpu.memory_space<hbm>> -> memref<640xi32, #tpu.memory_space<hbm>>
      %dma_start3A_758 = arith.constant 0 : i32
      %dma_start3A_759 = tpu.memref_slice %arg2[%run_scoped3A_113, %dma_start3A_758] : memref<26x20480xi32, #tpu.memory_space<hbm>> -> memref<1x20480xi32, #tpu.memory_space<hbm>>
      %dma_start3A_760 = tpu.memref_squeeze %dma_start3A_759 : memref<1x20480xi32, #tpu.memory_space<hbm>> -> memref<20480xi32, #tpu.memory_space<hbm>>
      %dma_start3A_761 = tpu.memref_slice %dma_start3A_760[%mul3A_2] : memref<20480xi32, #tpu.memory_space<hbm>> -> memref<640xi32, #tpu.memory_space<hbm>>
      tpu.enqueue_dma source(%dma_start3A_761 : memref<640xi32, #tpu.memory_space<hbm>>) target(%arg6 : memref<640xi32, #tpu.memory_space<vmem>>) target_semaphore(%run_scoped3A_753 : memref<!tpu.dma_semaphore, #tpu.memory_space<semaphore_mem>>)
      %dma_wait3A_762 = arith.constant 0 : i32
      %dma_wait3A_763 = tpu.memref_slice %arg2[%run_scoped3A_113, %dma_wait3A_762] : memref<26x20480xi32, #tpu.memory_space<hbm>> -> memref<1x20480xi32, #tpu.memory_space<hbm>>
      %dma_wait3A_764 = tpu.memref_squeeze %dma_wait3A_763 : memref<1x20480xi32, #tpu.memory_space<hbm>> -> memref<20480xi32, #tpu.memory_space<hbm>>
      %dma_wait3A_765 = tpu.memref_slice %dma_wait3A_764[%mul3A_2] : memref<20480xi32, #tpu.memory_space<hbm>> -> memref<640xi32, #tpu.memory_space<hbm>>
      %dma_wait3A_766 = arith.constant 0 : i32
      %dma_wait3A_767 = tpu.memref_slice %arg2[%run_scoped3A_113, %dma_wait3A_766] : memref<26x20480xi32, #tpu.memory_space<hbm>> -> memref<1x20480xi32, #tpu.memory_space<hbm>>
      %dma_wait3A_768 = tpu.memref_squeeze %dma_wait3A_767 : memref<1x20480xi32, #tpu.memory_space<hbm>> -> memref<20480xi32, #tpu.memory_space<hbm>>
      %dma_wait3A_769 = tpu.memref_slice %dma_wait3A_768[%mul3A_2] : memref<20480xi32, #tpu.memory_space<hbm>> -> memref<640xi32, #tpu.memory_space<hbm>>
      tpu.wait_dma2 semaphore(%run_scoped3A_753 : memref<!tpu.dma_semaphore, #tpu.memory_space<semaphore_mem>>) src(%dma_wait3A_769 : memref<640xi32, #tpu.memory_space<hbm>>) dst(%arg6 : memref<640xi32, #tpu.memory_space<vmem>>)
      tpu.yield
    }) : () -> ()
    %scan3A_114 = arith.constant 0 : i32
    %scan3A_115 = arith.constant 0 : i32
    %scan3A_116 = arith.constant 40 : i32
    %scan3A_117 = arith.addi %scan3A_115, %scan3A_116 : i32
    %scan3A_118 = arith.constant 1 : i32
    scf.for %scan3A_753 = %scan3A_115 to %scan3A_117 step %scan3A_118  : i32 {
      %mul3A_754 = arith.constant 16 : i32
      %mul3A_755 = arith.muli %scan3A_753, %mul3A_754 : i32
      %iota3A = tpu.iota {dimensions = array<i32: 0>} : vector<16xi32>
      %add3A_756 = vector.broadcast %mul3A_755 : i32 to vector<16xi32>
      %add3A_757 = arith.addi %add3A_756, %iota3A : vector<16xi32>
      %add3A_758 = vector.broadcast %mul3A_2 : i32 to vector<16xi32>
      %add3A_759 = arith.addi %add3A_758, %add3A_757 : vector<16xi32>
      %mul3A_760 = arith.constant 26 : i32
      %mul3A_761 = vector.broadcast %mul3A_760 : i32 to vector<16xi32>
      %mul3A_762 = arith.muli %add3A_759, %mul3A_761 : vector<16xi32>
      %add3A_763 = arith.constant 5 : i32
      %add3A_764 = vector.broadcast %add3A_763 : i32 to vector<16xi32>
      %add3A_765 = arith.addi %mul3A_762, %add3A_764 : vector<16xi32>
      %mul3A_766 = arith.constant 16 : i32
      %mul3A_767 = arith.muli %scan3A_753, %mul3A_766 : i32
      %swap3A = arith.index_cast %mul3A_767 : i32 to index
      %swap3A_768 = tpu.vector_load %arg10[%swap3A] {strides = array<i32>} : memref<640xi32, #tpu.memory_space<vmem>>, vector<16xi32>,
      %swap3A_769 = vector.shape_cast %swap3A_768 : vector<16xi32> to vector<16xi32>
      %swap3A_770 = vector.shape_cast %add3A_765 : vector<16xi32> to vector<16xi32>
      tpu.vector_store %arg10[%swap3A], %swap3A_770 {strides = array<i32>} : memref<640xi32, #tpu.memory_space<vmem>>, vector<16xi32>,
    }
    %scan3A_119 = arith.constant 40 : i32
    %dma_start3A_120 = arith.constant 5 : i32
    %dma_start3A_121 = arith.constant 0 : i32
    %dma_start3A_122 = arith.constant 0 : i32
    %dma_start3A_123 = tpu.memref_slice %arg3[%dma_start3A_120, %dma_start3A_121, %dma_start3A_122] : memref<26x100000x32xf32, #tpu.memory_space<hbm>> -> memref<1x100000x32xf32, #tpu.memory_space<hbm>>
    %dma_start3A_124 = tpu.memref_squeeze %dma_start3A_123 : memref<1x100000x32xf32, #tpu.memory_space<hbm>> -> memref<100000x32xf32, #tpu.memory_space<hbm>>
    %dma_start3A_125 = arith.constant 0 : i32
    %dma_start3A_126 = arith.constant 0 : i32
    %dma_start3A_127 = tpu.memref_slice %dma_start3A_124[%dma_start3A_125, %dma_start3A_126] : memref<100000x32xf32, #tpu.memory_space<hbm>> -> memref<100000x32xf32, #tpu.memory_space<hbm>>
    tpu.enqueue_indirect_dma source(%dma_start3A_127 : memref<100000x32xf32, #tpu.memory_space<hbm>>) target(%arg14 : memref<640x32xf32, #tpu.memory_space<vmem>>) offsets(%arg6 : memref<640xi32, #tpu.memory_space<vmem>>) semaphore(%arg18 : memref<!tpu.dma_semaphore, #tpu.memory_space<semaphore_mem>>)
    %dma_wait3A_128 = arith.constant 3 : i32
    %dma_wait3A_129 = arith.constant 0 : i32
    %dma_wait3A_130 = arith.constant 0 : i32
    %dma_wait3A_131 = tpu.memref_slice %arg3[%dma_wait3A_128, %dma_wait3A_129, %dma_wait3A_130] : memref<26x100000x32xf32, #tpu.memory_space<hbm>> -> memref<1x100000x32xf32, #tpu.memory_space<hbm>>
    %dma_wait3A_132 = tpu.memref_squeeze %dma_wait3A_131 : memref<1x100000x32xf32, #tpu.memory_space<hbm>> -> memref<100000x32xf32, #tpu.memory_space<hbm>>
    %dma_wait3A_133 = arith.constant 0 : i32
    %dma_wait3A_134 = arith.constant 0 : i32
    %dma_wait3A_135 = tpu.memref_slice %dma_wait3A_132[%dma_wait3A_133, %dma_wait3A_134] : memref<100000x32xf32, #tpu.memory_space<hbm>> -> memref<100000x32xf32, #tpu.memory_space<hbm>>
    tpu.wait_indirect_dma semaphore(%arg20 : memref<!tpu.dma_semaphore, #tpu.memory_space<semaphore_mem>>) src(%dma_wait3A_135 : memref<100000x32xf32, #tpu.memory_space<hbm>>) dst(%arg16 : memref<640x32xf32, #tpu.memory_space<vmem>>)
    %dma_start3A_136 = arith.constant 0 : i32
    %dma_start3A_137 = arith.constant 0 : i32
    %dma_start3A_138 = tpu.memref_slice %arg4[%dma_start3A_136, %dma_start3A_137] : memref<532480x32xf32, #tpu.memory_space<hbm>> -> memref<532480x32xf32, #tpu.memory_space<hbm>>
    tpu.enqueue_indirect_dma source(%arg16 : memref<640x32xf32, #tpu.memory_space<vmem>>) target(%dma_start3A_138 : memref<532480x32xf32, #tpu.memory_space<hbm>>) offsets(%arg12 : memref<640xi32, #tpu.memory_space<vmem>>) semaphore(%arg24 : memref<!tpu.dma_semaphore, #tpu.memory_space<semaphore_mem>>)
    %dma_wait3A_139 = arith.constant 0 : i32
    %dma_wait3A_140 = arith.constant 0 : i32
    %dma_wait3A_141 = tpu.memref_slice %arg4[%dma_wait3A_139, %dma_wait3A_140] : memref<532480x32xf32, #tpu.memory_space<hbm>> -> memref<532480x32xf32, #tpu.memory_space<hbm>>
    tpu.wait_indirect_dma semaphore(%arg23 : memref<!tpu.dma_semaphore, #tpu.memory_space<semaphore_mem>>) src(%arg15 : memref<640x32xf32, #tpu.memory_space<vmem>>) dst(%dma_wait3A_141 : memref<532480x32xf32, #tpu.memory_space<hbm>>)
    %run_scoped3A_142 = arith.constant 6 : i32
    "tpu.region"() ({
      %run_scoped3A_753 = tpu.sem_alloc : memref<!tpu.dma_semaphore, #tpu.memory_space<semaphore_mem>>
      %dma_start3A_754 = arith.constant 0 : i32
      %dma_start3A_755 = tpu.memref_slice %arg2[%run_scoped3A_142, %dma_start3A_754] : memref<26x20480xi32, #tpu.memory_space<hbm>> -> memref<1x20480xi32, #tpu.memory_space<hbm>>
      %dma_start3A_756 = tpu.memref_squeeze %dma_start3A_755 : memref<1x20480xi32, #tpu.memory_space<hbm>> -> memref<20480xi32, #tpu.memory_space<hbm>>
      %dma_start3A_757 = tpu.memref_slice %dma_start3A_756[%mul3A_2] : memref<20480xi32, #tpu.memory_space<hbm>> -> memref<640xi32, #tpu.memory_space<hbm>>
      %dma_start3A_758 = arith.constant 0 : i32
      %dma_start3A_759 = tpu.memref_slice %arg2[%run_scoped3A_142, %dma_start3A_758] : memref<26x20480xi32, #tpu.memory_space<hbm>> -> memref<1x20480xi32, #tpu.memory_space<hbm>>
      %dma_start3A_760 = tpu.memref_squeeze %dma_start3A_759 : memref<1x20480xi32, #tpu.memory_space<hbm>> -> memref<20480xi32, #tpu.memory_space<hbm>>
      %dma_start3A_761 = tpu.memref_slice %dma_start3A_760[%mul3A_2] : memref<20480xi32, #tpu.memory_space<hbm>> -> memref<640xi32, #tpu.memory_space<hbm>>
      tpu.enqueue_dma source(%dma_start3A_761 : memref<640xi32, #tpu.memory_space<hbm>>) target(%arg7 : memref<640xi32, #tpu.memory_space<vmem>>) target_semaphore(%run_scoped3A_753 : memref<!tpu.dma_semaphore, #tpu.memory_space<semaphore_mem>>)
      %dma_wait3A_762 = arith.constant 0 : i32
      %dma_wait3A_763 = tpu.memref_slice %arg2[%run_scoped3A_142, %dma_wait3A_762] : memref<26x20480xi32, #tpu.memory_space<hbm>> -> memref<1x20480xi32, #tpu.memory_space<hbm>>
      %dma_wait3A_764 = tpu.memref_squeeze %dma_wait3A_763 : memref<1x20480xi32, #tpu.memory_space<hbm>> -> memref<20480xi32, #tpu.memory_space<hbm>>
      %dma_wait3A_765 = tpu.memref_slice %dma_wait3A_764[%mul3A_2] : memref<20480xi32, #tpu.memory_space<hbm>> -> memref<640xi32, #tpu.memory_space<hbm>>
      %dma_wait3A_766 = arith.constant 0 : i32
      %dma_wait3A_767 = tpu.memref_slice %arg2[%run_scoped3A_142, %dma_wait3A_766] : memref<26x20480xi32, #tpu.memory_space<hbm>> -> memref<1x20480xi32, #tpu.memory_space<hbm>>
      %dma_wait3A_768 = tpu.memref_squeeze %dma_wait3A_767 : memref<1x20480xi32, #tpu.memory_space<hbm>> -> memref<20480xi32, #tpu.memory_space<hbm>>
      %dma_wait3A_769 = tpu.memref_slice %dma_wait3A_768[%mul3A_2] : memref<20480xi32, #tpu.memory_space<hbm>> -> memref<640xi32, #tpu.memory_space<hbm>>
      tpu.wait_dma2 semaphore(%run_scoped3A_753 : memref<!tpu.dma_semaphore, #tpu.memory_space<semaphore_mem>>) src(%dma_wait3A_769 : memref<640xi32, #tpu.memory_space<hbm>>) dst(%arg7 : memref<640xi32, #tpu.memory_space<vmem>>)
      tpu.yield
    }) : () -> ()
    %scan3A_143 = arith.constant 0 : i32
    %scan3A_144 = arith.constant 0 : i32
    %scan3A_145 = arith.constant 40 : i32
    %scan3A_146 = arith.addi %scan3A_144, %scan3A_145 : i32
    %scan3A_147 = arith.constant 1 : i32
    scf.for %scan3A_753 = %scan3A_144 to %scan3A_146 step %scan3A_147  : i32 {
      %mul3A_754 = arith.constant 16 : i32
      %mul3A_755 = arith.muli %scan3A_753, %mul3A_754 : i32
      %iota3A = tpu.iota {dimensions = array<i32: 0>} : vector<16xi32>
      %add3A_756 = vector.broadcast %mul3A_755 : i32 to vector<16xi32>
      %add3A_757 = arith.addi %add3A_756, %iota3A : vector<16xi32>
      %add3A_758 = vector.broadcast %mul3A_2 : i32 to vector<16xi32>
      %add3A_759 = arith.addi %add3A_758, %add3A_757 : vector<16xi32>
      %mul3A_760 = arith.constant 26 : i32
      %mul3A_761 = vector.broadcast %mul3A_760 : i32 to vector<16xi32>
      %mul3A_762 = arith.muli %add3A_759, %mul3A_761 : vector<16xi32>
      %add3A_763 = arith.constant 6 : i32
      %add3A_764 = vector.broadcast %add3A_763 : i32 to vector<16xi32>
      %add3A_765 = arith.addi %mul3A_762, %add3A_764 : vector<16xi32>
      %mul3A_766 = arith.constant 16 : i32
      %mul3A_767 = arith.muli %scan3A_753, %mul3A_766 : i32
      %swap3A = arith.index_cast %mul3A_767 : i32 to index
      %swap3A_768 = tpu.vector_load %arg11[%swap3A] {strides = array<i32>} : memref<640xi32, #tpu.memory_space<vmem>>, vector<16xi32>,
      %swap3A_769 = vector.shape_cast %swap3A_768 : vector<16xi32> to vector<16xi32>
      %swap3A_770 = vector.shape_cast %add3A_765 : vector<16xi32> to vector<16xi32>
      tpu.vector_store %arg11[%swap3A], %swap3A_770 {strides = array<i32>} : memref<640xi32, #tpu.memory_space<vmem>>, vector<16xi32>,
    }
    %scan3A_148 = arith.constant 40 : i32
    %dma_start3A_149 = arith.constant 6 : i32
    %dma_start3A_150 = arith.constant 0 : i32
    %dma_start3A_151 = arith.constant 0 : i32
    %dma_start3A_152 = tpu.memref_slice %arg3[%dma_start3A_149, %dma_start3A_150, %dma_start3A_151] : memref<26x100000x32xf32, #tpu.memory_space<hbm>> -> memref<1x100000x32xf32, #tpu.memory_space<hbm>>
    %dma_start3A_153 = tpu.memref_squeeze %dma_start3A_152 : memref<1x100000x32xf32, #tpu.memory_space<hbm>> -> memref<100000x32xf32, #tpu.memory_space<hbm>>
    %dma_start3A_154 = arith.constant 0 : i32
    %dma_start3A_155 = arith.constant 0 : i32
    %dma_start3A_156 = tpu.memref_slice %dma_start3A_153[%dma_start3A_154, %dma_start3A_155] : memref<100000x32xf32, #tpu.memory_space<hbm>> -> memref<100000x32xf32, #tpu.memory_space<hbm>>
    tpu.enqueue_indirect_dma source(%dma_start3A_156 : memref<100000x32xf32, #tpu.memory_space<hbm>>) target(%arg15 : memref<640x32xf32, #tpu.memory_space<vmem>>) offsets(%arg7 : memref<640xi32, #tpu.memory_space<vmem>>) semaphore(%arg19 : memref<!tpu.dma_semaphore, #tpu.memory_space<semaphore_mem>>)
    %dma_wait3A_157 = arith.constant 4 : i32
    %dma_wait3A_158 = arith.constant 0 : i32
    %dma_wait3A_159 = arith.constant 0 : i32
    %dma_wait3A_160 = tpu.memref_slice %arg3[%dma_wait3A_157, %dma_wait3A_158, %dma_wait3A_159] : memref<26x100000x32xf32, #tpu.memory_space<hbm>> -> memref<1x100000x32xf32, #tpu.memory_space<hbm>>
    %dma_wait3A_161 = tpu.memref_squeeze %dma_wait3A_160 : memref<1x100000x32xf32, #tpu.memory_space<hbm>> -> memref<100000x32xf32, #tpu.memory_space<hbm>>
    %dma_wait3A_162 = arith.constant 0 : i32
    %dma_wait3A_163 = arith.constant 0 : i32
    %dma_wait3A_164 = tpu.memref_slice %dma_wait3A_161[%dma_wait3A_162, %dma_wait3A_163] : memref<100000x32xf32, #tpu.memory_space<hbm>> -> memref<100000x32xf32, #tpu.memory_space<hbm>>
    tpu.wait_indirect_dma semaphore(%arg17 : memref<!tpu.dma_semaphore, #tpu.memory_space<semaphore_mem>>) src(%dma_wait3A_164 : memref<100000x32xf32, #tpu.memory_space<hbm>>) dst(%arg13 : memref<640x32xf32, #tpu.memory_space<vmem>>)
    %dma_start3A_165 = arith.constant 0 : i32
    %dma_start3A_166 = arith.constant 0 : i32
    %dma_start3A_167 = tpu.memref_slice %arg4[%dma_start3A_165, %dma_start3A_166] : memref<532480x32xf32, #tpu.memory_space<hbm>> -> memref<532480x32xf32, #tpu.memory_space<hbm>>
    tpu.enqueue_indirect_dma source(%arg13 : memref<640x32xf32, #tpu.memory_space<vmem>>) target(%dma_start3A_167 : memref<532480x32xf32, #tpu.memory_space<hbm>>) offsets(%arg9 : memref<640xi32, #tpu.memory_space<vmem>>) semaphore(%arg21 : memref<!tpu.dma_semaphore, #tpu.memory_space<semaphore_mem>>)
    %dma_wait3A_168 = arith.constant 0 : i32
    %dma_wait3A_169 = arith.constant 0 : i32
    %dma_wait3A_170 = tpu.memref_slice %arg4[%dma_wait3A_168, %dma_wait3A_169] : memref<532480x32xf32, #tpu.memory_space<hbm>> -> memref<532480x32xf32, #tpu.memory_space<hbm>>
    tpu.wait_indirect_dma semaphore(%arg24 : memref<!tpu.dma_semaphore, #tpu.memory_space<semaphore_mem>>) src(%arg16 : memref<640x32xf32, #tpu.memory_space<vmem>>) dst(%dma_wait3A_170 : memref<532480x32xf32, #tpu.memory_space<hbm>>)
    %run_scoped3A_171 = arith.constant 7 : i32
    "tpu.region"() ({
      %run_scoped3A_753 = tpu.sem_alloc : memref<!tpu.dma_semaphore, #tpu.memory_space<semaphore_mem>>
      %dma_start3A_754 = arith.constant 0 : i32
      %dma_start3A_755 = tpu.memref_slice %arg2[%run_scoped3A_171, %dma_start3A_754] : memref<26x20480xi32, #tpu.memory_space<hbm>> -> memref<1x20480xi32, #tpu.memory_space<hbm>>
      %dma_start3A_756 = tpu.memref_squeeze %dma_start3A_755 : memref<1x20480xi32, #tpu.memory_space<hbm>> -> memref<20480xi32, #tpu.memory_space<hbm>>
      %dma_start3A_757 = tpu.memref_slice %dma_start3A_756[%mul3A_2] : memref<20480xi32, #tpu.memory_space<hbm>> -> memref<640xi32, #tpu.memory_space<hbm>>
      %dma_start3A_758 = arith.constant 0 : i32
      %dma_start3A_759 = tpu.memref_slice %arg2[%run_scoped3A_171, %dma_start3A_758] : memref<26x20480xi32, #tpu.memory_space<hbm>> -> memref<1x20480xi32, #tpu.memory_space<hbm>>
      %dma_start3A_760 = tpu.memref_squeeze %dma_start3A_759 : memref<1x20480xi32, #tpu.memory_space<hbm>> -> memref<20480xi32, #tpu.memory_space<hbm>>
      %dma_start3A_761 = tpu.memref_slice %dma_start3A_760[%mul3A_2] : memref<20480xi32, #tpu.memory_space<hbm>> -> memref<640xi32, #tpu.memory_space<hbm>>
      tpu.enqueue_dma source(%dma_start3A_761 : memref<640xi32, #tpu.memory_space<hbm>>) target(%arg8 : memref<640xi32, #tpu.memory_space<vmem>>) target_semaphore(%run_scoped3A_753 : memref<!tpu.dma_semaphore, #tpu.memory_space<semaphore_mem>>)
      %dma_wait3A_762 = arith.constant 0 : i32
      %dma_wait3A_763 = tpu.memref_slice %arg2[%run_scoped3A_171, %dma_wait3A_762] : memref<26x20480xi32, #tpu.memory_space<hbm>> -> memref<1x20480xi32, #tpu.memory_space<hbm>>
      %dma_wait3A_764 = tpu.memref_squeeze %dma_wait3A_763 : memref<1x20480xi32, #tpu.memory_space<hbm>> -> memref<20480xi32, #tpu.memory_space<hbm>>
      %dma_wait3A_765 = tpu.memref_slice %dma_wait3A_764[%mul3A_2] : memref<20480xi32, #tpu.memory_space<hbm>> -> memref<640xi32, #tpu.memory_space<hbm>>
      %dma_wait3A_766 = arith.constant 0 : i32
      %dma_wait3A_767 = tpu.memref_slice %arg2[%run_scoped3A_171, %dma_wait3A_766] : memref<26x20480xi32, #tpu.memory_space<hbm>> -> memref<1x20480xi32, #tpu.memory_space<hbm>>
      %dma_wait3A_768 = tpu.memref_squeeze %dma_wait3A_767 : memref<1x20480xi32, #tpu.memory_space<hbm>> -> memref<20480xi32, #tpu.memory_space<hbm>>
      %dma_wait3A_769 = tpu.memref_slice %dma_wait3A_768[%mul3A_2] : memref<20480xi32, #tpu.memory_space<hbm>> -> memref<640xi32, #tpu.memory_space<hbm>>
      tpu.wait_dma2 semaphore(%run_scoped3A_753 : memref<!tpu.dma_semaphore, #tpu.memory_space<semaphore_mem>>) src(%dma_wait3A_769 : memref<640xi32, #tpu.memory_space<hbm>>) dst(%arg8 : memref<640xi32, #tpu.memory_space<vmem>>)
      tpu.yield
    }) : () -> ()
    %scan3A_172 = arith.constant 0 : i32
    %scan3A_173 = arith.constant 0 : i32
    %scan3A_174 = arith.constant 40 : i32
    %scan3A_175 = arith.addi %scan3A_173, %scan3A_174 : i32
    %scan3A_176 = arith.constant 1 : i32
    scf.for %scan3A_753 = %scan3A_173 to %scan3A_175 step %scan3A_176  : i32 {
      %mul3A_754 = arith.constant 16 : i32
      %mul3A_755 = arith.muli %scan3A_753, %mul3A_754 : i32
      %iota3A = tpu.iota {dimensions = array<i32: 0>} : vector<16xi32>
      %add3A_756 = vector.broadcast %mul3A_755 : i32 to vector<16xi32>
      %add3A_757 = arith.addi %add3A_756, %iota3A : vector<16xi32>
      %add3A_758 = vector.broadcast %mul3A_2 : i32 to vector<16xi32>
      %add3A_759 = arith.addi %add3A_758, %add3A_757 : vector<16xi32>
      %mul3A_760 = arith.constant 26 : i32
      %mul3A_761 = vector.broadcast %mul3A_760 : i32 to vector<16xi32>
      %mul3A_762 = arith.muli %add3A_759, %mul3A_761 : vector<16xi32>
      %add3A_763 = arith.constant 7 : i32
      %add3A_764 = vector.broadcast %add3A_763 : i32 to vector<16xi32>
      %add3A_765 = arith.addi %mul3A_762, %add3A_764 : vector<16xi32>
      %mul3A_766 = arith.constant 16 : i32
      %mul3A_767 = arith.muli %scan3A_753, %mul3A_766 : i32
      %swap3A = arith.index_cast %mul3A_767 : i32 to index
      %swap3A_768 = tpu.vector_load %arg12[%swap3A] {strides = array<i32>} : memref<640xi32, #tpu.memory_space<vmem>>, vector<16xi32>,
      %swap3A_769 = vector.shape_cast %swap3A_768 : vector<16xi32> to vector<16xi32>
      %swap3A_770 = vector.shape_cast %add3A_765 : vector<16xi32> to vector<16xi32>
      tpu.vector_store %arg12[%swap3A], %swap3A_770 {strides = array<i32>} : memref<640xi32, #tpu.memory_space<vmem>>, vector<16xi32>,
    }
    %scan3A_177 = arith.constant 40 : i32
    %dma_start3A_178 = arith.constant 7 : i32
    %dma_start3A_179 = arith.constant 0 : i32
    %dma_start3A_180 = arith.constant 0 : i32
    %dma_start3A_181 = tpu.memref_slice %arg3[%dma_start3A_178, %dma_start3A_179, %dma_start3A_180] : memref<26x100000x32xf32, #tpu.memory_space<hbm>> -> memref<1x100000x32xf32, #tpu.memory_space<hbm>>
    %dma_start3A_182 = tpu.memref_squeeze %dma_start3A_181 : memref<1x100000x32xf32, #tpu.memory_space<hbm>> -> memref<100000x32xf32, #tpu.memory_space<hbm>>
    %dma_start3A_183 = arith.constant 0 : i32
    %dma_start3A_184 = arith.constant 0 : i32
    %dma_start3A_185 = tpu.memref_slice %dma_start3A_182[%dma_start3A_183, %dma_start3A_184] : memref<100000x32xf32, #tpu.memory_space<hbm>> -> memref<100000x32xf32, #tpu.memory_space<hbm>>
    tpu.enqueue_indirect_dma source(%dma_start3A_185 : memref<100000x32xf32, #tpu.memory_space<hbm>>) target(%arg16 : memref<640x32xf32, #tpu.memory_space<vmem>>) offsets(%arg8 : memref<640xi32, #tpu.memory_space<vmem>>) semaphore(%arg20 : memref<!tpu.dma_semaphore, #tpu.memory_space<semaphore_mem>>)
    %dma_wait3A_186 = arith.constant 5 : i32
    %dma_wait3A_187 = arith.constant 0 : i32
    %dma_wait3A_188 = arith.constant 0 : i32
    %dma_wait3A_189 = tpu.memref_slice %arg3[%dma_wait3A_186, %dma_wait3A_187, %dma_wait3A_188] : memref<26x100000x32xf32, #tpu.memory_space<hbm>> -> memref<1x100000x32xf32, #tpu.memory_space<hbm>>
    %dma_wait3A_190 = tpu.memref_squeeze %dma_wait3A_189 : memref<1x100000x32xf32, #tpu.memory_space<hbm>> -> memref<100000x32xf32, #tpu.memory_space<hbm>>
    %dma_wait3A_191 = arith.constant 0 : i32
    %dma_wait3A_192 = arith.constant 0 : i32
    %dma_wait3A_193 = tpu.memref_slice %dma_wait3A_190[%dma_wait3A_191, %dma_wait3A_192] : memref<100000x32xf32, #tpu.memory_space<hbm>> -> memref<100000x32xf32, #tpu.memory_space<hbm>>
    tpu.wait_indirect_dma semaphore(%arg18 : memref<!tpu.dma_semaphore, #tpu.memory_space<semaphore_mem>>) src(%dma_wait3A_193 : memref<100000x32xf32, #tpu.memory_space<hbm>>) dst(%arg14 : memref<640x32xf32, #tpu.memory_space<vmem>>)
    %dma_start3A_194 = arith.constant 0 : i32
    %dma_start3A_195 = arith.constant 0 : i32
    %dma_start3A_196 = tpu.memref_slice %arg4[%dma_start3A_194, %dma_start3A_195] : memref<532480x32xf32, #tpu.memory_space<hbm>> -> memref<532480x32xf32, #tpu.memory_space<hbm>>
    tpu.enqueue_indirect_dma source(%arg14 : memref<640x32xf32, #tpu.memory_space<vmem>>) target(%dma_start3A_196 : memref<532480x32xf32, #tpu.memory_space<hbm>>) offsets(%arg10 : memref<640xi32, #tpu.memory_space<vmem>>) semaphore(%arg22 : memref<!tpu.dma_semaphore, #tpu.memory_space<semaphore_mem>>)
    %dma_wait3A_197 = arith.constant 0 : i32
    %dma_wait3A_198 = arith.constant 0 : i32
    %dma_wait3A_199 = tpu.memref_slice %arg4[%dma_wait3A_197, %dma_wait3A_198] : memref<532480x32xf32, #tpu.memory_space<hbm>> -> memref<532480x32xf32, #tpu.memory_space<hbm>>
    tpu.wait_indirect_dma semaphore(%arg21 : memref<!tpu.dma_semaphore, #tpu.memory_space<semaphore_mem>>) src(%arg13 : memref<640x32xf32, #tpu.memory_space<vmem>>) dst(%dma_wait3A_199 : memref<532480x32xf32, #tpu.memory_space<hbm>>)
    %run_scoped3A_200 = arith.constant 8 : i32
    "tpu.region"() ({
      %run_scoped3A_753 = tpu.sem_alloc : memref<!tpu.dma_semaphore, #tpu.memory_space<semaphore_mem>>
      %dma_start3A_754 = arith.constant 0 : i32
      %dma_start3A_755 = tpu.memref_slice %arg2[%run_scoped3A_200, %dma_start3A_754] : memref<26x20480xi32, #tpu.memory_space<hbm>> -> memref<1x20480xi32, #tpu.memory_space<hbm>>
      %dma_start3A_756 = tpu.memref_squeeze %dma_start3A_755 : memref<1x20480xi32, #tpu.memory_space<hbm>> -> memref<20480xi32, #tpu.memory_space<hbm>>
      %dma_start3A_757 = tpu.memref_slice %dma_start3A_756[%mul3A_2] : memref<20480xi32, #tpu.memory_space<hbm>> -> memref<640xi32, #tpu.memory_space<hbm>>
      %dma_start3A_758 = arith.constant 0 : i32
      %dma_start3A_759 = tpu.memref_slice %arg2[%run_scoped3A_200, %dma_start3A_758] : memref<26x20480xi32, #tpu.memory_space<hbm>> -> memref<1x20480xi32, #tpu.memory_space<hbm>>
      %dma_start3A_760 = tpu.memref_squeeze %dma_start3A_759 : memref<1x20480xi32, #tpu.memory_space<hbm>> -> memref<20480xi32, #tpu.memory_space<hbm>>
      %dma_start3A_761 = tpu.memref_slice %dma_start3A_760[%mul3A_2] : memref<20480xi32, #tpu.memory_space<hbm>> -> memref<640xi32, #tpu.memory_space<hbm>>
      tpu.enqueue_dma source(%dma_start3A_761 : memref<640xi32, #tpu.memory_space<hbm>>) target(%arg5 : memref<640xi32, #tpu.memory_space<vmem>>) target_semaphore(%run_scoped3A_753 : memref<!tpu.dma_semaphore, #tpu.memory_space<semaphore_mem>>)
      %dma_wait3A_762 = arith.constant 0 : i32
      %dma_wait3A_763 = tpu.memref_slice %arg2[%run_scoped3A_200, %dma_wait3A_762] : memref<26x20480xi32, #tpu.memory_space<hbm>> -> memref<1x20480xi32, #tpu.memory_space<hbm>>
      %dma_wait3A_764 = tpu.memref_squeeze %dma_wait3A_763 : memref<1x20480xi32, #tpu.memory_space<hbm>> -> memref<20480xi32, #tpu.memory_space<hbm>>
      %dma_wait3A_765 = tpu.memref_slice %dma_wait3A_764[%mul3A_2] : memref<20480xi32, #tpu.memory_space<hbm>> -> memref<640xi32, #tpu.memory_space<hbm>>
      %dma_wait3A_766 = arith.constant 0 : i32
      %dma_wait3A_767 = tpu.memref_slice %arg2[%run_scoped3A_200, %dma_wait3A_766] : memref<26x20480xi32, #tpu.memory_space<hbm>> -> memref<1x20480xi32, #tpu.memory_space<hbm>>
      %dma_wait3A_768 = tpu.memref_squeeze %dma_wait3A_767 : memref<1x20480xi32, #tpu.memory_space<hbm>> -> memref<20480xi32, #tpu.memory_space<hbm>>
      %dma_wait3A_769 = tpu.memref_slice %dma_wait3A_768[%mul3A_2] : memref<20480xi32, #tpu.memory_space<hbm>> -> memref<640xi32, #tpu.memory_space<hbm>>
      tpu.wait_dma2 semaphore(%run_scoped3A_753 : memref<!tpu.dma_semaphore, #tpu.memory_space<semaphore_mem>>) src(%dma_wait3A_769 : memref<640xi32, #tpu.memory_space<hbm>>) dst(%arg5 : memref<640xi32, #tpu.memory_space<vmem>>)
      tpu.yield
    }) : () -> ()
    %scan3A_201 = arith.constant 0 : i32
    %scan3A_202 = arith.constant 0 : i32
    %scan3A_203 = arith.constant 40 : i32
    %scan3A_204 = arith.addi %scan3A_202, %scan3A_203 : i32
    %scan3A_205 = arith.constant 1 : i32
    scf.for %scan3A_753 = %scan3A_202 to %scan3A_204 step %scan3A_205  : i32 {
      %mul3A_754 = arith.constant 16 : i32
      %mul3A_755 = arith.muli %scan3A_753, %mul3A_754 : i32
      %iota3A = tpu.iota {dimensions = array<i32: 0>} : vector<16xi32>
      %add3A_756 = vector.broadcast %mul3A_755 : i32 to vector<16xi32>
      %add3A_757 = arith.addi %add3A_756, %iota3A : vector<16xi32>
      %add3A_758 = vector.broadcast %mul3A_2 : i32 to vector<16xi32>
      %add3A_759 = arith.addi %add3A_758, %add3A_757 : vector<16xi32>
      %mul3A_760 = arith.constant 26 : i32
      %mul3A_761 = vector.broadcast %mul3A_760 : i32 to vector<16xi32>
      %mul3A_762 = arith.muli %add3A_759, %mul3A_761 : vector<16xi32>
      %add3A_763 = arith.constant 8 : i32
      %add3A_764 = vector.broadcast %add3A_763 : i32 to vector<16xi32>
      %add3A_765 = arith.addi %mul3A_762, %add3A_764 : vector<16xi32>
      %mul3A_766 = arith.constant 16 : i32
      %mul3A_767 = arith.muli %scan3A_753, %mul3A_766 : i32
      %swap3A = arith.index_cast %mul3A_767 : i32 to index
      %swap3A_768 = tpu.vector_load %arg9[%swap3A] {strides = array<i32>} : memref<640xi32, #tpu.memory_space<vmem>>, vector<16xi32>,
      %swap3A_769 = vector.shape_cast %swap3A_768 : vector<16xi32> to vector<16xi32>
      %swap3A_770 = vector.shape_cast %add3A_765 : vector<16xi32> to vector<16xi32>
      tpu.vector_store %arg9[%swap3A], %swap3A_770 {strides = array<i32>} : memref<640xi32, #tpu.memory_space<vmem>>, vector<16xi32>,
    }
    %scan3A_206 = arith.constant 40 : i32
    %dma_start3A_207 = arith.constant 8 : i32
    %dma_start3A_208 = arith.constant 0 : i32
    %dma_start3A_209 = arith.constant 0 : i32
    %dma_start3A_210 = tpu.memref_slice %arg3[%dma_start3A_207, %dma_start3A_208, %dma_start3A_209] : memref<26x100000x32xf32, #tpu.memory_space<hbm>> -> memref<1x100000x32xf32, #tpu.memory_space<hbm>>
    %dma_start3A_211 = tpu.memref_squeeze %dma_start3A_210 : memref<1x100000x32xf32, #tpu.memory_space<hbm>> -> memref<100000x32xf32, #tpu.memory_space<hbm>>
    %dma_start3A_212 = arith.constant 0 : i32
    %dma_start3A_213 = arith.constant 0 : i32
    %dma_start3A_214 = tpu.memref_slice %dma_start3A_211[%dma_start3A_212, %dma_start3A_213] : memref<100000x32xf32, #tpu.memory_space<hbm>> -> memref<100000x32xf32, #tpu.memory_space<hbm>>
    tpu.enqueue_indirect_dma source(%dma_start3A_214 : memref<100000x32xf32, #tpu.memory_space<hbm>>) target(%arg13 : memref<640x32xf32, #tpu.memory_space<vmem>>) offsets(%arg5 : memref<640xi32, #tpu.memory_space<vmem>>) semaphore(%arg17 : memref<!tpu.dma_semaphore, #tpu.memory_space<semaphore_mem>>)
    %dma_wait3A_215 = arith.constant 6 : i32
    %dma_wait3A_216 = arith.constant 0 : i32
    %dma_wait3A_217 = arith.constant 0 : i32
    %dma_wait3A_218 = tpu.memref_slice %arg3[%dma_wait3A_215, %dma_wait3A_216, %dma_wait3A_217] : memref<26x100000x32xf32, #tpu.memory_space<hbm>> -> memref<1x100000x32xf32, #tpu.memory_space<hbm>>
    %dma_wait3A_219 = tpu.memref_squeeze %dma_wait3A_218 : memref<1x100000x32xf32, #tpu.memory_space<hbm>> -> memref<100000x32xf32, #tpu.memory_space<hbm>>
    %dma_wait3A_220 = arith.constant 0 : i32
    %dma_wait3A_221 = arith.constant 0 : i32
    %dma_wait3A_222 = tpu.memref_slice %dma_wait3A_219[%dma_wait3A_220, %dma_wait3A_221] : memref<100000x32xf32, #tpu.memory_space<hbm>> -> memref<100000x32xf32, #tpu.memory_space<hbm>>
    tpu.wait_indirect_dma semaphore(%arg19 : memref<!tpu.dma_semaphore, #tpu.memory_space<semaphore_mem>>) src(%dma_wait3A_222 : memref<100000x32xf32, #tpu.memory_space<hbm>>) dst(%arg15 : memref<640x32xf32, #tpu.memory_space<vmem>>)
    %dma_start3A_223 = arith.constant 0 : i32
    %dma_start3A_224 = arith.constant 0 : i32
    %dma_start3A_225 = tpu.memref_slice %arg4[%dma_start3A_223, %dma_start3A_224] : memref<532480x32xf32, #tpu.memory_space<hbm>> -> memref<532480x32xf32, #tpu.memory_space<hbm>>
    tpu.enqueue_indirect_dma source(%arg15 : memref<640x32xf32, #tpu.memory_space<vmem>>) target(%dma_start3A_225 : memref<532480x32xf32, #tpu.memory_space<hbm>>) offsets(%arg11 : memref<640xi32, #tpu.memory_space<vmem>>) semaphore(%arg23 : memref<!tpu.dma_semaphore, #tpu.memory_space<semaphore_mem>>)
    %dma_wait3A_226 = arith.constant 0 : i32
    %dma_wait3A_227 = arith.constant 0 : i32
    %dma_wait3A_228 = tpu.memref_slice %arg4[%dma_wait3A_226, %dma_wait3A_227] : memref<532480x32xf32, #tpu.memory_space<hbm>> -> memref<532480x32xf32, #tpu.memory_space<hbm>>
    tpu.wait_indirect_dma semaphore(%arg22 : memref<!tpu.dma_semaphore, #tpu.memory_space<semaphore_mem>>) src(%arg14 : memref<640x32xf32, #tpu.memory_space<vmem>>) dst(%dma_wait3A_228 : memref<532480x32xf32, #tpu.memory_space<hbm>>)
    %run_scoped3A_229 = arith.constant 9 : i32
    "tpu.region"() ({
      %run_scoped3A_753 = tpu.sem_alloc : memref<!tpu.dma_semaphore, #tpu.memory_space<semaphore_mem>>
      %dma_start3A_754 = arith.constant 0 : i32
      %dma_start3A_755 = tpu.memref_slice %arg2[%run_scoped3A_229, %dma_start3A_754] : memref<26x20480xi32, #tpu.memory_space<hbm>> -> memref<1x20480xi32, #tpu.memory_space<hbm>>
      %dma_start3A_756 = tpu.memref_squeeze %dma_start3A_755 : memref<1x20480xi32, #tpu.memory_space<hbm>> -> memref<20480xi32, #tpu.memory_space<hbm>>
      %dma_start3A_757 = tpu.memref_slice %dma_start3A_756[%mul3A_2] : memref<20480xi32, #tpu.memory_space<hbm>> -> memref<640xi32, #tpu.memory_space<hbm>>
      %dma_start3A_758 = arith.constant 0 : i32
      %dma_start3A_759 = tpu.memref_slice %arg2[%run_scoped3A_229, %dma_start3A_758] : memref<26x20480xi32, #tpu.memory_space<hbm>> -> memref<1x20480xi32, #tpu.memory_space<hbm>>
      %dma_start3A_760 = tpu.memref_squeeze %dma_start3A_759 : memref<1x20480xi32, #tpu.memory_space<hbm>> -> memref<20480xi32, #tpu.memory_space<hbm>>
      %dma_start3A_761 = tpu.memref_slice %dma_start3A_760[%mul3A_2] : memref<20480xi32, #tpu.memory_space<hbm>> -> memref<640xi32, #tpu.memory_space<hbm>>
      tpu.enqueue_dma source(%dma_start3A_761 : memref<640xi32, #tpu.memory_space<hbm>>) target(%arg6 : memref<640xi32, #tpu.memory_space<vmem>>) target_semaphore(%run_scoped3A_753 : memref<!tpu.dma_semaphore, #tpu.memory_space<semaphore_mem>>)
      %dma_wait3A_762 = arith.constant 0 : i32
      %dma_wait3A_763 = tpu.memref_slice %arg2[%run_scoped3A_229, %dma_wait3A_762] : memref<26x20480xi32, #tpu.memory_space<hbm>> -> memref<1x20480xi32, #tpu.memory_space<hbm>>
      %dma_wait3A_764 = tpu.memref_squeeze %dma_wait3A_763 : memref<1x20480xi32, #tpu.memory_space<hbm>> -> memref<20480xi32, #tpu.memory_space<hbm>>
      %dma_wait3A_765 = tpu.memref_slice %dma_wait3A_764[%mul3A_2] : memref<20480xi32, #tpu.memory_space<hbm>> -> memref<640xi32, #tpu.memory_space<hbm>>
      %dma_wait3A_766 = arith.constant 0 : i32
      %dma_wait3A_767 = tpu.memref_slice %arg2[%run_scoped3A_229, %dma_wait3A_766] : memref<26x20480xi32, #tpu.memory_space<hbm>> -> memref<1x20480xi32, #tpu.memory_space<hbm>>
      %dma_wait3A_768 = tpu.memref_squeeze %dma_wait3A_767 : memref<1x20480xi32, #tpu.memory_space<hbm>> -> memref<20480xi32, #tpu.memory_space<hbm>>
      %dma_wait3A_769 = tpu.memref_slice %dma_wait3A_768[%mul3A_2] : memref<20480xi32, #tpu.memory_space<hbm>> -> memref<640xi32, #tpu.memory_space<hbm>>
      tpu.wait_dma2 semaphore(%run_scoped3A_753 : memref<!tpu.dma_semaphore, #tpu.memory_space<semaphore_mem>>) src(%dma_wait3A_769 : memref<640xi32, #tpu.memory_space<hbm>>) dst(%arg6 : memref<640xi32, #tpu.memory_space<vmem>>)
      tpu.yield
    }) : () -> ()
    %scan3A_230 = arith.constant 0 : i32
    %scan3A_231 = arith.constant 0 : i32
    %scan3A_232 = arith.constant 40 : i32
    %scan3A_233 = arith.addi %scan3A_231, %scan3A_232 : i32
    %scan3A_234 = arith.constant 1 : i32
    scf.for %scan3A_753 = %scan3A_231 to %scan3A_233 step %scan3A_234  : i32 {
      %mul3A_754 = arith.constant 16 : i32
      %mul3A_755 = arith.muli %scan3A_753, %mul3A_754 : i32
      %iota3A = tpu.iota {dimensions = array<i32: 0>} : vector<16xi32>
      %add3A_756 = vector.broadcast %mul3A_755 : i32 to vector<16xi32>
      %add3A_757 = arith.addi %add3A_756, %iota3A : vector<16xi32>
      %add3A_758 = vector.broadcast %mul3A_2 : i32 to vector<16xi32>
      %add3A_759 = arith.addi %add3A_758, %add3A_757 : vector<16xi32>
      %mul3A_760 = arith.constant 26 : i32
      %mul3A_761 = vector.broadcast %mul3A_760 : i32 to vector<16xi32>
      %mul3A_762 = arith.muli %add3A_759, %mul3A_761 : vector<16xi32>
      %add3A_763 = arith.constant 9 : i32
      %add3A_764 = vector.broadcast %add3A_763 : i32 to vector<16xi32>
      %add3A_765 = arith.addi %mul3A_762, %add3A_764 : vector<16xi32>
      %mul3A_766 = arith.constant 16 : i32
      %mul3A_767 = arith.muli %scan3A_753, %mul3A_766 : i32
      %swap3A = arith.index_cast %mul3A_767 : i32 to index
      %swap3A_768 = tpu.vector_load %arg10[%swap3A] {strides = array<i32>} : memref<640xi32, #tpu.memory_space<vmem>>, vector<16xi32>,
      %swap3A_769 = vector.shape_cast %swap3A_768 : vector<16xi32> to vector<16xi32>
      %swap3A_770 = vector.shape_cast %add3A_765 : vector<16xi32> to vector<16xi32>
      tpu.vector_store %arg10[%swap3A], %swap3A_770 {strides = array<i32>} : memref<640xi32, #tpu.memory_space<vmem>>, vector<16xi32>,
    }
    %scan3A_235 = arith.constant 40 : i32
    %dma_start3A_236 = arith.constant 9 : i32
    %dma_start3A_237 = arith.constant 0 : i32
    %dma_start3A_238 = arith.constant 0 : i32
    %dma_start3A_239 = tpu.memref_slice %arg3[%dma_start3A_236, %dma_start3A_237, %dma_start3A_238] : memref<26x100000x32xf32, #tpu.memory_space<hbm>> -> memref<1x100000x32xf32, #tpu.memory_space<hbm>>
    %dma_start3A_240 = tpu.memref_squeeze %dma_start3A_239 : memref<1x100000x32xf32, #tpu.memory_space<hbm>> -> memref<100000x32xf32, #tpu.memory_space<hbm>>
    %dma_start3A_241 = arith.constant 0 : i32
    %dma_start3A_242 = arith.constant 0 : i32
    %dma_start3A_243 = tpu.memref_slice %dma_start3A_240[%dma_start3A_241, %dma_start3A_242] : memref<100000x32xf32, #tpu.memory_space<hbm>> -> memref<100000x32xf32, #tpu.memory_space<hbm>>
    tpu.enqueue_indirect_dma source(%dma_start3A_243 : memref<100000x32xf32, #tpu.memory_space<hbm>>) target(%arg14 : memref<640x32xf32, #tpu.memory_space<vmem>>) offsets(%arg6 : memref<640xi32, #tpu.memory_space<vmem>>) semaphore(%arg18 : memref<!tpu.dma_semaphore, #tpu.memory_space<semaphore_mem>>)
    %dma_wait3A_244 = arith.constant 7 : i32
    %dma_wait3A_245 = arith.constant 0 : i32
    %dma_wait3A_246 = arith.constant 0 : i32
    %dma_wait3A_247 = tpu.memref_slice %arg3[%dma_wait3A_244, %dma_wait3A_245, %dma_wait3A_246] : memref<26x100000x32xf32, #tpu.memory_space<hbm>> -> memref<1x100000x32xf32, #tpu.memory_space<hbm>>
    %dma_wait3A_248 = tpu.memref_squeeze %dma_wait3A_247 : memref<1x100000x32xf32, #tpu.memory_space<hbm>> -> memref<100000x32xf32, #tpu.memory_space<hbm>>
    %dma_wait3A_249 = arith.constant 0 : i32
    %dma_wait3A_250 = arith.constant 0 : i32
    %dma_wait3A_251 = tpu.memref_slice %dma_wait3A_248[%dma_wait3A_249, %dma_wait3A_250] : memref<100000x32xf32, #tpu.memory_space<hbm>> -> memref<100000x32xf32, #tpu.memory_space<hbm>>
    tpu.wait_indirect_dma semaphore(%arg20 : memref<!tpu.dma_semaphore, #tpu.memory_space<semaphore_mem>>) src(%dma_wait3A_251 : memref<100000x32xf32, #tpu.memory_space<hbm>>) dst(%arg16 : memref<640x32xf32, #tpu.memory_space<vmem>>)
    %dma_start3A_252 = arith.constant 0 : i32
    %dma_start3A_253 = arith.constant 0 : i32
    %dma_start3A_254 = tpu.memref_slice %arg4[%dma_start3A_252, %dma_start3A_253] : memref<532480x32xf32, #tpu.memory_space<hbm>> -> memref<532480x32xf32, #tpu.memory_space<hbm>>
    tpu.enqueue_indirect_dma source(%arg16 : memref<640x32xf32, #tpu.memory_space<vmem>>) target(%dma_start3A_254 : memref<532480x32xf32, #tpu.memory_space<hbm>>) offsets(%arg12 : memref<640xi32, #tpu.memory_space<vmem>>) semaphore(%arg24 : memref<!tpu.dma_semaphore, #tpu.memory_space<semaphore_mem>>)
    %dma_wait3A_255 = arith.constant 0 : i32
    %dma_wait3A_256 = arith.constant 0 : i32
    %dma_wait3A_257 = tpu.memref_slice %arg4[%dma_wait3A_255, %dma_wait3A_256] : memref<532480x32xf32, #tpu.memory_space<hbm>> -> memref<532480x32xf32, #tpu.memory_space<hbm>>
    tpu.wait_indirect_dma semaphore(%arg23 : memref<!tpu.dma_semaphore, #tpu.memory_space<semaphore_mem>>) src(%arg15 : memref<640x32xf32, #tpu.memory_space<vmem>>) dst(%dma_wait3A_257 : memref<532480x32xf32, #tpu.memory_space<hbm>>)
    %run_scoped3A_258 = arith.constant 10 : i32
    "tpu.region"() ({
      %run_scoped3A_753 = tpu.sem_alloc : memref<!tpu.dma_semaphore, #tpu.memory_space<semaphore_mem>>
      %dma_start3A_754 = arith.constant 0 : i32
      %dma_start3A_755 = tpu.memref_slice %arg2[%run_scoped3A_258, %dma_start3A_754] : memref<26x20480xi32, #tpu.memory_space<hbm>> -> memref<1x20480xi32, #tpu.memory_space<hbm>>
      %dma_start3A_756 = tpu.memref_squeeze %dma_start3A_755 : memref<1x20480xi32, #tpu.memory_space<hbm>> -> memref<20480xi32, #tpu.memory_space<hbm>>
      %dma_start3A_757 = tpu.memref_slice %dma_start3A_756[%mul3A_2] : memref<20480xi32, #tpu.memory_space<hbm>> -> memref<640xi32, #tpu.memory_space<hbm>>
      %dma_start3A_758 = arith.constant 0 : i32
      %dma_start3A_759 = tpu.memref_slice %arg2[%run_scoped3A_258, %dma_start3A_758] : memref<26x20480xi32, #tpu.memory_space<hbm>> -> memref<1x20480xi32, #tpu.memory_space<hbm>>
      %dma_start3A_760 = tpu.memref_squeeze %dma_start3A_759 : memref<1x20480xi32, #tpu.memory_space<hbm>> -> memref<20480xi32, #tpu.memory_space<hbm>>
      %dma_start3A_761 = tpu.memref_slice %dma_start3A_760[%mul3A_2] : memref<20480xi32, #tpu.memory_space<hbm>> -> memref<640xi32, #tpu.memory_space<hbm>>
      tpu.enqueue_dma source(%dma_start3A_761 : memref<640xi32, #tpu.memory_space<hbm>>) target(%arg7 : memref<640xi32, #tpu.memory_space<vmem>>) target_semaphore(%run_scoped3A_753 : memref<!tpu.dma_semaphore, #tpu.memory_space<semaphore_mem>>)
      %dma_wait3A_762 = arith.constant 0 : i32
      %dma_wait3A_763 = tpu.memref_slice %arg2[%run_scoped3A_258, %dma_wait3A_762] : memref<26x20480xi32, #tpu.memory_space<hbm>> -> memref<1x20480xi32, #tpu.memory_space<hbm>>
      %dma_wait3A_764 = tpu.memref_squeeze %dma_wait3A_763 : memref<1x20480xi32, #tpu.memory_space<hbm>> -> memref<20480xi32, #tpu.memory_space<hbm>>
      %dma_wait3A_765 = tpu.memref_slice %dma_wait3A_764[%mul3A_2] : memref<20480xi32, #tpu.memory_space<hbm>> -> memref<640xi32, #tpu.memory_space<hbm>>
      %dma_wait3A_766 = arith.constant 0 : i32
      %dma_wait3A_767 = tpu.memref_slice %arg2[%run_scoped3A_258, %dma_wait3A_766] : memref<26x20480xi32, #tpu.memory_space<hbm>> -> memref<1x20480xi32, #tpu.memory_space<hbm>>
      %dma_wait3A_768 = tpu.memref_squeeze %dma_wait3A_767 : memref<1x20480xi32, #tpu.memory_space<hbm>> -> memref<20480xi32, #tpu.memory_space<hbm>>
      %dma_wait3A_769 = tpu.memref_slice %dma_wait3A_768[%mul3A_2] : memref<20480xi32, #tpu.memory_space<hbm>> -> memref<640xi32, #tpu.memory_space<hbm>>
      tpu.wait_dma2 semaphore(%run_scoped3A_753 : memref<!tpu.dma_semaphore, #tpu.memory_space<semaphore_mem>>) src(%dma_wait3A_769 : memref<640xi32, #tpu.memory_space<hbm>>) dst(%arg7 : memref<640xi32, #tpu.memory_space<vmem>>)
      tpu.yield
    }) : () -> ()
    %scan3A_259 = arith.constant 0 : i32
    %scan3A_260 = arith.constant 0 : i32
    %scan3A_261 = arith.constant 40 : i32
    %scan3A_262 = arith.addi %scan3A_260, %scan3A_261 : i32
    %scan3A_263 = arith.constant 1 : i32
    scf.for %scan3A_753 = %scan3A_260 to %scan3A_262 step %scan3A_263  : i32 {
      %mul3A_754 = arith.constant 16 : i32
      %mul3A_755 = arith.muli %scan3A_753, %mul3A_754 : i32
      %iota3A = tpu.iota {dimensions = array<i32: 0>} : vector<16xi32>
      %add3A_756 = vector.broadcast %mul3A_755 : i32 to vector<16xi32>
      %add3A_757 = arith.addi %add3A_756, %iota3A : vector<16xi32>
      %add3A_758 = vector.broadcast %mul3A_2 : i32 to vector<16xi32>
      %add3A_759 = arith.addi %add3A_758, %add3A_757 : vector<16xi32>
      %mul3A_760 = arith.constant 26 : i32
      %mul3A_761 = vector.broadcast %mul3A_760 : i32 to vector<16xi32>
      %mul3A_762 = arith.muli %add3A_759, %mul3A_761 : vector<16xi32>
      %add3A_763 = arith.constant 10 : i32
      %add3A_764 = vector.broadcast %add3A_763 : i32 to vector<16xi32>
      %add3A_765 = arith.addi %mul3A_762, %add3A_764 : vector<16xi32>
      %mul3A_766 = arith.constant 16 : i32
      %mul3A_767 = arith.muli %scan3A_753, %mul3A_766 : i32
      %swap3A = arith.index_cast %mul3A_767 : i32 to index
      %swap3A_768 = tpu.vector_load %arg11[%swap3A] {strides = array<i32>} : memref<640xi32, #tpu.memory_space<vmem>>, vector<16xi32>,
      %swap3A_769 = vector.shape_cast %swap3A_768 : vector<16xi32> to vector<16xi32>
      %swap3A_770 = vector.shape_cast %add3A_765 : vector<16xi32> to vector<16xi32>
      tpu.vector_store %arg11[%swap3A], %swap3A_770 {strides = array<i32>} : memref<640xi32, #tpu.memory_space<vmem>>, vector<16xi32>,
    }
    %scan3A_264 = arith.constant 40 : i32
    %dma_start3A_265 = arith.constant 10 : i32
    %dma_start3A_266 = arith.constant 0 : i32
    %dma_start3A_267 = arith.constant 0 : i32
    %dma_start3A_268 = tpu.memref_slice %arg3[%dma_start3A_265, %dma_start3A_266, %dma_start3A_267] : memref<26x100000x32xf32, #tpu.memory_space<hbm>> -> memref<1x100000x32xf32, #tpu.memory_space<hbm>>
    %dma_start3A_269 = tpu.memref_squeeze %dma_start3A_268 : memref<1x100000x32xf32, #tpu.memory_space<hbm>> -> memref<100000x32xf32, #tpu.memory_space<hbm>>
    %dma_start3A_270 = arith.constant 0 : i32
    %dma_start3A_271 = arith.constant 0 : i32
    %dma_start3A_272 = tpu.memref_slice %dma_start3A_269[%dma_start3A_270, %dma_start3A_271] : memref<100000x32xf32, #tpu.memory_space<hbm>> -> memref<100000x32xf32, #tpu.memory_space<hbm>>
    tpu.enqueue_indirect_dma source(%dma_start3A_272 : memref<100000x32xf32, #tpu.memory_space<hbm>>) target(%arg15 : memref<640x32xf32, #tpu.memory_space<vmem>>) offsets(%arg7 : memref<640xi32, #tpu.memory_space<vmem>>) semaphore(%arg19 : memref<!tpu.dma_semaphore, #tpu.memory_space<semaphore_mem>>)
    %dma_wait3A_273 = arith.constant 8 : i32
    %dma_wait3A_274 = arith.constant 0 : i32
    %dma_wait3A_275 = arith.constant 0 : i32
    %dma_wait3A_276 = tpu.memref_slice %arg3[%dma_wait3A_273, %dma_wait3A_274, %dma_wait3A_275] : memref<26x100000x32xf32, #tpu.memory_space<hbm>> -> memref<1x100000x32xf32, #tpu.memory_space<hbm>>
    %dma_wait3A_277 = tpu.memref_squeeze %dma_wait3A_276 : memref<1x100000x32xf32, #tpu.memory_space<hbm>> -> memref<100000x32xf32, #tpu.memory_space<hbm>>
    %dma_wait3A_278 = arith.constant 0 : i32
    %dma_wait3A_279 = arith.constant 0 : i32
    %dma_wait3A_280 = tpu.memref_slice %dma_wait3A_277[%dma_wait3A_278, %dma_wait3A_279] : memref<100000x32xf32, #tpu.memory_space<hbm>> -> memref<100000x32xf32, #tpu.memory_space<hbm>>
    tpu.wait_indirect_dma semaphore(%arg17 : memref<!tpu.dma_semaphore, #tpu.memory_space<semaphore_mem>>) src(%dma_wait3A_280 : memref<100000x32xf32, #tpu.memory_space<hbm>>) dst(%arg13 : memref<640x32xf32, #tpu.memory_space<vmem>>)
    %dma_start3A_281 = arith.constant 0 : i32
    %dma_start3A_282 = arith.constant 0 : i32
    %dma_start3A_283 = tpu.memref_slice %arg4[%dma_start3A_281, %dma_start3A_282] : memref<532480x32xf32, #tpu.memory_space<hbm>> -> memref<532480x32xf32, #tpu.memory_space<hbm>>
    tpu.enqueue_indirect_dma source(%arg13 : memref<640x32xf32, #tpu.memory_space<vmem>>) target(%dma_start3A_283 : memref<532480x32xf32, #tpu.memory_space<hbm>>) offsets(%arg9 : memref<640xi32, #tpu.memory_space<vmem>>) semaphore(%arg21 : memref<!tpu.dma_semaphore, #tpu.memory_space<semaphore_mem>>)
    %dma_wait3A_284 = arith.constant 0 : i32
    %dma_wait3A_285 = arith.constant 0 : i32
    %dma_wait3A_286 = tpu.memref_slice %arg4[%dma_wait3A_284, %dma_wait3A_285] : memref<532480x32xf32, #tpu.memory_space<hbm>> -> memref<532480x32xf32, #tpu.memory_space<hbm>>
    tpu.wait_indirect_dma semaphore(%arg24 : memref<!tpu.dma_semaphore, #tpu.memory_space<semaphore_mem>>) src(%arg16 : memref<640x32xf32, #tpu.memory_space<vmem>>) dst(%dma_wait3A_286 : memref<532480x32xf32, #tpu.memory_space<hbm>>)
    %run_scoped3A_287 = arith.constant 11 : i32
    "tpu.region"() ({
      %run_scoped3A_753 = tpu.sem_alloc : memref<!tpu.dma_semaphore, #tpu.memory_space<semaphore_mem>>
      %dma_start3A_754 = arith.constant 0 : i32
      %dma_start3A_755 = tpu.memref_slice %arg2[%run_scoped3A_287, %dma_start3A_754] : memref<26x20480xi32, #tpu.memory_space<hbm>> -> memref<1x20480xi32, #tpu.memory_space<hbm>>
      %dma_start3A_756 = tpu.memref_squeeze %dma_start3A_755 : memref<1x20480xi32, #tpu.memory_space<hbm>> -> memref<20480xi32, #tpu.memory_space<hbm>>
      %dma_start3A_757 = tpu.memref_slice %dma_start3A_756[%mul3A_2] : memref<20480xi32, #tpu.memory_space<hbm>> -> memref<640xi32, #tpu.memory_space<hbm>>
      %dma_start3A_758 = arith.constant 0 : i32
      %dma_start3A_759 = tpu.memref_slice %arg2[%run_scoped3A_287, %dma_start3A_758] : memref<26x20480xi32, #tpu.memory_space<hbm>> -> memref<1x20480xi32, #tpu.memory_space<hbm>>
      %dma_start3A_760 = tpu.memref_squeeze %dma_start3A_759 : memref<1x20480xi32, #tpu.memory_space<hbm>> -> memref<20480xi32, #tpu.memory_space<hbm>>
      %dma_start3A_761 = tpu.memref_slice %dma_start3A_760[%mul3A_2] : memref<20480xi32, #tpu.memory_space<hbm>> -> memref<640xi32, #tpu.memory_space<hbm>>
      tpu.enqueue_dma source(%dma_start3A_761 : memref<640xi32, #tpu.memory_space<hbm>>) target(%arg8 : memref<640xi32, #tpu.memory_space<vmem>>) target_semaphore(%run_scoped3A_753 : memref<!tpu.dma_semaphore, #tpu.memory_space<semaphore_mem>>)
      %dma_wait3A_762 = arith.constant 0 : i32
      %dma_wait3A_763 = tpu.memref_slice %arg2[%run_scoped3A_287, %dma_wait3A_762] : memref<26x20480xi32, #tpu.memory_space<hbm>> -> memref<1x20480xi32, #tpu.memory_space<hbm>>
      %dma_wait3A_764 = tpu.memref_squeeze %dma_wait3A_763 : memref<1x20480xi32, #tpu.memory_space<hbm>> -> memref<20480xi32, #tpu.memory_space<hbm>>
      %dma_wait3A_765 = tpu.memref_slice %dma_wait3A_764[%mul3A_2] : memref<20480xi32, #tpu.memory_space<hbm>> -> memref<640xi32, #tpu.memory_space<hbm>>
      %dma_wait3A_766 = arith.constant 0 : i32
      %dma_wait3A_767 = tpu.memref_slice %arg2[%run_scoped3A_287, %dma_wait3A_766] : memref<26x20480xi32, #tpu.memory_space<hbm>> -> memref<1x20480xi32, #tpu.memory_space<hbm>>
      %dma_wait3A_768 = tpu.memref_squeeze %dma_wait3A_767 : memref<1x20480xi32, #tpu.memory_space<hbm>> -> memref<20480xi32, #tpu.memory_space<hbm>>
      %dma_wait3A_769 = tpu.memref_slice %dma_wait3A_768[%mul3A_2] : memref<20480xi32, #tpu.memory_space<hbm>> -> memref<640xi32, #tpu.memory_space<hbm>>
      tpu.wait_dma2 semaphore(%run_scoped3A_753 : memref<!tpu.dma_semaphore, #tpu.memory_space<semaphore_mem>>) src(%dma_wait3A_769 : memref<640xi32, #tpu.memory_space<hbm>>) dst(%arg8 : memref<640xi32, #tpu.memory_space<vmem>>)
      tpu.yield
    }) : () -> ()
    %scan3A_288 = arith.constant 0 : i32
    %scan3A_289 = arith.constant 0 : i32
    %scan3A_290 = arith.constant 40 : i32
    %scan3A_291 = arith.addi %scan3A_289, %scan3A_290 : i32
    %scan3A_292 = arith.constant 1 : i32
    scf.for %scan3A_753 = %scan3A_289 to %scan3A_291 step %scan3A_292  : i32 {
      %mul3A_754 = arith.constant 16 : i32
      %mul3A_755 = arith.muli %scan3A_753, %mul3A_754 : i32
      %iota3A = tpu.iota {dimensions = array<i32: 0>} : vector<16xi32>
      %add3A_756 = vector.broadcast %mul3A_755 : i32 to vector<16xi32>
      %add3A_757 = arith.addi %add3A_756, %iota3A : vector<16xi32>
      %add3A_758 = vector.broadcast %mul3A_2 : i32 to vector<16xi32>
      %add3A_759 = arith.addi %add3A_758, %add3A_757 : vector<16xi32>
      %mul3A_760 = arith.constant 26 : i32
      %mul3A_761 = vector.broadcast %mul3A_760 : i32 to vector<16xi32>
      %mul3A_762 = arith.muli %add3A_759, %mul3A_761 : vector<16xi32>
      %add3A_763 = arith.constant 11 : i32
      %add3A_764 = vector.broadcast %add3A_763 : i32 to vector<16xi32>
      %add3A_765 = arith.addi %mul3A_762, %add3A_764 : vector<16xi32>
      %mul3A_766 = arith.constant 16 : i32
      %mul3A_767 = arith.muli %scan3A_753, %mul3A_766 : i32
      %swap3A = arith.index_cast %mul3A_767 : i32 to index
      %swap3A_768 = tpu.vector_load %arg12[%swap3A] {strides = array<i32>} : memref<640xi32, #tpu.memory_space<vmem>>, vector<16xi32>,
      %swap3A_769 = vector.shape_cast %swap3A_768 : vector<16xi32> to vector<16xi32>
      %swap3A_770 = vector.shape_cast %add3A_765 : vector<16xi32> to vector<16xi32>
      tpu.vector_store %arg12[%swap3A], %swap3A_770 {strides = array<i32>} : memref<640xi32, #tpu.memory_space<vmem>>, vector<16xi32>,
    }
    %scan3A_293 = arith.constant 40 : i32
    %dma_start3A_294 = arith.constant 11 : i32
    %dma_start3A_295 = arith.constant 0 : i32
    %dma_start3A_296 = arith.constant 0 : i32
    %dma_start3A_297 = tpu.memref_slice %arg3[%dma_start3A_294, %dma_start3A_295, %dma_start3A_296] : memref<26x100000x32xf32, #tpu.memory_space<hbm>> -> memref<1x100000x32xf32, #tpu.memory_space<hbm>>
    %dma_start3A_298 = tpu.memref_squeeze %dma_start3A_297 : memref<1x100000x32xf32, #tpu.memory_space<hbm>> -> memref<100000x32xf32, #tpu.memory_space<hbm>>
    %dma_start3A_299 = arith.constant 0 : i32
    %dma_start3A_300 = arith.constant 0 : i32
    %dma_start3A_301 = tpu.memref_slice %dma_start3A_298[%dma_start3A_299, %dma_start3A_300] : memref<100000x32xf32, #tpu.memory_space<hbm>> -> memref<100000x32xf32, #tpu.memory_space<hbm>>
    tpu.enqueue_indirect_dma source(%dma_start3A_301 : memref<100000x32xf32, #tpu.memory_space<hbm>>) target(%arg16 : memref<640x32xf32, #tpu.memory_space<vmem>>) offsets(%arg8 : memref<640xi32, #tpu.memory_space<vmem>>) semaphore(%arg20 : memref<!tpu.dma_semaphore, #tpu.memory_space<semaphore_mem>>)
    %dma_wait3A_302 = arith.constant 9 : i32
    %dma_wait3A_303 = arith.constant 0 : i32
    %dma_wait3A_304 = arith.constant 0 : i32
    %dma_wait3A_305 = tpu.memref_slice %arg3[%dma_wait3A_302, %dma_wait3A_303, %dma_wait3A_304] : memref<26x100000x32xf32, #tpu.memory_space<hbm>> -> memref<1x100000x32xf32, #tpu.memory_space<hbm>>
    %dma_wait3A_306 = tpu.memref_squeeze %dma_wait3A_305 : memref<1x100000x32xf32, #tpu.memory_space<hbm>> -> memref<100000x32xf32, #tpu.memory_space<hbm>>
    %dma_wait3A_307 = arith.constant 0 : i32
    %dma_wait3A_308 = arith.constant 0 : i32
    %dma_wait3A_309 = tpu.memref_slice %dma_wait3A_306[%dma_wait3A_307, %dma_wait3A_308] : memref<100000x32xf32, #tpu.memory_space<hbm>> -> memref<100000x32xf32, #tpu.memory_space<hbm>>
    tpu.wait_indirect_dma semaphore(%arg18 : memref<!tpu.dma_semaphore, #tpu.memory_space<semaphore_mem>>) src(%dma_wait3A_309 : memref<100000x32xf32, #tpu.memory_space<hbm>>) dst(%arg14 : memref<640x32xf32, #tpu.memory_space<vmem>>)
    %dma_start3A_310 = arith.constant 0 : i32
    %dma_start3A_311 = arith.constant 0 : i32
    %dma_start3A_312 = tpu.memref_slice %arg4[%dma_start3A_310, %dma_start3A_311] : memref<532480x32xf32, #tpu.memory_space<hbm>> -> memref<532480x32xf32, #tpu.memory_space<hbm>>
    tpu.enqueue_indirect_dma source(%arg14 : memref<640x32xf32, #tpu.memory_space<vmem>>) target(%dma_start3A_312 : memref<532480x32xf32, #tpu.memory_space<hbm>>) offsets(%arg10 : memref<640xi32, #tpu.memory_space<vmem>>) semaphore(%arg22 : memref<!tpu.dma_semaphore, #tpu.memory_space<semaphore_mem>>)
    %dma_wait3A_313 = arith.constant 0 : i32
    %dma_wait3A_314 = arith.constant 0 : i32
    %dma_wait3A_315 = tpu.memref_slice %arg4[%dma_wait3A_313, %dma_wait3A_314] : memref<532480x32xf32, #tpu.memory_space<hbm>> -> memref<532480x32xf32, #tpu.memory_space<hbm>>
    tpu.wait_indirect_dma semaphore(%arg21 : memref<!tpu.dma_semaphore, #tpu.memory_space<semaphore_mem>>) src(%arg13 : memref<640x32xf32, #tpu.memory_space<vmem>>) dst(%dma_wait3A_315 : memref<532480x32xf32, #tpu.memory_space<hbm>>)
    %run_scoped3A_316 = arith.constant 12 : i32
    "tpu.region"() ({
      %run_scoped3A_753 = tpu.sem_alloc : memref<!tpu.dma_semaphore, #tpu.memory_space<semaphore_mem>>
      %dma_start3A_754 = arith.constant 0 : i32
      %dma_start3A_755 = tpu.memref_slice %arg2[%run_scoped3A_316, %dma_start3A_754] : memref<26x20480xi32, #tpu.memory_space<hbm>> -> memref<1x20480xi32, #tpu.memory_space<hbm>>
      %dma_start3A_756 = tpu.memref_squeeze %dma_start3A_755 : memref<1x20480xi32, #tpu.memory_space<hbm>> -> memref<20480xi32, #tpu.memory_space<hbm>>
      %dma_start3A_757 = tpu.memref_slice %dma_start3A_756[%mul3A_2] : memref<20480xi32, #tpu.memory_space<hbm>> -> memref<640xi32, #tpu.memory_space<hbm>>
      %dma_start3A_758 = arith.constant 0 : i32
      %dma_start3A_759 = tpu.memref_slice %arg2[%run_scoped3A_316, %dma_start3A_758] : memref<26x20480xi32, #tpu.memory_space<hbm>> -> memref<1x20480xi32, #tpu.memory_space<hbm>>
      %dma_start3A_760 = tpu.memref_squeeze %dma_start3A_759 : memref<1x20480xi32, #tpu.memory_space<hbm>> -> memref<20480xi32, #tpu.memory_space<hbm>>
      %dma_start3A_761 = tpu.memref_slice %dma_start3A_760[%mul3A_2] : memref<20480xi32, #tpu.memory_space<hbm>> -> memref<640xi32, #tpu.memory_space<hbm>>
      tpu.enqueue_dma source(%dma_start3A_761 : memref<640xi32, #tpu.memory_space<hbm>>) target(%arg5 : memref<640xi32, #tpu.memory_space<vmem>>) target_semaphore(%run_scoped3A_753 : memref<!tpu.dma_semaphore, #tpu.memory_space<semaphore_mem>>)
      %dma_wait3A_762 = arith.constant 0 : i32
      %dma_wait3A_763 = tpu.memref_slice %arg2[%run_scoped3A_316, %dma_wait3A_762] : memref<26x20480xi32, #tpu.memory_space<hbm>> -> memref<1x20480xi32, #tpu.memory_space<hbm>>
      %dma_wait3A_764 = tpu.memref_squeeze %dma_wait3A_763 : memref<1x20480xi32, #tpu.memory_space<hbm>> -> memref<20480xi32, #tpu.memory_space<hbm>>
      %dma_wait3A_765 = tpu.memref_slice %dma_wait3A_764[%mul3A_2] : memref<20480xi32, #tpu.memory_space<hbm>> -> memref<640xi32, #tpu.memory_space<hbm>>
      %dma_wait3A_766 = arith.constant 0 : i32
      %dma_wait3A_767 = tpu.memref_slice %arg2[%run_scoped3A_316, %dma_wait3A_766] : memref<26x20480xi32, #tpu.memory_space<hbm>> -> memref<1x20480xi32, #tpu.memory_space<hbm>>
      %dma_wait3A_768 = tpu.memref_squeeze %dma_wait3A_767 : memref<1x20480xi32, #tpu.memory_space<hbm>> -> memref<20480xi32, #tpu.memory_space<hbm>>
      %dma_wait3A_769 = tpu.memref_slice %dma_wait3A_768[%mul3A_2] : memref<20480xi32, #tpu.memory_space<hbm>> -> memref<640xi32, #tpu.memory_space<hbm>>
      tpu.wait_dma2 semaphore(%run_scoped3A_753 : memref<!tpu.dma_semaphore, #tpu.memory_space<semaphore_mem>>) src(%dma_wait3A_769 : memref<640xi32, #tpu.memory_space<hbm>>) dst(%arg5 : memref<640xi32, #tpu.memory_space<vmem>>)
      tpu.yield
    }) : () -> ()
    %scan3A_317 = arith.constant 0 : i32
    %scan3A_318 = arith.constant 0 : i32
    %scan3A_319 = arith.constant 40 : i32
    %scan3A_320 = arith.addi %scan3A_318, %scan3A_319 : i32
    %scan3A_321 = arith.constant 1 : i32
    scf.for %scan3A_753 = %scan3A_318 to %scan3A_320 step %scan3A_321  : i32 {
      %mul3A_754 = arith.constant 16 : i32
      %mul3A_755 = arith.muli %scan3A_753, %mul3A_754 : i32
      %iota3A = tpu.iota {dimensions = array<i32: 0>} : vector<16xi32>
      %add3A_756 = vector.broadcast %mul3A_755 : i32 to vector<16xi32>
      %add3A_757 = arith.addi %add3A_756, %iota3A : vector<16xi32>
      %add3A_758 = vector.broadcast %mul3A_2 : i32 to vector<16xi32>
      %add3A_759 = arith.addi %add3A_758, %add3A_757 : vector<16xi32>
      %mul3A_760 = arith.constant 26 : i32
      %mul3A_761 = vector.broadcast %mul3A_760 : i32 to vector<16xi32>
      %mul3A_762 = arith.muli %add3A_759, %mul3A_761 : vector<16xi32>
      %add3A_763 = arith.constant 12 : i32
      %add3A_764 = vector.broadcast %add3A_763 : i32 to vector<16xi32>
      %add3A_765 = arith.addi %mul3A_762, %add3A_764 : vector<16xi32>
      %mul3A_766 = arith.constant 16 : i32
      %mul3A_767 = arith.muli %scan3A_753, %mul3A_766 : i32
      %swap3A = arith.index_cast %mul3A_767 : i32 to index
      %swap3A_768 = tpu.vector_load %arg9[%swap3A] {strides = array<i32>} : memref<640xi32, #tpu.memory_space<vmem>>, vector<16xi32>,
      %swap3A_769 = vector.shape_cast %swap3A_768 : vector<16xi32> to vector<16xi32>
      %swap3A_770 = vector.shape_cast %add3A_765 : vector<16xi32> to vector<16xi32>
      tpu.vector_store %arg9[%swap3A], %swap3A_770 {strides = array<i32>} : memref<640xi32, #tpu.memory_space<vmem>>, vector<16xi32>,
    }
    %scan3A_322 = arith.constant 40 : i32
    %dma_start3A_323 = arith.constant 12 : i32
    %dma_start3A_324 = arith.constant 0 : i32
    %dma_start3A_325 = arith.constant 0 : i32
    %dma_start3A_326 = tpu.memref_slice %arg3[%dma_start3A_323, %dma_start3A_324, %dma_start3A_325] : memref<26x100000x32xf32, #tpu.memory_space<hbm>> -> memref<1x100000x32xf32, #tpu.memory_space<hbm>>
    %dma_start3A_327 = tpu.memref_squeeze %dma_start3A_326 : memref<1x100000x32xf32, #tpu.memory_space<hbm>> -> memref<100000x32xf32, #tpu.memory_space<hbm>>
    %dma_start3A_328 = arith.constant 0 : i32
    %dma_start3A_329 = arith.constant 0 : i32
    %dma_start3A_330 = tpu.memref_slice %dma_start3A_327[%dma_start3A_328, %dma_start3A_329] : memref<100000x32xf32, #tpu.memory_space<hbm>> -> memref<100000x32xf32, #tpu.memory_space<hbm>>
    tpu.enqueue_indirect_dma source(%dma_start3A_330 : memref<100000x32xf32, #tpu.memory_space<hbm>>) target(%arg13 : memref<640x32xf32, #tpu.memory_space<vmem>>) offsets(%arg5 : memref<640xi32, #tpu.memory_space<vmem>>) semaphore(%arg17 : memref<!tpu.dma_semaphore, #tpu.memory_space<semaphore_mem>>)
    %dma_wait3A_331 = arith.constant 10 : i32
    %dma_wait3A_332 = arith.constant 0 : i32
    %dma_wait3A_333 = arith.constant 0 : i32
    %dma_wait3A_334 = tpu.memref_slice %arg3[%dma_wait3A_331, %dma_wait3A_332, %dma_wait3A_333] : memref<26x100000x32xf32, #tpu.memory_space<hbm>> -> memref<1x100000x32xf32, #tpu.memory_space<hbm>>
    %dma_wait3A_335 = tpu.memref_squeeze %dma_wait3A_334 : memref<1x100000x32xf32, #tpu.memory_space<hbm>> -> memref<100000x32xf32, #tpu.memory_space<hbm>>
    %dma_wait3A_336 = arith.constant 0 : i32
    %dma_wait3A_337 = arith.constant 0 : i32
    %dma_wait3A_338 = tpu.memref_slice %dma_wait3A_335[%dma_wait3A_336, %dma_wait3A_337] : memref<100000x32xf32, #tpu.memory_space<hbm>> -> memref<100000x32xf32, #tpu.memory_space<hbm>>
    tpu.wait_indirect_dma semaphore(%arg19 : memref<!tpu.dma_semaphore, #tpu.memory_space<semaphore_mem>>) src(%dma_wait3A_338 : memref<100000x32xf32, #tpu.memory_space<hbm>>) dst(%arg15 : memref<640x32xf32, #tpu.memory_space<vmem>>)
    %dma_start3A_339 = arith.constant 0 : i32
    %dma_start3A_340 = arith.constant 0 : i32
    %dma_start3A_341 = tpu.memref_slice %arg4[%dma_start3A_339, %dma_start3A_340] : memref<532480x32xf32, #tpu.memory_space<hbm>> -> memref<532480x32xf32, #tpu.memory_space<hbm>>
    tpu.enqueue_indirect_dma source(%arg15 : memref<640x32xf32, #tpu.memory_space<vmem>>) target(%dma_start3A_341 : memref<532480x32xf32, #tpu.memory_space<hbm>>) offsets(%arg11 : memref<640xi32, #tpu.memory_space<vmem>>) semaphore(%arg23 : memref<!tpu.dma_semaphore, #tpu.memory_space<semaphore_mem>>)
    %dma_wait3A_342 = arith.constant 0 : i32
    %dma_wait3A_343 = arith.constant 0 : i32
    %dma_wait3A_344 = tpu.memref_slice %arg4[%dma_wait3A_342, %dma_wait3A_343] : memref<532480x32xf32, #tpu.memory_space<hbm>> -> memref<532480x32xf32, #tpu.memory_space<hbm>>
    tpu.wait_indirect_dma semaphore(%arg22 : memref<!tpu.dma_semaphore, #tpu.memory_space<semaphore_mem>>) src(%arg14 : memref<640x32xf32, #tpu.memory_space<vmem>>) dst(%dma_wait3A_344 : memref<532480x32xf32, #tpu.memory_space<hbm>>)
    %run_scoped3A_345 = arith.constant 13 : i32
    "tpu.region"() ({
      %run_scoped3A_753 = tpu.sem_alloc : memref<!tpu.dma_semaphore, #tpu.memory_space<semaphore_mem>>
      %dma_start3A_754 = arith.constant 0 : i32
      %dma_start3A_755 = tpu.memref_slice %arg2[%run_scoped3A_345, %dma_start3A_754] : memref<26x20480xi32, #tpu.memory_space<hbm>> -> memref<1x20480xi32, #tpu.memory_space<hbm>>
      %dma_start3A_756 = tpu.memref_squeeze %dma_start3A_755 : memref<1x20480xi32, #tpu.memory_space<hbm>> -> memref<20480xi32, #tpu.memory_space<hbm>>
      %dma_start3A_757 = tpu.memref_slice %dma_start3A_756[%mul3A_2] : memref<20480xi32, #tpu.memory_space<hbm>> -> memref<640xi32, #tpu.memory_space<hbm>>
      %dma_start3A_758 = arith.constant 0 : i32
      %dma_start3A_759 = tpu.memref_slice %arg2[%run_scoped3A_345, %dma_start3A_758] : memref<26x20480xi32, #tpu.memory_space<hbm>> -> memref<1x20480xi32, #tpu.memory_space<hbm>>
      %dma_start3A_760 = tpu.memref_squeeze %dma_start3A_759 : memref<1x20480xi32, #tpu.memory_space<hbm>> -> memref<20480xi32, #tpu.memory_space<hbm>>
      %dma_start3A_761 = tpu.memref_slice %dma_start3A_760[%mul3A_2] : memref<20480xi32, #tpu.memory_space<hbm>> -> memref<640xi32, #tpu.memory_space<hbm>>
      tpu.enqueue_dma source(%dma_start3A_761 : memref<640xi32, #tpu.memory_space<hbm>>) target(%arg6 : memref<640xi32, #tpu.memory_space<vmem>>) target_semaphore(%run_scoped3A_753 : memref<!tpu.dma_semaphore, #tpu.memory_space<semaphore_mem>>)
      %dma_wait3A_762 = arith.constant 0 : i32
      %dma_wait3A_763 = tpu.memref_slice %arg2[%run_scoped3A_345, %dma_wait3A_762] : memref<26x20480xi32, #tpu.memory_space<hbm>> -> memref<1x20480xi32, #tpu.memory_space<hbm>>
      %dma_wait3A_764 = tpu.memref_squeeze %dma_wait3A_763 : memref<1x20480xi32, #tpu.memory_space<hbm>> -> memref<20480xi32, #tpu.memory_space<hbm>>
      %dma_wait3A_765 = tpu.memref_slice %dma_wait3A_764[%mul3A_2] : memref<20480xi32, #tpu.memory_space<hbm>> -> memref<640xi32, #tpu.memory_space<hbm>>
      %dma_wait3A_766 = arith.constant 0 : i32
      %dma_wait3A_767 = tpu.memref_slice %arg2[%run_scoped3A_345, %dma_wait3A_766] : memref<26x20480xi32, #tpu.memory_space<hbm>> -> memref<1x20480xi32, #tpu.memory_space<hbm>>
      %dma_wait3A_768 = tpu.memref_squeeze %dma_wait3A_767 : memref<1x20480xi32, #tpu.memory_space<hbm>> -> memref<20480xi32, #tpu.memory_space<hbm>>
      %dma_wait3A_769 = tpu.memref_slice %dma_wait3A_768[%mul3A_2] : memref<20480xi32, #tpu.memory_space<hbm>> -> memref<640xi32, #tpu.memory_space<hbm>>
      tpu.wait_dma2 semaphore(%run_scoped3A_753 : memref<!tpu.dma_semaphore, #tpu.memory_space<semaphore_mem>>) src(%dma_wait3A_769 : memref<640xi32, #tpu.memory_space<hbm>>) dst(%arg6 : memref<640xi32, #tpu.memory_space<vmem>>)
      tpu.yield
    }) : () -> ()
    %scan3A_346 = arith.constant 0 : i32
    %scan3A_347 = arith.constant 0 : i32
    %scan3A_348 = arith.constant 40 : i32
    %scan3A_349 = arith.addi %scan3A_347, %scan3A_348 : i32
    %scan3A_350 = arith.constant 1 : i32
    scf.for %scan3A_753 = %scan3A_347 to %scan3A_349 step %scan3A_350  : i32 {
      %mul3A_754 = arith.constant 16 : i32
      %mul3A_755 = arith.muli %scan3A_753, %mul3A_754 : i32
      %iota3A = tpu.iota {dimensions = array<i32: 0>} : vector<16xi32>
      %add3A_756 = vector.broadcast %mul3A_755 : i32 to vector<16xi32>
      %add3A_757 = arith.addi %add3A_756, %iota3A : vector<16xi32>
      %add3A_758 = vector.broadcast %mul3A_2 : i32 to vector<16xi32>
      %add3A_759 = arith.addi %add3A_758, %add3A_757 : vector<16xi32>
      %mul3A_760 = arith.constant 26 : i32
      %mul3A_761 = vector.broadcast %mul3A_760 : i32 to vector<16xi32>
      %mul3A_762 = arith.muli %add3A_759, %mul3A_761 : vector<16xi32>
      %add3A_763 = arith.constant 13 : i32
      %add3A_764 = vector.broadcast %add3A_763 : i32 to vector<16xi32>
      %add3A_765 = arith.addi %mul3A_762, %add3A_764 : vector<16xi32>
      %mul3A_766 = arith.constant 16 : i32
      %mul3A_767 = arith.muli %scan3A_753, %mul3A_766 : i32
      %swap3A = arith.index_cast %mul3A_767 : i32 to index
      %swap3A_768 = tpu.vector_load %arg10[%swap3A] {strides = array<i32>} : memref<640xi32, #tpu.memory_space<vmem>>, vector<16xi32>,
      %swap3A_769 = vector.shape_cast %swap3A_768 : vector<16xi32> to vector<16xi32>
      %swap3A_770 = vector.shape_cast %add3A_765 : vector<16xi32> to vector<16xi32>
      tpu.vector_store %arg10[%swap3A], %swap3A_770 {strides = array<i32>} : memref<640xi32, #tpu.memory_space<vmem>>, vector<16xi32>,
    }
    %scan3A_351 = arith.constant 40 : i32
    %dma_start3A_352 = arith.constant 13 : i32
    %dma_start3A_353 = arith.constant 0 : i32
    %dma_start3A_354 = arith.constant 0 : i32
    %dma_start3A_355 = tpu.memref_slice %arg3[%dma_start3A_352, %dma_start3A_353, %dma_start3A_354] : memref<26x100000x32xf32, #tpu.memory_space<hbm>> -> memref<1x100000x32xf32, #tpu.memory_space<hbm>>
    %dma_start3A_356 = tpu.memref_squeeze %dma_start3A_355 : memref<1x100000x32xf32, #tpu.memory_space<hbm>> -> memref<100000x32xf32, #tpu.memory_space<hbm>>
    %dma_start3A_357 = arith.constant 0 : i32
    %dma_start3A_358 = arith.constant 0 : i32
    %dma_start3A_359 = tpu.memref_slice %dma_start3A_356[%dma_start3A_357, %dma_start3A_358] : memref<100000x32xf32, #tpu.memory_space<hbm>> -> memref<100000x32xf32, #tpu.memory_space<hbm>>
    tpu.enqueue_indirect_dma source(%dma_start3A_359 : memref<100000x32xf32, #tpu.memory_space<hbm>>) target(%arg14 : memref<640x32xf32, #tpu.memory_space<vmem>>) offsets(%arg6 : memref<640xi32, #tpu.memory_space<vmem>>) semaphore(%arg18 : memref<!tpu.dma_semaphore, #tpu.memory_space<semaphore_mem>>)
    %dma_wait3A_360 = arith.constant 11 : i32
    %dma_wait3A_361 = arith.constant 0 : i32
    %dma_wait3A_362 = arith.constant 0 : i32
    %dma_wait3A_363 = tpu.memref_slice %arg3[%dma_wait3A_360, %dma_wait3A_361, %dma_wait3A_362] : memref<26x100000x32xf32, #tpu.memory_space<hbm>> -> memref<1x100000x32xf32, #tpu.memory_space<hbm>>
    %dma_wait3A_364 = tpu.memref_squeeze %dma_wait3A_363 : memref<1x100000x32xf32, #tpu.memory_space<hbm>> -> memref<100000x32xf32, #tpu.memory_space<hbm>>
    %dma_wait3A_365 = arith.constant 0 : i32
    %dma_wait3A_366 = arith.constant 0 : i32
    %dma_wait3A_367 = tpu.memref_slice %dma_wait3A_364[%dma_wait3A_365, %dma_wait3A_366] : memref<100000x32xf32, #tpu.memory_space<hbm>> -> memref<100000x32xf32, #tpu.memory_space<hbm>>
    tpu.wait_indirect_dma semaphore(%arg20 : memref<!tpu.dma_semaphore, #tpu.memory_space<semaphore_mem>>) src(%dma_wait3A_367 : memref<100000x32xf32, #tpu.memory_space<hbm>>) dst(%arg16 : memref<640x32xf32, #tpu.memory_space<vmem>>)
    %dma_start3A_368 = arith.constant 0 : i32
    %dma_start3A_369 = arith.constant 0 : i32
    %dma_start3A_370 = tpu.memref_slice %arg4[%dma_start3A_368, %dma_start3A_369] : memref<532480x32xf32, #tpu.memory_space<hbm>> -> memref<532480x32xf32, #tpu.memory_space<hbm>>
    tpu.enqueue_indirect_dma source(%arg16 : memref<640x32xf32, #tpu.memory_space<vmem>>) target(%dma_start3A_370 : memref<532480x32xf32, #tpu.memory_space<hbm>>) offsets(%arg12 : memref<640xi32, #tpu.memory_space<vmem>>) semaphore(%arg24 : memref<!tpu.dma_semaphore, #tpu.memory_space<semaphore_mem>>)
    %dma_wait3A_371 = arith.constant 0 : i32
    %dma_wait3A_372 = arith.constant 0 : i32
    %dma_wait3A_373 = tpu.memref_slice %arg4[%dma_wait3A_371, %dma_wait3A_372] : memref<532480x32xf32, #tpu.memory_space<hbm>> -> memref<532480x32xf32, #tpu.memory_space<hbm>>
    tpu.wait_indirect_dma semaphore(%arg23 : memref<!tpu.dma_semaphore, #tpu.memory_space<semaphore_mem>>) src(%arg15 : memref<640x32xf32, #tpu.memory_space<vmem>>) dst(%dma_wait3A_373 : memref<532480x32xf32, #tpu.memory_space<hbm>>)
    %run_scoped3A_374 = arith.constant 14 : i32
    "tpu.region"() ({
      %run_scoped3A_753 = tpu.sem_alloc : memref<!tpu.dma_semaphore, #tpu.memory_space<semaphore_mem>>
      %dma_start3A_754 = arith.constant 0 : i32
      %dma_start3A_755 = tpu.memref_slice %arg2[%run_scoped3A_374, %dma_start3A_754] : memref<26x20480xi32, #tpu.memory_space<hbm>> -> memref<1x20480xi32, #tpu.memory_space<hbm>>
      %dma_start3A_756 = tpu.memref_squeeze %dma_start3A_755 : memref<1x20480xi32, #tpu.memory_space<hbm>> -> memref<20480xi32, #tpu.memory_space<hbm>>
      %dma_start3A_757 = tpu.memref_slice %dma_start3A_756[%mul3A_2] : memref<20480xi32, #tpu.memory_space<hbm>> -> memref<640xi32, #tpu.memory_space<hbm>>
      %dma_start3A_758 = arith.constant 0 : i32
      %dma_start3A_759 = tpu.memref_slice %arg2[%run_scoped3A_374, %dma_start3A_758] : memref<26x20480xi32, #tpu.memory_space<hbm>> -> memref<1x20480xi32, #tpu.memory_space<hbm>>
      %dma_start3A_760 = tpu.memref_squeeze %dma_start3A_759 : memref<1x20480xi32, #tpu.memory_space<hbm>> -> memref<20480xi32, #tpu.memory_space<hbm>>
      %dma_start3A_761 = tpu.memref_slice %dma_start3A_760[%mul3A_2] : memref<20480xi32, #tpu.memory_space<hbm>> -> memref<640xi32, #tpu.memory_space<hbm>>
      tpu.enqueue_dma source(%dma_start3A_761 : memref<640xi32, #tpu.memory_space<hbm>>) target(%arg7 : memref<640xi32, #tpu.memory_space<vmem>>) target_semaphore(%run_scoped3A_753 : memref<!tpu.dma_semaphore, #tpu.memory_space<semaphore_mem>>)
      %dma_wait3A_762 = arith.constant 0 : i32
      %dma_wait3A_763 = tpu.memref_slice %arg2[%run_scoped3A_374, %dma_wait3A_762] : memref<26x20480xi32, #tpu.memory_space<hbm>> -> memref<1x20480xi32, #tpu.memory_space<hbm>>
      %dma_wait3A_764 = tpu.memref_squeeze %dma_wait3A_763 : memref<1x20480xi32, #tpu.memory_space<hbm>> -> memref<20480xi32, #tpu.memory_space<hbm>>
      %dma_wait3A_765 = tpu.memref_slice %dma_wait3A_764[%mul3A_2] : memref<20480xi32, #tpu.memory_space<hbm>> -> memref<640xi32, #tpu.memory_space<hbm>>
      %dma_wait3A_766 = arith.constant 0 : i32
      %dma_wait3A_767 = tpu.memref_slice %arg2[%run_scoped3A_374, %dma_wait3A_766] : memref<26x20480xi32, #tpu.memory_space<hbm>> -> memref<1x20480xi32, #tpu.memory_space<hbm>>
      %dma_wait3A_768 = tpu.memref_squeeze %dma_wait3A_767 : memref<1x20480xi32, #tpu.memory_space<hbm>> -> memref<20480xi32, #tpu.memory_space<hbm>>
      %dma_wait3A_769 = tpu.memref_slice %dma_wait3A_768[%mul3A_2] : memref<20480xi32, #tpu.memory_space<hbm>> -> memref<640xi32, #tpu.memory_space<hbm>>
      tpu.wait_dma2 semaphore(%run_scoped3A_753 : memref<!tpu.dma_semaphore, #tpu.memory_space<semaphore_mem>>) src(%dma_wait3A_769 : memref<640xi32, #tpu.memory_space<hbm>>) dst(%arg7 : memref<640xi32, #tpu.memory_space<vmem>>)
      tpu.yield
    }) : () -> ()
    %scan3A_375 = arith.constant 0 : i32
    %scan3A_376 = arith.constant 0 : i32
    %scan3A_377 = arith.constant 40 : i32
    %scan3A_378 = arith.addi %scan3A_376, %scan3A_377 : i32
    %scan3A_379 = arith.constant 1 : i32
    scf.for %scan3A_753 = %scan3A_376 to %scan3A_378 step %scan3A_379  : i32 {
      %mul3A_754 = arith.constant 16 : i32
      %mul3A_755 = arith.muli %scan3A_753, %mul3A_754 : i32
      %iota3A = tpu.iota {dimensions = array<i32: 0>} : vector<16xi32>
      %add3A_756 = vector.broadcast %mul3A_755 : i32 to vector<16xi32>
      %add3A_757 = arith.addi %add3A_756, %iota3A : vector<16xi32>
      %add3A_758 = vector.broadcast %mul3A_2 : i32 to vector<16xi32>
      %add3A_759 = arith.addi %add3A_758, %add3A_757 : vector<16xi32>
      %mul3A_760 = arith.constant 26 : i32
      %mul3A_761 = vector.broadcast %mul3A_760 : i32 to vector<16xi32>
      %mul3A_762 = arith.muli %add3A_759, %mul3A_761 : vector<16xi32>
      %add3A_763 = arith.constant 14 : i32
      %add3A_764 = vector.broadcast %add3A_763 : i32 to vector<16xi32>
      %add3A_765 = arith.addi %mul3A_762, %add3A_764 : vector<16xi32>
      %mul3A_766 = arith.constant 16 : i32
      %mul3A_767 = arith.muli %scan3A_753, %mul3A_766 : i32
      %swap3A = arith.index_cast %mul3A_767 : i32 to index
      %swap3A_768 = tpu.vector_load %arg11[%swap3A] {strides = array<i32>} : memref<640xi32, #tpu.memory_space<vmem>>, vector<16xi32>,
      %swap3A_769 = vector.shape_cast %swap3A_768 : vector<16xi32> to vector<16xi32>
      %swap3A_770 = vector.shape_cast %add3A_765 : vector<16xi32> to vector<16xi32>
      tpu.vector_store %arg11[%swap3A], %swap3A_770 {strides = array<i32>} : memref<640xi32, #tpu.memory_space<vmem>>, vector<16xi32>,
    }
    %scan3A_380 = arith.constant 40 : i32
    %dma_start3A_381 = arith.constant 14 : i32
    %dma_start3A_382 = arith.constant 0 : i32
    %dma_start3A_383 = arith.constant 0 : i32
    %dma_start3A_384 = tpu.memref_slice %arg3[%dma_start3A_381, %dma_start3A_382, %dma_start3A_383] : memref<26x100000x32xf32, #tpu.memory_space<hbm>> -> memref<1x100000x32xf32, #tpu.memory_space<hbm>>
    %dma_start3A_385 = tpu.memref_squeeze %dma_start3A_384 : memref<1x100000x32xf32, #tpu.memory_space<hbm>> -> memref<100000x32xf32, #tpu.memory_space<hbm>>
    %dma_start3A_386 = arith.constant 0 : i32
    %dma_start3A_387 = arith.constant 0 : i32
    %dma_start3A_388 = tpu.memref_slice %dma_start3A_385[%dma_start3A_386, %dma_start3A_387] : memref<100000x32xf32, #tpu.memory_space<hbm>> -> memref<100000x32xf32, #tpu.memory_space<hbm>>
    tpu.enqueue_indirect_dma source(%dma_start3A_388 : memref<100000x32xf32, #tpu.memory_space<hbm>>) target(%arg15 : memref<640x32xf32, #tpu.memory_space<vmem>>) offsets(%arg7 : memref<640xi32, #tpu.memory_space<vmem>>) semaphore(%arg19 : memref<!tpu.dma_semaphore, #tpu.memory_space<semaphore_mem>>)
    %dma_wait3A_389 = arith.constant 12 : i32
    %dma_wait3A_390 = arith.constant 0 : i32
    %dma_wait3A_391 = arith.constant 0 : i32
    %dma_wait3A_392 = tpu.memref_slice %arg3[%dma_wait3A_389, %dma_wait3A_390, %dma_wait3A_391] : memref<26x100000x32xf32, #tpu.memory_space<hbm>> -> memref<1x100000x32xf32, #tpu.memory_space<hbm>>
    %dma_wait3A_393 = tpu.memref_squeeze %dma_wait3A_392 : memref<1x100000x32xf32, #tpu.memory_space<hbm>> -> memref<100000x32xf32, #tpu.memory_space<hbm>>
    %dma_wait3A_394 = arith.constant 0 : i32
    %dma_wait3A_395 = arith.constant 0 : i32
    %dma_wait3A_396 = tpu.memref_slice %dma_wait3A_393[%dma_wait3A_394, %dma_wait3A_395] : memref<100000x32xf32, #tpu.memory_space<hbm>> -> memref<100000x32xf32, #tpu.memory_space<hbm>>
    tpu.wait_indirect_dma semaphore(%arg17 : memref<!tpu.dma_semaphore, #tpu.memory_space<semaphore_mem>>) src(%dma_wait3A_396 : memref<100000x32xf32, #tpu.memory_space<hbm>>) dst(%arg13 : memref<640x32xf32, #tpu.memory_space<vmem>>)
    %dma_start3A_397 = arith.constant 0 : i32
    %dma_start3A_398 = arith.constant 0 : i32
    %dma_start3A_399 = tpu.memref_slice %arg4[%dma_start3A_397, %dma_start3A_398] : memref<532480x32xf32, #tpu.memory_space<hbm>> -> memref<532480x32xf32, #tpu.memory_space<hbm>>
    tpu.enqueue_indirect_dma source(%arg13 : memref<640x32xf32, #tpu.memory_space<vmem>>) target(%dma_start3A_399 : memref<532480x32xf32, #tpu.memory_space<hbm>>) offsets(%arg9 : memref<640xi32, #tpu.memory_space<vmem>>) semaphore(%arg21 : memref<!tpu.dma_semaphore, #tpu.memory_space<semaphore_mem>>)
    %dma_wait3A_400 = arith.constant 0 : i32
    %dma_wait3A_401 = arith.constant 0 : i32
    %dma_wait3A_402 = tpu.memref_slice %arg4[%dma_wait3A_400, %dma_wait3A_401] : memref<532480x32xf32, #tpu.memory_space<hbm>> -> memref<532480x32xf32, #tpu.memory_space<hbm>>
    tpu.wait_indirect_dma semaphore(%arg24 : memref<!tpu.dma_semaphore, #tpu.memory_space<semaphore_mem>>) src(%arg16 : memref<640x32xf32, #tpu.memory_space<vmem>>) dst(%dma_wait3A_402 : memref<532480x32xf32, #tpu.memory_space<hbm>>)
    %run_scoped3A_403 = arith.constant 15 : i32
    "tpu.region"() ({
      %run_scoped3A_753 = tpu.sem_alloc : memref<!tpu.dma_semaphore, #tpu.memory_space<semaphore_mem>>
      %dma_start3A_754 = arith.constant 0 : i32
      %dma_start3A_755 = tpu.memref_slice %arg2[%run_scoped3A_403, %dma_start3A_754] : memref<26x20480xi32, #tpu.memory_space<hbm>> -> memref<1x20480xi32, #tpu.memory_space<hbm>>
      %dma_start3A_756 = tpu.memref_squeeze %dma_start3A_755 : memref<1x20480xi32, #tpu.memory_space<hbm>> -> memref<20480xi32, #tpu.memory_space<hbm>>
      %dma_start3A_757 = tpu.memref_slice %dma_start3A_756[%mul3A_2] : memref<20480xi32, #tpu.memory_space<hbm>> -> memref<640xi32, #tpu.memory_space<hbm>>
      %dma_start3A_758 = arith.constant 0 : i32
      %dma_start3A_759 = tpu.memref_slice %arg2[%run_scoped3A_403, %dma_start3A_758] : memref<26x20480xi32, #tpu.memory_space<hbm>> -> memref<1x20480xi32, #tpu.memory_space<hbm>>
      %dma_start3A_760 = tpu.memref_squeeze %dma_start3A_759 : memref<1x20480xi32, #tpu.memory_space<hbm>> -> memref<20480xi32, #tpu.memory_space<hbm>>
      %dma_start3A_761 = tpu.memref_slice %dma_start3A_760[%mul3A_2] : memref<20480xi32, #tpu.memory_space<hbm>> -> memref<640xi32, #tpu.memory_space<hbm>>
      tpu.enqueue_dma source(%dma_start3A_761 : memref<640xi32, #tpu.memory_space<hbm>>) target(%arg8 : memref<640xi32, #tpu.memory_space<vmem>>) target_semaphore(%run_scoped3A_753 : memref<!tpu.dma_semaphore, #tpu.memory_space<semaphore_mem>>)
      %dma_wait3A_762 = arith.constant 0 : i32
      %dma_wait3A_763 = tpu.memref_slice %arg2[%run_scoped3A_403, %dma_wait3A_762] : memref<26x20480xi32, #tpu.memory_space<hbm>> -> memref<1x20480xi32, #tpu.memory_space<hbm>>
      %dma_wait3A_764 = tpu.memref_squeeze %dma_wait3A_763 : memref<1x20480xi32, #tpu.memory_space<hbm>> -> memref<20480xi32, #tpu.memory_space<hbm>>
      %dma_wait3A_765 = tpu.memref_slice %dma_wait3A_764[%mul3A_2] : memref<20480xi32, #tpu.memory_space<hbm>> -> memref<640xi32, #tpu.memory_space<hbm>>
      %dma_wait3A_766 = arith.constant 0 : i32
      %dma_wait3A_767 = tpu.memref_slice %arg2[%run_scoped3A_403, %dma_wait3A_766] : memref<26x20480xi32, #tpu.memory_space<hbm>> -> memref<1x20480xi32, #tpu.memory_space<hbm>>
      %dma_wait3A_768 = tpu.memref_squeeze %dma_wait3A_767 : memref<1x20480xi32, #tpu.memory_space<hbm>> -> memref<20480xi32, #tpu.memory_space<hbm>>
      %dma_wait3A_769 = tpu.memref_slice %dma_wait3A_768[%mul3A_2] : memref<20480xi32, #tpu.memory_space<hbm>> -> memref<640xi32, #tpu.memory_space<hbm>>
      tpu.wait_dma2 semaphore(%run_scoped3A_753 : memref<!tpu.dma_semaphore, #tpu.memory_space<semaphore_mem>>) src(%dma_wait3A_769 : memref<640xi32, #tpu.memory_space<hbm>>) dst(%arg8 : memref<640xi32, #tpu.memory_space<vmem>>)
      tpu.yield
    }) : () -> ()
    %scan3A_404 = arith.constant 0 : i32
    %scan3A_405 = arith.constant 0 : i32
    %scan3A_406 = arith.constant 40 : i32
    %scan3A_407 = arith.addi %scan3A_405, %scan3A_406 : i32
    %scan3A_408 = arith.constant 1 : i32
    scf.for %scan3A_753 = %scan3A_405 to %scan3A_407 step %scan3A_408  : i32 {
      %mul3A_754 = arith.constant 16 : i32
      %mul3A_755 = arith.muli %scan3A_753, %mul3A_754 : i32
      %iota3A = tpu.iota {dimensions = array<i32: 0>} : vector<16xi32>
      %add3A_756 = vector.broadcast %mul3A_755 : i32 to vector<16xi32>
      %add3A_757 = arith.addi %add3A_756, %iota3A : vector<16xi32>
      %add3A_758 = vector.broadcast %mul3A_2 : i32 to vector<16xi32>
      %add3A_759 = arith.addi %add3A_758, %add3A_757 : vector<16xi32>
      %mul3A_760 = arith.constant 26 : i32
      %mul3A_761 = vector.broadcast %mul3A_760 : i32 to vector<16xi32>
      %mul3A_762 = arith.muli %add3A_759, %mul3A_761 : vector<16xi32>
      %add3A_763 = arith.constant 15 : i32
      %add3A_764 = vector.broadcast %add3A_763 : i32 to vector<16xi32>
      %add3A_765 = arith.addi %mul3A_762, %add3A_764 : vector<16xi32>
      %mul3A_766 = arith.constant 16 : i32
      %mul3A_767 = arith.muli %scan3A_753, %mul3A_766 : i32
      %swap3A = arith.index_cast %mul3A_767 : i32 to index
      %swap3A_768 = tpu.vector_load %arg12[%swap3A] {strides = array<i32>} : memref<640xi32, #tpu.memory_space<vmem>>, vector<16xi32>,
      %swap3A_769 = vector.shape_cast %swap3A_768 : vector<16xi32> to vector<16xi32>
      %swap3A_770 = vector.shape_cast %add3A_765 : vector<16xi32> to vector<16xi32>
      tpu.vector_store %arg12[%swap3A], %swap3A_770 {strides = array<i32>} : memref<640xi32, #tpu.memory_space<vmem>>, vector<16xi32>,
    }
    %scan3A_409 = arith.constant 40 : i32
    %dma_start3A_410 = arith.constant 15 : i32
    %dma_start3A_411 = arith.constant 0 : i32
    %dma_start3A_412 = arith.constant 0 : i32
    %dma_start3A_413 = tpu.memref_slice %arg3[%dma_start3A_410, %dma_start3A_411, %dma_start3A_412] : memref<26x100000x32xf32, #tpu.memory_space<hbm>> -> memref<1x100000x32xf32, #tpu.memory_space<hbm>>
    %dma_start3A_414 = tpu.memref_squeeze %dma_start3A_413 : memref<1x100000x32xf32, #tpu.memory_space<hbm>> -> memref<100000x32xf32, #tpu.memory_space<hbm>>
    %dma_start3A_415 = arith.constant 0 : i32
    %dma_start3A_416 = arith.constant 0 : i32
    %dma_start3A_417 = tpu.memref_slice %dma_start3A_414[%dma_start3A_415, %dma_start3A_416] : memref<100000x32xf32, #tpu.memory_space<hbm>> -> memref<100000x32xf32, #tpu.memory_space<hbm>>
    tpu.enqueue_indirect_dma source(%dma_start3A_417 : memref<100000x32xf32, #tpu.memory_space<hbm>>) target(%arg16 : memref<640x32xf32, #tpu.memory_space<vmem>>) offsets(%arg8 : memref<640xi32, #tpu.memory_space<vmem>>) semaphore(%arg20 : memref<!tpu.dma_semaphore, #tpu.memory_space<semaphore_mem>>)
    %dma_wait3A_418 = arith.constant 13 : i32
    %dma_wait3A_419 = arith.constant 0 : i32
    %dma_wait3A_420 = arith.constant 0 : i32
    %dma_wait3A_421 = tpu.memref_slice %arg3[%dma_wait3A_418, %dma_wait3A_419, %dma_wait3A_420] : memref<26x100000x32xf32, #tpu.memory_space<hbm>> -> memref<1x100000x32xf32, #tpu.memory_space<hbm>>
    %dma_wait3A_422 = tpu.memref_squeeze %dma_wait3A_421 : memref<1x100000x32xf32, #tpu.memory_space<hbm>> -> memref<100000x32xf32, #tpu.memory_space<hbm>>
    %dma_wait3A_423 = arith.constant 0 : i32
    %dma_wait3A_424 = arith.constant 0 : i32
    %dma_wait3A_425 = tpu.memref_slice %dma_wait3A_422[%dma_wait3A_423, %dma_wait3A_424] : memref<100000x32xf32, #tpu.memory_space<hbm>> -> memref<100000x32xf32, #tpu.memory_space<hbm>>
    tpu.wait_indirect_dma semaphore(%arg18 : memref<!tpu.dma_semaphore, #tpu.memory_space<semaphore_mem>>) src(%dma_wait3A_425 : memref<100000x32xf32, #tpu.memory_space<hbm>>) dst(%arg14 : memref<640x32xf32, #tpu.memory_space<vmem>>)
    %dma_start3A_426 = arith.constant 0 : i32
    %dma_start3A_427 = arith.constant 0 : i32
    %dma_start3A_428 = tpu.memref_slice %arg4[%dma_start3A_426, %dma_start3A_427] : memref<532480x32xf32, #tpu.memory_space<hbm>> -> memref<532480x32xf32, #tpu.memory_space<hbm>>
    tpu.enqueue_indirect_dma source(%arg14 : memref<640x32xf32, #tpu.memory_space<vmem>>) target(%dma_start3A_428 : memref<532480x32xf32, #tpu.memory_space<hbm>>) offsets(%arg10 : memref<640xi32, #tpu.memory_space<vmem>>) semaphore(%arg22 : memref<!tpu.dma_semaphore, #tpu.memory_space<semaphore_mem>>)
    %dma_wait3A_429 = arith.constant 0 : i32
    %dma_wait3A_430 = arith.constant 0 : i32
    %dma_wait3A_431 = tpu.memref_slice %arg4[%dma_wait3A_429, %dma_wait3A_430] : memref<532480x32xf32, #tpu.memory_space<hbm>> -> memref<532480x32xf32, #tpu.memory_space<hbm>>
    tpu.wait_indirect_dma semaphore(%arg21 : memref<!tpu.dma_semaphore, #tpu.memory_space<semaphore_mem>>) src(%arg13 : memref<640x32xf32, #tpu.memory_space<vmem>>) dst(%dma_wait3A_431 : memref<532480x32xf32, #tpu.memory_space<hbm>>)
    %run_scoped3A_432 = arith.constant 16 : i32
    "tpu.region"() ({
      %run_scoped3A_753 = tpu.sem_alloc : memref<!tpu.dma_semaphore, #tpu.memory_space<semaphore_mem>>
      %dma_start3A_754 = arith.constant 0 : i32
      %dma_start3A_755 = tpu.memref_slice %arg2[%run_scoped3A_432, %dma_start3A_754] : memref<26x20480xi32, #tpu.memory_space<hbm>> -> memref<1x20480xi32, #tpu.memory_space<hbm>>
      %dma_start3A_756 = tpu.memref_squeeze %dma_start3A_755 : memref<1x20480xi32, #tpu.memory_space<hbm>> -> memref<20480xi32, #tpu.memory_space<hbm>>
      %dma_start3A_757 = tpu.memref_slice %dma_start3A_756[%mul3A_2] : memref<20480xi32, #tpu.memory_space<hbm>> -> memref<640xi32, #tpu.memory_space<hbm>>
      %dma_start3A_758 = arith.constant 0 : i32
      %dma_start3A_759 = tpu.memref_slice %arg2[%run_scoped3A_432, %dma_start3A_758] : memref<26x20480xi32, #tpu.memory_space<hbm>> -> memref<1x20480xi32, #tpu.memory_space<hbm>>
      %dma_start3A_760 = tpu.memref_squeeze %dma_start3A_759 : memref<1x20480xi32, #tpu.memory_space<hbm>> -> memref<20480xi32, #tpu.memory_space<hbm>>
      %dma_start3A_761 = tpu.memref_slice %dma_start3A_760[%mul3A_2] : memref<20480xi32, #tpu.memory_space<hbm>> -> memref<640xi32, #tpu.memory_space<hbm>>
      tpu.enqueue_dma source(%dma_start3A_761 : memref<640xi32, #tpu.memory_space<hbm>>) target(%arg5 : memref<640xi32, #tpu.memory_space<vmem>>) target_semaphore(%run_scoped3A_753 : memref<!tpu.dma_semaphore, #tpu.memory_space<semaphore_mem>>)
      %dma_wait3A_762 = arith.constant 0 : i32
      %dma_wait3A_763 = tpu.memref_slice %arg2[%run_scoped3A_432, %dma_wait3A_762] : memref<26x20480xi32, #tpu.memory_space<hbm>> -> memref<1x20480xi32, #tpu.memory_space<hbm>>
      %dma_wait3A_764 = tpu.memref_squeeze %dma_wait3A_763 : memref<1x20480xi32, #tpu.memory_space<hbm>> -> memref<20480xi32, #tpu.memory_space<hbm>>
      %dma_wait3A_765 = tpu.memref_slice %dma_wait3A_764[%mul3A_2] : memref<20480xi32, #tpu.memory_space<hbm>> -> memref<640xi32, #tpu.memory_space<hbm>>
      %dma_wait3A_766 = arith.constant 0 : i32
      %dma_wait3A_767 = tpu.memref_slice %arg2[%run_scoped3A_432, %dma_wait3A_766] : memref<26x20480xi32, #tpu.memory_space<hbm>> -> memref<1x20480xi32, #tpu.memory_space<hbm>>
      %dma_wait3A_768 = tpu.memref_squeeze %dma_wait3A_767 : memref<1x20480xi32, #tpu.memory_space<hbm>> -> memref<20480xi32, #tpu.memory_space<hbm>>
      %dma_wait3A_769 = tpu.memref_slice %dma_wait3A_768[%mul3A_2] : memref<20480xi32, #tpu.memory_space<hbm>> -> memref<640xi32, #tpu.memory_space<hbm>>
      tpu.wait_dma2 semaphore(%run_scoped3A_753 : memref<!tpu.dma_semaphore, #tpu.memory_space<semaphore_mem>>) src(%dma_wait3A_769 : memref<640xi32, #tpu.memory_space<hbm>>) dst(%arg5 : memref<640xi32, #tpu.memory_space<vmem>>)
      tpu.yield
    }) : () -> ()
    %scan3A_433 = arith.constant 0 : i32
    %scan3A_434 = arith.constant 0 : i32
    %scan3A_435 = arith.constant 40 : i32
    %scan3A_436 = arith.addi %scan3A_434, %scan3A_435 : i32
    %scan3A_437 = arith.constant 1 : i32
    scf.for %scan3A_753 = %scan3A_434 to %scan3A_436 step %scan3A_437  : i32 {
      %mul3A_754 = arith.constant 16 : i32
      %mul3A_755 = arith.muli %scan3A_753, %mul3A_754 : i32
      %iota3A = tpu.iota {dimensions = array<i32: 0>} : vector<16xi32>
      %add3A_756 = vector.broadcast %mul3A_755 : i32 to vector<16xi32>
      %add3A_757 = arith.addi %add3A_756, %iota3A : vector<16xi32>
      %add3A_758 = vector.broadcast %mul3A_2 : i32 to vector<16xi32>
      %add3A_759 = arith.addi %add3A_758, %add3A_757 : vector<16xi32>
      %mul3A_760 = arith.constant 26 : i32
      %mul3A_761 = vector.broadcast %mul3A_760 : i32 to vector<16xi32>
      %mul3A_762 = arith.muli %add3A_759, %mul3A_761 : vector<16xi32>
      %add3A_763 = arith.constant 16 : i32
      %add3A_764 = vector.broadcast %add3A_763 : i32 to vector<16xi32>
      %add3A_765 = arith.addi %mul3A_762, %add3A_764 : vector<16xi32>
      %mul3A_766 = arith.constant 16 : i32
      %mul3A_767 = arith.muli %scan3A_753, %mul3A_766 : i32
      %swap3A = arith.index_cast %mul3A_767 : i32 to index
      %swap3A_768 = tpu.vector_load %arg9[%swap3A] {strides = array<i32>} : memref<640xi32, #tpu.memory_space<vmem>>, vector<16xi32>,
      %swap3A_769 = vector.shape_cast %swap3A_768 : vector<16xi32> to vector<16xi32>
      %swap3A_770 = vector.shape_cast %add3A_765 : vector<16xi32> to vector<16xi32>
      tpu.vector_store %arg9[%swap3A], %swap3A_770 {strides = array<i32>} : memref<640xi32, #tpu.memory_space<vmem>>, vector<16xi32>,
    }
    %scan3A_438 = arith.constant 40 : i32
    %dma_start3A_439 = arith.constant 16 : i32
    %dma_start3A_440 = arith.constant 0 : i32
    %dma_start3A_441 = arith.constant 0 : i32
    %dma_start3A_442 = tpu.memref_slice %arg3[%dma_start3A_439, %dma_start3A_440, %dma_start3A_441] : memref<26x100000x32xf32, #tpu.memory_space<hbm>> -> memref<1x100000x32xf32, #tpu.memory_space<hbm>>
    %dma_start3A_443 = tpu.memref_squeeze %dma_start3A_442 : memref<1x100000x32xf32, #tpu.memory_space<hbm>> -> memref<100000x32xf32, #tpu.memory_space<hbm>>
    %dma_start3A_444 = arith.constant 0 : i32
    %dma_start3A_445 = arith.constant 0 : i32
    %dma_start3A_446 = tpu.memref_slice %dma_start3A_443[%dma_start3A_444, %dma_start3A_445] : memref<100000x32xf32, #tpu.memory_space<hbm>> -> memref<100000x32xf32, #tpu.memory_space<hbm>>
    tpu.enqueue_indirect_dma source(%dma_start3A_446 : memref<100000x32xf32, #tpu.memory_space<hbm>>) target(%arg13 : memref<640x32xf32, #tpu.memory_space<vmem>>) offsets(%arg5 : memref<640xi32, #tpu.memory_space<vmem>>) semaphore(%arg17 : memref<!tpu.dma_semaphore, #tpu.memory_space<semaphore_mem>>)
    %dma_wait3A_447 = arith.constant 14 : i32
    %dma_wait3A_448 = arith.constant 0 : i32
    %dma_wait3A_449 = arith.constant 0 : i32
    %dma_wait3A_450 = tpu.memref_slice %arg3[%dma_wait3A_447, %dma_wait3A_448, %dma_wait3A_449] : memref<26x100000x32xf32, #tpu.memory_space<hbm>> -> memref<1x100000x32xf32, #tpu.memory_space<hbm>>
    %dma_wait3A_451 = tpu.memref_squeeze %dma_wait3A_450 : memref<1x100000x32xf32, #tpu.memory_space<hbm>> -> memref<100000x32xf32, #tpu.memory_space<hbm>>
    %dma_wait3A_452 = arith.constant 0 : i32
    %dma_wait3A_453 = arith.constant 0 : i32
    %dma_wait3A_454 = tpu.memref_slice %dma_wait3A_451[%dma_wait3A_452, %dma_wait3A_453] : memref<100000x32xf32, #tpu.memory_space<hbm>> -> memref<100000x32xf32, #tpu.memory_space<hbm>>
    tpu.wait_indirect_dma semaphore(%arg19 : memref<!tpu.dma_semaphore, #tpu.memory_space<semaphore_mem>>) src(%dma_wait3A_454 : memref<100000x32xf32, #tpu.memory_space<hbm>>) dst(%arg15 : memref<640x32xf32, #tpu.memory_space<vmem>>)
    %dma_start3A_455 = arith.constant 0 : i32
    %dma_start3A_456 = arith.constant 0 : i32
    %dma_start3A_457 = tpu.memref_slice %arg4[%dma_start3A_455, %dma_start3A_456] : memref<532480x32xf32, #tpu.memory_space<hbm>> -> memref<532480x32xf32, #tpu.memory_space<hbm>>
    tpu.enqueue_indirect_dma source(%arg15 : memref<640x32xf32, #tpu.memory_space<vmem>>) target(%dma_start3A_457 : memref<532480x32xf32, #tpu.memory_space<hbm>>) offsets(%arg11 : memref<640xi32, #tpu.memory_space<vmem>>) semaphore(%arg23 : memref<!tpu.dma_semaphore, #tpu.memory_space<semaphore_mem>>)
    %dma_wait3A_458 = arith.constant 0 : i32
    %dma_wait3A_459 = arith.constant 0 : i32
    %dma_wait3A_460 = tpu.memref_slice %arg4[%dma_wait3A_458, %dma_wait3A_459] : memref<532480x32xf32, #tpu.memory_space<hbm>> -> memref<532480x32xf32, #tpu.memory_space<hbm>>
    tpu.wait_indirect_dma semaphore(%arg22 : memref<!tpu.dma_semaphore, #tpu.memory_space<semaphore_mem>>) src(%arg14 : memref<640x32xf32, #tpu.memory_space<vmem>>) dst(%dma_wait3A_460 : memref<532480x32xf32, #tpu.memory_space<hbm>>)
    %run_scoped3A_461 = arith.constant 17 : i32
    "tpu.region"() ({
      %run_scoped3A_753 = tpu.sem_alloc : memref<!tpu.dma_semaphore, #tpu.memory_space<semaphore_mem>>
      %dma_start3A_754 = arith.constant 0 : i32
      %dma_start3A_755 = tpu.memref_slice %arg2[%run_scoped3A_461, %dma_start3A_754] : memref<26x20480xi32, #tpu.memory_space<hbm>> -> memref<1x20480xi32, #tpu.memory_space<hbm>>
      %dma_start3A_756 = tpu.memref_squeeze %dma_start3A_755 : memref<1x20480xi32, #tpu.memory_space<hbm>> -> memref<20480xi32, #tpu.memory_space<hbm>>
      %dma_start3A_757 = tpu.memref_slice %dma_start3A_756[%mul3A_2] : memref<20480xi32, #tpu.memory_space<hbm>> -> memref<640xi32, #tpu.memory_space<hbm>>
      %dma_start3A_758 = arith.constant 0 : i32
      %dma_start3A_759 = tpu.memref_slice %arg2[%run_scoped3A_461, %dma_start3A_758] : memref<26x20480xi32, #tpu.memory_space<hbm>> -> memref<1x20480xi32, #tpu.memory_space<hbm>>
      %dma_start3A_760 = tpu.memref_squeeze %dma_start3A_759 : memref<1x20480xi32, #tpu.memory_space<hbm>> -> memref<20480xi32, #tpu.memory_space<hbm>>
      %dma_start3A_761 = tpu.memref_slice %dma_start3A_760[%mul3A_2] : memref<20480xi32, #tpu.memory_space<hbm>> -> memref<640xi32, #tpu.memory_space<hbm>>
      tpu.enqueue_dma source(%dma_start3A_761 : memref<640xi32, #tpu.memory_space<hbm>>) target(%arg6 : memref<640xi32, #tpu.memory_space<vmem>>) target_semaphore(%run_scoped3A_753 : memref<!tpu.dma_semaphore, #tpu.memory_space<semaphore_mem>>)
      %dma_wait3A_762 = arith.constant 0 : i32
      %dma_wait3A_763 = tpu.memref_slice %arg2[%run_scoped3A_461, %dma_wait3A_762] : memref<26x20480xi32, #tpu.memory_space<hbm>> -> memref<1x20480xi32, #tpu.memory_space<hbm>>
      %dma_wait3A_764 = tpu.memref_squeeze %dma_wait3A_763 : memref<1x20480xi32, #tpu.memory_space<hbm>> -> memref<20480xi32, #tpu.memory_space<hbm>>
      %dma_wait3A_765 = tpu.memref_slice %dma_wait3A_764[%mul3A_2] : memref<20480xi32, #tpu.memory_space<hbm>> -> memref<640xi32, #tpu.memory_space<hbm>>
      %dma_wait3A_766 = arith.constant 0 : i32
      %dma_wait3A_767 = tpu.memref_slice %arg2[%run_scoped3A_461, %dma_wait3A_766] : memref<26x20480xi32, #tpu.memory_space<hbm>> -> memref<1x20480xi32, #tpu.memory_space<hbm>>
      %dma_wait3A_768 = tpu.memref_squeeze %dma_wait3A_767 : memref<1x20480xi32, #tpu.memory_space<hbm>> -> memref<20480xi32, #tpu.memory_space<hbm>>
      %dma_wait3A_769 = tpu.memref_slice %dma_wait3A_768[%mul3A_2] : memref<20480xi32, #tpu.memory_space<hbm>> -> memref<640xi32, #tpu.memory_space<hbm>>
      tpu.wait_dma2 semaphore(%run_scoped3A_753 : memref<!tpu.dma_semaphore, #tpu.memory_space<semaphore_mem>>) src(%dma_wait3A_769 : memref<640xi32, #tpu.memory_space<hbm>>) dst(%arg6 : memref<640xi32, #tpu.memory_space<vmem>>)
      tpu.yield
    }) : () -> ()
    %scan3A_462 = arith.constant 0 : i32
    %scan3A_463 = arith.constant 0 : i32
    %scan3A_464 = arith.constant 40 : i32
    %scan3A_465 = arith.addi %scan3A_463, %scan3A_464 : i32
    %scan3A_466 = arith.constant 1 : i32
    scf.for %scan3A_753 = %scan3A_463 to %scan3A_465 step %scan3A_466  : i32 {
      %mul3A_754 = arith.constant 16 : i32
      %mul3A_755 = arith.muli %scan3A_753, %mul3A_754 : i32
      %iota3A = tpu.iota {dimensions = array<i32: 0>} : vector<16xi32>
      %add3A_756 = vector.broadcast %mul3A_755 : i32 to vector<16xi32>
      %add3A_757 = arith.addi %add3A_756, %iota3A : vector<16xi32>
      %add3A_758 = vector.broadcast %mul3A_2 : i32 to vector<16xi32>
      %add3A_759 = arith.addi %add3A_758, %add3A_757 : vector<16xi32>
      %mul3A_760 = arith.constant 26 : i32
      %mul3A_761 = vector.broadcast %mul3A_760 : i32 to vector<16xi32>
      %mul3A_762 = arith.muli %add3A_759, %mul3A_761 : vector<16xi32>
      %add3A_763 = arith.constant 17 : i32
      %add3A_764 = vector.broadcast %add3A_763 : i32 to vector<16xi32>
      %add3A_765 = arith.addi %mul3A_762, %add3A_764 : vector<16xi32>
      %mul3A_766 = arith.constant 16 : i32
      %mul3A_767 = arith.muli %scan3A_753, %mul3A_766 : i32
      %swap3A = arith.index_cast %mul3A_767 : i32 to index
      %swap3A_768 = tpu.vector_load %arg10[%swap3A] {strides = array<i32>} : memref<640xi32, #tpu.memory_space<vmem>>, vector<16xi32>,
      %swap3A_769 = vector.shape_cast %swap3A_768 : vector<16xi32> to vector<16xi32>
      %swap3A_770 = vector.shape_cast %add3A_765 : vector<16xi32> to vector<16xi32>
      tpu.vector_store %arg10[%swap3A], %swap3A_770 {strides = array<i32>} : memref<640xi32, #tpu.memory_space<vmem>>, vector<16xi32>,
    }
    %scan3A_467 = arith.constant 40 : i32
    %dma_start3A_468 = arith.constant 17 : i32
    %dma_start3A_469 = arith.constant 0 : i32
    %dma_start3A_470 = arith.constant 0 : i32
    %dma_start3A_471 = tpu.memref_slice %arg3[%dma_start3A_468, %dma_start3A_469, %dma_start3A_470] : memref<26x100000x32xf32, #tpu.memory_space<hbm>> -> memref<1x100000x32xf32, #tpu.memory_space<hbm>>
    %dma_start3A_472 = tpu.memref_squeeze %dma_start3A_471 : memref<1x100000x32xf32, #tpu.memory_space<hbm>> -> memref<100000x32xf32, #tpu.memory_space<hbm>>
    %dma_start3A_473 = arith.constant 0 : i32
    %dma_start3A_474 = arith.constant 0 : i32
    %dma_start3A_475 = tpu.memref_slice %dma_start3A_472[%dma_start3A_473, %dma_start3A_474] : memref<100000x32xf32, #tpu.memory_space<hbm>> -> memref<100000x32xf32, #tpu.memory_space<hbm>>
    tpu.enqueue_indirect_dma source(%dma_start3A_475 : memref<100000x32xf32, #tpu.memory_space<hbm>>) target(%arg14 : memref<640x32xf32, #tpu.memory_space<vmem>>) offsets(%arg6 : memref<640xi32, #tpu.memory_space<vmem>>) semaphore(%arg18 : memref<!tpu.dma_semaphore, #tpu.memory_space<semaphore_mem>>)
    %dma_wait3A_476 = arith.constant 15 : i32
    %dma_wait3A_477 = arith.constant 0 : i32
    %dma_wait3A_478 = arith.constant 0 : i32
    %dma_wait3A_479 = tpu.memref_slice %arg3[%dma_wait3A_476, %dma_wait3A_477, %dma_wait3A_478] : memref<26x100000x32xf32, #tpu.memory_space<hbm>> -> memref<1x100000x32xf32, #tpu.memory_space<hbm>>
    %dma_wait3A_480 = tpu.memref_squeeze %dma_wait3A_479 : memref<1x100000x32xf32, #tpu.memory_space<hbm>> -> memref<100000x32xf32, #tpu.memory_space<hbm>>
    %dma_wait3A_481 = arith.constant 0 : i32
    %dma_wait3A_482 = arith.constant 0 : i32
    %dma_wait3A_483 = tpu.memref_slice %dma_wait3A_480[%dma_wait3A_481, %dma_wait3A_482] : memref<100000x32xf32, #tpu.memory_space<hbm>> -> memref<100000x32xf32, #tpu.memory_space<hbm>>
    tpu.wait_indirect_dma semaphore(%arg20 : memref<!tpu.dma_semaphore, #tpu.memory_space<semaphore_mem>>) src(%dma_wait3A_483 : memref<100000x32xf32, #tpu.memory_space<hbm>>) dst(%arg16 : memref<640x32xf32, #tpu.memory_space<vmem>>)
    %dma_start3A_484 = arith.constant 0 : i32
    %dma_start3A_485 = arith.constant 0 : i32
    %dma_start3A_486 = tpu.memref_slice %arg4[%dma_start3A_484, %dma_start3A_485] : memref<532480x32xf32, #tpu.memory_space<hbm>> -> memref<532480x32xf32, #tpu.memory_space<hbm>>
    tpu.enqueue_indirect_dma source(%arg16 : memref<640x32xf32, #tpu.memory_space<vmem>>) target(%dma_start3A_486 : memref<532480x32xf32, #tpu.memory_space<hbm>>) offsets(%arg12 : memref<640xi32, #tpu.memory_space<vmem>>) semaphore(%arg24 : memref<!tpu.dma_semaphore, #tpu.memory_space<semaphore_mem>>)
    %dma_wait3A_487 = arith.constant 0 : i32
    %dma_wait3A_488 = arith.constant 0 : i32
    %dma_wait3A_489 = tpu.memref_slice %arg4[%dma_wait3A_487, %dma_wait3A_488] : memref<532480x32xf32, #tpu.memory_space<hbm>> -> memref<532480x32xf32, #tpu.memory_space<hbm>>
    tpu.wait_indirect_dma semaphore(%arg23 : memref<!tpu.dma_semaphore, #tpu.memory_space<semaphore_mem>>) src(%arg15 : memref<640x32xf32, #tpu.memory_space<vmem>>) dst(%dma_wait3A_489 : memref<532480x32xf32, #tpu.memory_space<hbm>>)
    %run_scoped3A_490 = arith.constant 18 : i32
    "tpu.region"() ({
      %run_scoped3A_753 = tpu.sem_alloc : memref<!tpu.dma_semaphore, #tpu.memory_space<semaphore_mem>>
      %dma_start3A_754 = arith.constant 0 : i32
      %dma_start3A_755 = tpu.memref_slice %arg2[%run_scoped3A_490, %dma_start3A_754] : memref<26x20480xi32, #tpu.memory_space<hbm>> -> memref<1x20480xi32, #tpu.memory_space<hbm>>
      %dma_start3A_756 = tpu.memref_squeeze %dma_start3A_755 : memref<1x20480xi32, #tpu.memory_space<hbm>> -> memref<20480xi32, #tpu.memory_space<hbm>>
      %dma_start3A_757 = tpu.memref_slice %dma_start3A_756[%mul3A_2] : memref<20480xi32, #tpu.memory_space<hbm>> -> memref<640xi32, #tpu.memory_space<hbm>>
      %dma_start3A_758 = arith.constant 0 : i32
      %dma_start3A_759 = tpu.memref_slice %arg2[%run_scoped3A_490, %dma_start3A_758] : memref<26x20480xi32, #tpu.memory_space<hbm>> -> memref<1x20480xi32, #tpu.memory_space<hbm>>
      %dma_start3A_760 = tpu.memref_squeeze %dma_start3A_759 : memref<1x20480xi32, #tpu.memory_space<hbm>> -> memref<20480xi32, #tpu.memory_space<hbm>>
      %dma_start3A_761 = tpu.memref_slice %dma_start3A_760[%mul3A_2] : memref<20480xi32, #tpu.memory_space<hbm>> -> memref<640xi32, #tpu.memory_space<hbm>>
      tpu.enqueue_dma source(%dma_start3A_761 : memref<640xi32, #tpu.memory_space<hbm>>) target(%arg7 : memref<640xi32, #tpu.memory_space<vmem>>) target_semaphore(%run_scoped3A_753 : memref<!tpu.dma_semaphore, #tpu.memory_space<semaphore_mem>>)
      %dma_wait3A_762 = arith.constant 0 : i32
      %dma_wait3A_763 = tpu.memref_slice %arg2[%run_scoped3A_490, %dma_wait3A_762] : memref<26x20480xi32, #tpu.memory_space<hbm>> -> memref<1x20480xi32, #tpu.memory_space<hbm>>
      %dma_wait3A_764 = tpu.memref_squeeze %dma_wait3A_763 : memref<1x20480xi32, #tpu.memory_space<hbm>> -> memref<20480xi32, #tpu.memory_space<hbm>>
      %dma_wait3A_765 = tpu.memref_slice %dma_wait3A_764[%mul3A_2] : memref<20480xi32, #tpu.memory_space<hbm>> -> memref<640xi32, #tpu.memory_space<hbm>>
      %dma_wait3A_766 = arith.constant 0 : i32
      %dma_wait3A_767 = tpu.memref_slice %arg2[%run_scoped3A_490, %dma_wait3A_766] : memref<26x20480xi32, #tpu.memory_space<hbm>> -> memref<1x20480xi32, #tpu.memory_space<hbm>>
      %dma_wait3A_768 = tpu.memref_squeeze %dma_wait3A_767 : memref<1x20480xi32, #tpu.memory_space<hbm>> -> memref<20480xi32, #tpu.memory_space<hbm>>
      %dma_wait3A_769 = tpu.memref_slice %dma_wait3A_768[%mul3A_2] : memref<20480xi32, #tpu.memory_space<hbm>> -> memref<640xi32, #tpu.memory_space<hbm>>
      tpu.wait_dma2 semaphore(%run_scoped3A_753 : memref<!tpu.dma_semaphore, #tpu.memory_space<semaphore_mem>>) src(%dma_wait3A_769 : memref<640xi32, #tpu.memory_space<hbm>>) dst(%arg7 : memref<640xi32, #tpu.memory_space<vmem>>)
      tpu.yield
    }) : () -> ()
    %scan3A_491 = arith.constant 0 : i32
    %scan3A_492 = arith.constant 0 : i32
    %scan3A_493 = arith.constant 40 : i32
    %scan3A_494 = arith.addi %scan3A_492, %scan3A_493 : i32
    %scan3A_495 = arith.constant 1 : i32
    scf.for %scan3A_753 = %scan3A_492 to %scan3A_494 step %scan3A_495  : i32 {
      %mul3A_754 = arith.constant 16 : i32
      %mul3A_755 = arith.muli %scan3A_753, %mul3A_754 : i32
      %iota3A = tpu.iota {dimensions = array<i32: 0>} : vector<16xi32>
      %add3A_756 = vector.broadcast %mul3A_755 : i32 to vector<16xi32>
      %add3A_757 = arith.addi %add3A_756, %iota3A : vector<16xi32>
      %add3A_758 = vector.broadcast %mul3A_2 : i32 to vector<16xi32>
      %add3A_759 = arith.addi %add3A_758, %add3A_757 : vector<16xi32>
      %mul3A_760 = arith.constant 26 : i32
      %mul3A_761 = vector.broadcast %mul3A_760 : i32 to vector<16xi32>
      %mul3A_762 = arith.muli %add3A_759, %mul3A_761 : vector<16xi32>
      %add3A_763 = arith.constant 18 : i32
      %add3A_764 = vector.broadcast %add3A_763 : i32 to vector<16xi32>
      %add3A_765 = arith.addi %mul3A_762, %add3A_764 : vector<16xi32>
      %mul3A_766 = arith.constant 16 : i32
      %mul3A_767 = arith.muli %scan3A_753, %mul3A_766 : i32
      %swap3A = arith.index_cast %mul3A_767 : i32 to index
      %swap3A_768 = tpu.vector_load %arg11[%swap3A] {strides = array<i32>} : memref<640xi32, #tpu.memory_space<vmem>>, vector<16xi32>,
      %swap3A_769 = vector.shape_cast %swap3A_768 : vector<16xi32> to vector<16xi32>
      %swap3A_770 = vector.shape_cast %add3A_765 : vector<16xi32> to vector<16xi32>
      tpu.vector_store %arg11[%swap3A], %swap3A_770 {strides = array<i32>} : memref<640xi32, #tpu.memory_space<vmem>>, vector<16xi32>,
    }
    %scan3A_496 = arith.constant 40 : i32
    %dma_start3A_497 = arith.constant 18 : i32
    %dma_start3A_498 = arith.constant 0 : i32
    %dma_start3A_499 = arith.constant 0 : i32
    %dma_start3A_500 = tpu.memref_slice %arg3[%dma_start3A_497, %dma_start3A_498, %dma_start3A_499] : memref<26x100000x32xf32, #tpu.memory_space<hbm>> -> memref<1x100000x32xf32, #tpu.memory_space<hbm>>
    %dma_start3A_501 = tpu.memref_squeeze %dma_start3A_500 : memref<1x100000x32xf32, #tpu.memory_space<hbm>> -> memref<100000x32xf32, #tpu.memory_space<hbm>>
    %dma_start3A_502 = arith.constant 0 : i32
    %dma_start3A_503 = arith.constant 0 : i32
    %dma_start3A_504 = tpu.memref_slice %dma_start3A_501[%dma_start3A_502, %dma_start3A_503] : memref<100000x32xf32, #tpu.memory_space<hbm>> -> memref<100000x32xf32, #tpu.memory_space<hbm>>
    tpu.enqueue_indirect_dma source(%dma_start3A_504 : memref<100000x32xf32, #tpu.memory_space<hbm>>) target(%arg15 : memref<640x32xf32, #tpu.memory_space<vmem>>) offsets(%arg7 : memref<640xi32, #tpu.memory_space<vmem>>) semaphore(%arg19 : memref<!tpu.dma_semaphore, #tpu.memory_space<semaphore_mem>>)
    %dma_wait3A_505 = arith.constant 16 : i32
    %dma_wait3A_506 = arith.constant 0 : i32
    %dma_wait3A_507 = arith.constant 0 : i32
    %dma_wait3A_508 = tpu.memref_slice %arg3[%dma_wait3A_505, %dma_wait3A_506, %dma_wait3A_507] : memref<26x100000x32xf32, #tpu.memory_space<hbm>> -> memref<1x100000x32xf32, #tpu.memory_space<hbm>>
    %dma_wait3A_509 = tpu.memref_squeeze %dma_wait3A_508 : memref<1x100000x32xf32, #tpu.memory_space<hbm>> -> memref<100000x32xf32, #tpu.memory_space<hbm>>
    %dma_wait3A_510 = arith.constant 0 : i32
    %dma_wait3A_511 = arith.constant 0 : i32
    %dma_wait3A_512 = tpu.memref_slice %dma_wait3A_509[%dma_wait3A_510, %dma_wait3A_511] : memref<100000x32xf32, #tpu.memory_space<hbm>> -> memref<100000x32xf32, #tpu.memory_space<hbm>>
    tpu.wait_indirect_dma semaphore(%arg17 : memref<!tpu.dma_semaphore, #tpu.memory_space<semaphore_mem>>) src(%dma_wait3A_512 : memref<100000x32xf32, #tpu.memory_space<hbm>>) dst(%arg13 : memref<640x32xf32, #tpu.memory_space<vmem>>)
    %dma_start3A_513 = arith.constant 0 : i32
    %dma_start3A_514 = arith.constant 0 : i32
    %dma_start3A_515 = tpu.memref_slice %arg4[%dma_start3A_513, %dma_start3A_514] : memref<532480x32xf32, #tpu.memory_space<hbm>> -> memref<532480x32xf32, #tpu.memory_space<hbm>>
    tpu.enqueue_indirect_dma source(%arg13 : memref<640x32xf32, #tpu.memory_space<vmem>>) target(%dma_start3A_515 : memref<532480x32xf32, #tpu.memory_space<hbm>>) offsets(%arg9 : memref<640xi32, #tpu.memory_space<vmem>>) semaphore(%arg21 : memref<!tpu.dma_semaphore, #tpu.memory_space<semaphore_mem>>)
    %dma_wait3A_516 = arith.constant 0 : i32
    %dma_wait3A_517 = arith.constant 0 : i32
    %dma_wait3A_518 = tpu.memref_slice %arg4[%dma_wait3A_516, %dma_wait3A_517] : memref<532480x32xf32, #tpu.memory_space<hbm>> -> memref<532480x32xf32, #tpu.memory_space<hbm>>
    tpu.wait_indirect_dma semaphore(%arg24 : memref<!tpu.dma_semaphore, #tpu.memory_space<semaphore_mem>>) src(%arg16 : memref<640x32xf32, #tpu.memory_space<vmem>>) dst(%dma_wait3A_518 : memref<532480x32xf32, #tpu.memory_space<hbm>>)
    %run_scoped3A_519 = arith.constant 19 : i32
    "tpu.region"() ({
      %run_scoped3A_753 = tpu.sem_alloc : memref<!tpu.dma_semaphore, #tpu.memory_space<semaphore_mem>>
      %dma_start3A_754 = arith.constant 0 : i32
      %dma_start3A_755 = tpu.memref_slice %arg2[%run_scoped3A_519, %dma_start3A_754] : memref<26x20480xi32, #tpu.memory_space<hbm>> -> memref<1x20480xi32, #tpu.memory_space<hbm>>
      %dma_start3A_756 = tpu.memref_squeeze %dma_start3A_755 : memref<1x20480xi32, #tpu.memory_space<hbm>> -> memref<20480xi32, #tpu.memory_space<hbm>>
      %dma_start3A_757 = tpu.memref_slice %dma_start3A_756[%mul3A_2] : memref<20480xi32, #tpu.memory_space<hbm>> -> memref<640xi32, #tpu.memory_space<hbm>>
      %dma_start3A_758 = arith.constant 0 : i32
      %dma_start3A_759 = tpu.memref_slice %arg2[%run_scoped3A_519, %dma_start3A_758] : memref<26x20480xi32, #tpu.memory_space<hbm>> -> memref<1x20480xi32, #tpu.memory_space<hbm>>
      %dma_start3A_760 = tpu.memref_squeeze %dma_start3A_759 : memref<1x20480xi32, #tpu.memory_space<hbm>> -> memref<20480xi32, #tpu.memory_space<hbm>>
      %dma_start3A_761 = tpu.memref_slice %dma_start3A_760[%mul3A_2] : memref<20480xi32, #tpu.memory_space<hbm>> -> memref<640xi32, #tpu.memory_space<hbm>>
      tpu.enqueue_dma source(%dma_start3A_761 : memref<640xi32, #tpu.memory_space<hbm>>) target(%arg8 : memref<640xi32, #tpu.memory_space<vmem>>) target_semaphore(%run_scoped3A_753 : memref<!tpu.dma_semaphore, #tpu.memory_space<semaphore_mem>>)
      %dma_wait3A_762 = arith.constant 0 : i32
      %dma_wait3A_763 = tpu.memref_slice %arg2[%run_scoped3A_519, %dma_wait3A_762] : memref<26x20480xi32, #tpu.memory_space<hbm>> -> memref<1x20480xi32, #tpu.memory_space<hbm>>
      %dma_wait3A_764 = tpu.memref_squeeze %dma_wait3A_763 : memref<1x20480xi32, #tpu.memory_space<hbm>> -> memref<20480xi32, #tpu.memory_space<hbm>>
      %dma_wait3A_765 = tpu.memref_slice %dma_wait3A_764[%mul3A_2] : memref<20480xi32, #tpu.memory_space<hbm>> -> memref<640xi32, #tpu.memory_space<hbm>>
      %dma_wait3A_766 = arith.constant 0 : i32
      %dma_wait3A_767 = tpu.memref_slice %arg2[%run_scoped3A_519, %dma_wait3A_766] : memref<26x20480xi32, #tpu.memory_space<hbm>> -> memref<1x20480xi32, #tpu.memory_space<hbm>>
      %dma_wait3A_768 = tpu.memref_squeeze %dma_wait3A_767 : memref<1x20480xi32, #tpu.memory_space<hbm>> -> memref<20480xi32, #tpu.memory_space<hbm>>
      %dma_wait3A_769 = tpu.memref_slice %dma_wait3A_768[%mul3A_2] : memref<20480xi32, #tpu.memory_space<hbm>> -> memref<640xi32, #tpu.memory_space<hbm>>
      tpu.wait_dma2 semaphore(%run_scoped3A_753 : memref<!tpu.dma_semaphore, #tpu.memory_space<semaphore_mem>>) src(%dma_wait3A_769 : memref<640xi32, #tpu.memory_space<hbm>>) dst(%arg8 : memref<640xi32, #tpu.memory_space<vmem>>)
      tpu.yield
    }) : () -> ()
    %scan3A_520 = arith.constant 0 : i32
    %scan3A_521 = arith.constant 0 : i32
    %scan3A_522 = arith.constant 40 : i32
    %scan3A_523 = arith.addi %scan3A_521, %scan3A_522 : i32
    %scan3A_524 = arith.constant 1 : i32
    scf.for %scan3A_753 = %scan3A_521 to %scan3A_523 step %scan3A_524  : i32 {
      %mul3A_754 = arith.constant 16 : i32
      %mul3A_755 = arith.muli %scan3A_753, %mul3A_754 : i32
      %iota3A = tpu.iota {dimensions = array<i32: 0>} : vector<16xi32>
      %add3A_756 = vector.broadcast %mul3A_755 : i32 to vector<16xi32>
      %add3A_757 = arith.addi %add3A_756, %iota3A : vector<16xi32>
      %add3A_758 = vector.broadcast %mul3A_2 : i32 to vector<16xi32>
      %add3A_759 = arith.addi %add3A_758, %add3A_757 : vector<16xi32>
      %mul3A_760 = arith.constant 26 : i32
      %mul3A_761 = vector.broadcast %mul3A_760 : i32 to vector<16xi32>
      %mul3A_762 = arith.muli %add3A_759, %mul3A_761 : vector<16xi32>
      %add3A_763 = arith.constant 19 : i32
      %add3A_764 = vector.broadcast %add3A_763 : i32 to vector<16xi32>
      %add3A_765 = arith.addi %mul3A_762, %add3A_764 : vector<16xi32>
      %mul3A_766 = arith.constant 16 : i32
      %mul3A_767 = arith.muli %scan3A_753, %mul3A_766 : i32
      %swap3A = arith.index_cast %mul3A_767 : i32 to index
      %swap3A_768 = tpu.vector_load %arg12[%swap3A] {strides = array<i32>} : memref<640xi32, #tpu.memory_space<vmem>>, vector<16xi32>,
      %swap3A_769 = vector.shape_cast %swap3A_768 : vector<16xi32> to vector<16xi32>
      %swap3A_770 = vector.shape_cast %add3A_765 : vector<16xi32> to vector<16xi32>
      tpu.vector_store %arg12[%swap3A], %swap3A_770 {strides = array<i32>} : memref<640xi32, #tpu.memory_space<vmem>>, vector<16xi32>,
    }
    %scan3A_525 = arith.constant 40 : i32
    %dma_start3A_526 = arith.constant 19 : i32
    %dma_start3A_527 = arith.constant 0 : i32
    %dma_start3A_528 = arith.constant 0 : i32
    %dma_start3A_529 = tpu.memref_slice %arg3[%dma_start3A_526, %dma_start3A_527, %dma_start3A_528] : memref<26x100000x32xf32, #tpu.memory_space<hbm>> -> memref<1x100000x32xf32, #tpu.memory_space<hbm>>
    %dma_start3A_530 = tpu.memref_squeeze %dma_start3A_529 : memref<1x100000x32xf32, #tpu.memory_space<hbm>> -> memref<100000x32xf32, #tpu.memory_space<hbm>>
    %dma_start3A_531 = arith.constant 0 : i32
    %dma_start3A_532 = arith.constant 0 : i32
    %dma_start3A_533 = tpu.memref_slice %dma_start3A_530[%dma_start3A_531, %dma_start3A_532] : memref<100000x32xf32, #tpu.memory_space<hbm>> -> memref<100000x32xf32, #tpu.memory_space<hbm>>
    tpu.enqueue_indirect_dma source(%dma_start3A_533 : memref<100000x32xf32, #tpu.memory_space<hbm>>) target(%arg16 : memref<640x32xf32, #tpu.memory_space<vmem>>) offsets(%arg8 : memref<640xi32, #tpu.memory_space<vmem>>) semaphore(%arg20 : memref<!tpu.dma_semaphore, #tpu.memory_space<semaphore_mem>>)
    %dma_wait3A_534 = arith.constant 17 : i32
    %dma_wait3A_535 = arith.constant 0 : i32
    %dma_wait3A_536 = arith.constant 0 : i32
    %dma_wait3A_537 = tpu.memref_slice %arg3[%dma_wait3A_534, %dma_wait3A_535, %dma_wait3A_536] : memref<26x100000x32xf32, #tpu.memory_space<hbm>> -> memref<1x100000x32xf32, #tpu.memory_space<hbm>>
    %dma_wait3A_538 = tpu.memref_squeeze %dma_wait3A_537 : memref<1x100000x32xf32, #tpu.memory_space<hbm>> -> memref<100000x32xf32, #tpu.memory_space<hbm>>
    %dma_wait3A_539 = arith.constant 0 : i32
    %dma_wait3A_540 = arith.constant 0 : i32
    %dma_wait3A_541 = tpu.memref_slice %dma_wait3A_538[%dma_wait3A_539, %dma_wait3A_540] : memref<100000x32xf32, #tpu.memory_space<hbm>> -> memref<100000x32xf32, #tpu.memory_space<hbm>>
    tpu.wait_indirect_dma semaphore(%arg18 : memref<!tpu.dma_semaphore, #tpu.memory_space<semaphore_mem>>) src(%dma_wait3A_541 : memref<100000x32xf32, #tpu.memory_space<hbm>>) dst(%arg14 : memref<640x32xf32, #tpu.memory_space<vmem>>)
    %dma_start3A_542 = arith.constant 0 : i32
    %dma_start3A_543 = arith.constant 0 : i32
    %dma_start3A_544 = tpu.memref_slice %arg4[%dma_start3A_542, %dma_start3A_543] : memref<532480x32xf32, #tpu.memory_space<hbm>> -> memref<532480x32xf32, #tpu.memory_space<hbm>>
    tpu.enqueue_indirect_dma source(%arg14 : memref<640x32xf32, #tpu.memory_space<vmem>>) target(%dma_start3A_544 : memref<532480x32xf32, #tpu.memory_space<hbm>>) offsets(%arg10 : memref<640xi32, #tpu.memory_space<vmem>>) semaphore(%arg22 : memref<!tpu.dma_semaphore, #tpu.memory_space<semaphore_mem>>)
    %dma_wait3A_545 = arith.constant 0 : i32
    %dma_wait3A_546 = arith.constant 0 : i32
    %dma_wait3A_547 = tpu.memref_slice %arg4[%dma_wait3A_545, %dma_wait3A_546] : memref<532480x32xf32, #tpu.memory_space<hbm>> -> memref<532480x32xf32, #tpu.memory_space<hbm>>
    tpu.wait_indirect_dma semaphore(%arg21 : memref<!tpu.dma_semaphore, #tpu.memory_space<semaphore_mem>>) src(%arg13 : memref<640x32xf32, #tpu.memory_space<vmem>>) dst(%dma_wait3A_547 : memref<532480x32xf32, #tpu.memory_space<hbm>>)
    %run_scoped3A_548 = arith.constant 20 : i32
    "tpu.region"() ({
      %run_scoped3A_753 = tpu.sem_alloc : memref<!tpu.dma_semaphore, #tpu.memory_space<semaphore_mem>>
      %dma_start3A_754 = arith.constant 0 : i32
      %dma_start3A_755 = tpu.memref_slice %arg2[%run_scoped3A_548, %dma_start3A_754] : memref<26x20480xi32, #tpu.memory_space<hbm>> -> memref<1x20480xi32, #tpu.memory_space<hbm>>
      %dma_start3A_756 = tpu.memref_squeeze %dma_start3A_755 : memref<1x20480xi32, #tpu.memory_space<hbm>> -> memref<20480xi32, #tpu.memory_space<hbm>>
      %dma_start3A_757 = tpu.memref_slice %dma_start3A_756[%mul3A_2] : memref<20480xi32, #tpu.memory_space<hbm>> -> memref<640xi32, #tpu.memory_space<hbm>>
      %dma_start3A_758 = arith.constant 0 : i32
      %dma_start3A_759 = tpu.memref_slice %arg2[%run_scoped3A_548, %dma_start3A_758] : memref<26x20480xi32, #tpu.memory_space<hbm>> -> memref<1x20480xi32, #tpu.memory_space<hbm>>
      %dma_start3A_760 = tpu.memref_squeeze %dma_start3A_759 : memref<1x20480xi32, #tpu.memory_space<hbm>> -> memref<20480xi32, #tpu.memory_space<hbm>>
      %dma_start3A_761 = tpu.memref_slice %dma_start3A_760[%mul3A_2] : memref<20480xi32, #tpu.memory_space<hbm>> -> memref<640xi32, #tpu.memory_space<hbm>>
      tpu.enqueue_dma source(%dma_start3A_761 : memref<640xi32, #tpu.memory_space<hbm>>) target(%arg5 : memref<640xi32, #tpu.memory_space<vmem>>) target_semaphore(%run_scoped3A_753 : memref<!tpu.dma_semaphore, #tpu.memory_space<semaphore_mem>>)
      %dma_wait3A_762 = arith.constant 0 : i32
      %dma_wait3A_763 = tpu.memref_slice %arg2[%run_scoped3A_548, %dma_wait3A_762] : memref<26x20480xi32, #tpu.memory_space<hbm>> -> memref<1x20480xi32, #tpu.memory_space<hbm>>
      %dma_wait3A_764 = tpu.memref_squeeze %dma_wait3A_763 : memref<1x20480xi32, #tpu.memory_space<hbm>> -> memref<20480xi32, #tpu.memory_space<hbm>>
      %dma_wait3A_765 = tpu.memref_slice %dma_wait3A_764[%mul3A_2] : memref<20480xi32, #tpu.memory_space<hbm>> -> memref<640xi32, #tpu.memory_space<hbm>>
      %dma_wait3A_766 = arith.constant 0 : i32
      %dma_wait3A_767 = tpu.memref_slice %arg2[%run_scoped3A_548, %dma_wait3A_766] : memref<26x20480xi32, #tpu.memory_space<hbm>> -> memref<1x20480xi32, #tpu.memory_space<hbm>>
      %dma_wait3A_768 = tpu.memref_squeeze %dma_wait3A_767 : memref<1x20480xi32, #tpu.memory_space<hbm>> -> memref<20480xi32, #tpu.memory_space<hbm>>
      %dma_wait3A_769 = tpu.memref_slice %dma_wait3A_768[%mul3A_2] : memref<20480xi32, #tpu.memory_space<hbm>> -> memref<640xi32, #tpu.memory_space<hbm>>
      tpu.wait_dma2 semaphore(%run_scoped3A_753 : memref<!tpu.dma_semaphore, #tpu.memory_space<semaphore_mem>>) src(%dma_wait3A_769 : memref<640xi32, #tpu.memory_space<hbm>>) dst(%arg5 : memref<640xi32, #tpu.memory_space<vmem>>)
      tpu.yield
    }) : () -> ()
    %scan3A_549 = arith.constant 0 : i32
    %scan3A_550 = arith.constant 0 : i32
    %scan3A_551 = arith.constant 40 : i32
    %scan3A_552 = arith.addi %scan3A_550, %scan3A_551 : i32
    %scan3A_553 = arith.constant 1 : i32
    scf.for %scan3A_753 = %scan3A_550 to %scan3A_552 step %scan3A_553  : i32 {
      %mul3A_754 = arith.constant 16 : i32
      %mul3A_755 = arith.muli %scan3A_753, %mul3A_754 : i32
      %iota3A = tpu.iota {dimensions = array<i32: 0>} : vector<16xi32>
      %add3A_756 = vector.broadcast %mul3A_755 : i32 to vector<16xi32>
      %add3A_757 = arith.addi %add3A_756, %iota3A : vector<16xi32>
      %add3A_758 = vector.broadcast %mul3A_2 : i32 to vector<16xi32>
      %add3A_759 = arith.addi %add3A_758, %add3A_757 : vector<16xi32>
      %mul3A_760 = arith.constant 26 : i32
      %mul3A_761 = vector.broadcast %mul3A_760 : i32 to vector<16xi32>
      %mul3A_762 = arith.muli %add3A_759, %mul3A_761 : vector<16xi32>
      %add3A_763 = arith.constant 20 : i32
      %add3A_764 = vector.broadcast %add3A_763 : i32 to vector<16xi32>
      %add3A_765 = arith.addi %mul3A_762, %add3A_764 : vector<16xi32>
      %mul3A_766 = arith.constant 16 : i32
      %mul3A_767 = arith.muli %scan3A_753, %mul3A_766 : i32
      %swap3A = arith.index_cast %mul3A_767 : i32 to index
      %swap3A_768 = tpu.vector_load %arg9[%swap3A] {strides = array<i32>} : memref<640xi32, #tpu.memory_space<vmem>>, vector<16xi32>,
      %swap3A_769 = vector.shape_cast %swap3A_768 : vector<16xi32> to vector<16xi32>
      %swap3A_770 = vector.shape_cast %add3A_765 : vector<16xi32> to vector<16xi32>
      tpu.vector_store %arg9[%swap3A], %swap3A_770 {strides = array<i32>} : memref<640xi32, #tpu.memory_space<vmem>>, vector<16xi32>,
    }
    %scan3A_554 = arith.constant 40 : i32
    %dma_start3A_555 = arith.constant 20 : i32
    %dma_start3A_556 = arith.constant 0 : i32
    %dma_start3A_557 = arith.constant 0 : i32
    %dma_start3A_558 = tpu.memref_slice %arg3[%dma_start3A_555, %dma_start3A_556, %dma_start3A_557] : memref<26x100000x32xf32, #tpu.memory_space<hbm>> -> memref<1x100000x32xf32, #tpu.memory_space<hbm>>
    %dma_start3A_559 = tpu.memref_squeeze %dma_start3A_558 : memref<1x100000x32xf32, #tpu.memory_space<hbm>> -> memref<100000x32xf32, #tpu.memory_space<hbm>>
    %dma_start3A_560 = arith.constant 0 : i32
    %dma_start3A_561 = arith.constant 0 : i32
    %dma_start3A_562 = tpu.memref_slice %dma_start3A_559[%dma_start3A_560, %dma_start3A_561] : memref<100000x32xf32, #tpu.memory_space<hbm>> -> memref<100000x32xf32, #tpu.memory_space<hbm>>
    tpu.enqueue_indirect_dma source(%dma_start3A_562 : memref<100000x32xf32, #tpu.memory_space<hbm>>) target(%arg13 : memref<640x32xf32, #tpu.memory_space<vmem>>) offsets(%arg5 : memref<640xi32, #tpu.memory_space<vmem>>) semaphore(%arg17 : memref<!tpu.dma_semaphore, #tpu.memory_space<semaphore_mem>>)
    %dma_wait3A_563 = arith.constant 18 : i32
    %dma_wait3A_564 = arith.constant 0 : i32
    %dma_wait3A_565 = arith.constant 0 : i32
    %dma_wait3A_566 = tpu.memref_slice %arg3[%dma_wait3A_563, %dma_wait3A_564, %dma_wait3A_565] : memref<26x100000x32xf32, #tpu.memory_space<hbm>> -> memref<1x100000x32xf32, #tpu.memory_space<hbm>>
    %dma_wait3A_567 = tpu.memref_squeeze %dma_wait3A_566 : memref<1x100000x32xf32, #tpu.memory_space<hbm>> -> memref<100000x32xf32, #tpu.memory_space<hbm>>
    %dma_wait3A_568 = arith.constant 0 : i32
    %dma_wait3A_569 = arith.constant 0 : i32
    %dma_wait3A_570 = tpu.memref_slice %dma_wait3A_567[%dma_wait3A_568, %dma_wait3A_569] : memref<100000x32xf32, #tpu.memory_space<hbm>> -> memref<100000x32xf32, #tpu.memory_space<hbm>>
    tpu.wait_indirect_dma semaphore(%arg19 : memref<!tpu.dma_semaphore, #tpu.memory_space<semaphore_mem>>) src(%dma_wait3A_570 : memref<100000x32xf32, #tpu.memory_space<hbm>>) dst(%arg15 : memref<640x32xf32, #tpu.memory_space<vmem>>)
    %dma_start3A_571 = arith.constant 0 : i32
    %dma_start3A_572 = arith.constant 0 : i32
    %dma_start3A_573 = tpu.memref_slice %arg4[%dma_start3A_571, %dma_start3A_572] : memref<532480x32xf32, #tpu.memory_space<hbm>> -> memref<532480x32xf32, #tpu.memory_space<hbm>>
    tpu.enqueue_indirect_dma source(%arg15 : memref<640x32xf32, #tpu.memory_space<vmem>>) target(%dma_start3A_573 : memref<532480x32xf32, #tpu.memory_space<hbm>>) offsets(%arg11 : memref<640xi32, #tpu.memory_space<vmem>>) semaphore(%arg23 : memref<!tpu.dma_semaphore, #tpu.memory_space<semaphore_mem>>)
    %dma_wait3A_574 = arith.constant 0 : i32
    %dma_wait3A_575 = arith.constant 0 : i32
    %dma_wait3A_576 = tpu.memref_slice %arg4[%dma_wait3A_574, %dma_wait3A_575] : memref<532480x32xf32, #tpu.memory_space<hbm>> -> memref<532480x32xf32, #tpu.memory_space<hbm>>
    tpu.wait_indirect_dma semaphore(%arg22 : memref<!tpu.dma_semaphore, #tpu.memory_space<semaphore_mem>>) src(%arg14 : memref<640x32xf32, #tpu.memory_space<vmem>>) dst(%dma_wait3A_576 : memref<532480x32xf32, #tpu.memory_space<hbm>>)
    %run_scoped3A_577 = arith.constant 21 : i32
    "tpu.region"() ({
      %run_scoped3A_753 = tpu.sem_alloc : memref<!tpu.dma_semaphore, #tpu.memory_space<semaphore_mem>>
      %dma_start3A_754 = arith.constant 0 : i32
      %dma_start3A_755 = tpu.memref_slice %arg2[%run_scoped3A_577, %dma_start3A_754] : memref<26x20480xi32, #tpu.memory_space<hbm>> -> memref<1x20480xi32, #tpu.memory_space<hbm>>
      %dma_start3A_756 = tpu.memref_squeeze %dma_start3A_755 : memref<1x20480xi32, #tpu.memory_space<hbm>> -> memref<20480xi32, #tpu.memory_space<hbm>>
      %dma_start3A_757 = tpu.memref_slice %dma_start3A_756[%mul3A_2] : memref<20480xi32, #tpu.memory_space<hbm>> -> memref<640xi32, #tpu.memory_space<hbm>>
      %dma_start3A_758 = arith.constant 0 : i32
      %dma_start3A_759 = tpu.memref_slice %arg2[%run_scoped3A_577, %dma_start3A_758] : memref<26x20480xi32, #tpu.memory_space<hbm>> -> memref<1x20480xi32, #tpu.memory_space<hbm>>
      %dma_start3A_760 = tpu.memref_squeeze %dma_start3A_759 : memref<1x20480xi32, #tpu.memory_space<hbm>> -> memref<20480xi32, #tpu.memory_space<hbm>>
      %dma_start3A_761 = tpu.memref_slice %dma_start3A_760[%mul3A_2] : memref<20480xi32, #tpu.memory_space<hbm>> -> memref<640xi32, #tpu.memory_space<hbm>>
      tpu.enqueue_dma source(%dma_start3A_761 : memref<640xi32, #tpu.memory_space<hbm>>) target(%arg6 : memref<640xi32, #tpu.memory_space<vmem>>) target_semaphore(%run_scoped3A_753 : memref<!tpu.dma_semaphore, #tpu.memory_space<semaphore_mem>>)
      %dma_wait3A_762 = arith.constant 0 : i32
      %dma_wait3A_763 = tpu.memref_slice %arg2[%run_scoped3A_577, %dma_wait3A_762] : memref<26x20480xi32, #tpu.memory_space<hbm>> -> memref<1x20480xi32, #tpu.memory_space<hbm>>
      %dma_wait3A_764 = tpu.memref_squeeze %dma_wait3A_763 : memref<1x20480xi32, #tpu.memory_space<hbm>> -> memref<20480xi32, #tpu.memory_space<hbm>>
      %dma_wait3A_765 = tpu.memref_slice %dma_wait3A_764[%mul3A_2] : memref<20480xi32, #tpu.memory_space<hbm>> -> memref<640xi32, #tpu.memory_space<hbm>>
      %dma_wait3A_766 = arith.constant 0 : i32
      %dma_wait3A_767 = tpu.memref_slice %arg2[%run_scoped3A_577, %dma_wait3A_766] : memref<26x20480xi32, #tpu.memory_space<hbm>> -> memref<1x20480xi32, #tpu.memory_space<hbm>>
      %dma_wait3A_768 = tpu.memref_squeeze %dma_wait3A_767 : memref<1x20480xi32, #tpu.memory_space<hbm>> -> memref<20480xi32, #tpu.memory_space<hbm>>
      %dma_wait3A_769 = tpu.memref_slice %dma_wait3A_768[%mul3A_2] : memref<20480xi32, #tpu.memory_space<hbm>> -> memref<640xi32, #tpu.memory_space<hbm>>
      tpu.wait_dma2 semaphore(%run_scoped3A_753 : memref<!tpu.dma_semaphore, #tpu.memory_space<semaphore_mem>>) src(%dma_wait3A_769 : memref<640xi32, #tpu.memory_space<hbm>>) dst(%arg6 : memref<640xi32, #tpu.memory_space<vmem>>)
      tpu.yield
    }) : () -> ()
    %scan3A_578 = arith.constant 0 : i32
    %scan3A_579 = arith.constant 0 : i32
    %scan3A_580 = arith.constant 40 : i32
    %scan3A_581 = arith.addi %scan3A_579, %scan3A_580 : i32
    %scan3A_582 = arith.constant 1 : i32
    scf.for %scan3A_753 = %scan3A_579 to %scan3A_581 step %scan3A_582  : i32 {
      %mul3A_754 = arith.constant 16 : i32
      %mul3A_755 = arith.muli %scan3A_753, %mul3A_754 : i32
      %iota3A = tpu.iota {dimensions = array<i32: 0>} : vector<16xi32>
      %add3A_756 = vector.broadcast %mul3A_755 : i32 to vector<16xi32>
      %add3A_757 = arith.addi %add3A_756, %iota3A : vector<16xi32>
      %add3A_758 = vector.broadcast %mul3A_2 : i32 to vector<16xi32>
      %add3A_759 = arith.addi %add3A_758, %add3A_757 : vector<16xi32>
      %mul3A_760 = arith.constant 26 : i32
      %mul3A_761 = vector.broadcast %mul3A_760 : i32 to vector<16xi32>
      %mul3A_762 = arith.muli %add3A_759, %mul3A_761 : vector<16xi32>
      %add3A_763 = arith.constant 21 : i32
      %add3A_764 = vector.broadcast %add3A_763 : i32 to vector<16xi32>
      %add3A_765 = arith.addi %mul3A_762, %add3A_764 : vector<16xi32>
      %mul3A_766 = arith.constant 16 : i32
      %mul3A_767 = arith.muli %scan3A_753, %mul3A_766 : i32
      %swap3A = arith.index_cast %mul3A_767 : i32 to index
      %swap3A_768 = tpu.vector_load %arg10[%swap3A] {strides = array<i32>} : memref<640xi32, #tpu.memory_space<vmem>>, vector<16xi32>,
      %swap3A_769 = vector.shape_cast %swap3A_768 : vector<16xi32> to vector<16xi32>
      %swap3A_770 = vector.shape_cast %add3A_765 : vector<16xi32> to vector<16xi32>
      tpu.vector_store %arg10[%swap3A], %swap3A_770 {strides = array<i32>} : memref<640xi32, #tpu.memory_space<vmem>>, vector<16xi32>,
    }
    %scan3A_583 = arith.constant 40 : i32
    %dma_start3A_584 = arith.constant 21 : i32
    %dma_start3A_585 = arith.constant 0 : i32
    %dma_start3A_586 = arith.constant 0 : i32
    %dma_start3A_587 = tpu.memref_slice %arg3[%dma_start3A_584, %dma_start3A_585, %dma_start3A_586] : memref<26x100000x32xf32, #tpu.memory_space<hbm>> -> memref<1x100000x32xf32, #tpu.memory_space<hbm>>
    %dma_start3A_588 = tpu.memref_squeeze %dma_start3A_587 : memref<1x100000x32xf32, #tpu.memory_space<hbm>> -> memref<100000x32xf32, #tpu.memory_space<hbm>>
    %dma_start3A_589 = arith.constant 0 : i32
    %dma_start3A_590 = arith.constant 0 : i32
    %dma_start3A_591 = tpu.memref_slice %dma_start3A_588[%dma_start3A_589, %dma_start3A_590] : memref<100000x32xf32, #tpu.memory_space<hbm>> -> memref<100000x32xf32, #tpu.memory_space<hbm>>
    tpu.enqueue_indirect_dma source(%dma_start3A_591 : memref<100000x32xf32, #tpu.memory_space<hbm>>) target(%arg14 : memref<640x32xf32, #tpu.memory_space<vmem>>) offsets(%arg6 : memref<640xi32, #tpu.memory_space<vmem>>) semaphore(%arg18 : memref<!tpu.dma_semaphore, #tpu.memory_space<semaphore_mem>>)
    %dma_wait3A_592 = arith.constant 19 : i32
    %dma_wait3A_593 = arith.constant 0 : i32
    %dma_wait3A_594 = arith.constant 0 : i32
    %dma_wait3A_595 = tpu.memref_slice %arg3[%dma_wait3A_592, %dma_wait3A_593, %dma_wait3A_594] : memref<26x100000x32xf32, #tpu.memory_space<hbm>> -> memref<1x100000x32xf32, #tpu.memory_space<hbm>>
    %dma_wait3A_596 = tpu.memref_squeeze %dma_wait3A_595 : memref<1x100000x32xf32, #tpu.memory_space<hbm>> -> memref<100000x32xf32, #tpu.memory_space<hbm>>
    %dma_wait3A_597 = arith.constant 0 : i32
    %dma_wait3A_598 = arith.constant 0 : i32
    %dma_wait3A_599 = tpu.memref_slice %dma_wait3A_596[%dma_wait3A_597, %dma_wait3A_598] : memref<100000x32xf32, #tpu.memory_space<hbm>> -> memref<100000x32xf32, #tpu.memory_space<hbm>>
    tpu.wait_indirect_dma semaphore(%arg20 : memref<!tpu.dma_semaphore, #tpu.memory_space<semaphore_mem>>) src(%dma_wait3A_599 : memref<100000x32xf32, #tpu.memory_space<hbm>>) dst(%arg16 : memref<640x32xf32, #tpu.memory_space<vmem>>)
    %dma_start3A_600 = arith.constant 0 : i32
    %dma_start3A_601 = arith.constant 0 : i32
    %dma_start3A_602 = tpu.memref_slice %arg4[%dma_start3A_600, %dma_start3A_601] : memref<532480x32xf32, #tpu.memory_space<hbm>> -> memref<532480x32xf32, #tpu.memory_space<hbm>>
    tpu.enqueue_indirect_dma source(%arg16 : memref<640x32xf32, #tpu.memory_space<vmem>>) target(%dma_start3A_602 : memref<532480x32xf32, #tpu.memory_space<hbm>>) offsets(%arg12 : memref<640xi32, #tpu.memory_space<vmem>>) semaphore(%arg24 : memref<!tpu.dma_semaphore, #tpu.memory_space<semaphore_mem>>)
    %dma_wait3A_603 = arith.constant 0 : i32
    %dma_wait3A_604 = arith.constant 0 : i32
    %dma_wait3A_605 = tpu.memref_slice %arg4[%dma_wait3A_603, %dma_wait3A_604] : memref<532480x32xf32, #tpu.memory_space<hbm>> -> memref<532480x32xf32, #tpu.memory_space<hbm>>
    tpu.wait_indirect_dma semaphore(%arg23 : memref<!tpu.dma_semaphore, #tpu.memory_space<semaphore_mem>>) src(%arg15 : memref<640x32xf32, #tpu.memory_space<vmem>>) dst(%dma_wait3A_605 : memref<532480x32xf32, #tpu.memory_space<hbm>>)
    %run_scoped3A_606 = arith.constant 22 : i32
    "tpu.region"() ({
      %run_scoped3A_753 = tpu.sem_alloc : memref<!tpu.dma_semaphore, #tpu.memory_space<semaphore_mem>>
      %dma_start3A_754 = arith.constant 0 : i32
      %dma_start3A_755 = tpu.memref_slice %arg2[%run_scoped3A_606, %dma_start3A_754] : memref<26x20480xi32, #tpu.memory_space<hbm>> -> memref<1x20480xi32, #tpu.memory_space<hbm>>
      %dma_start3A_756 = tpu.memref_squeeze %dma_start3A_755 : memref<1x20480xi32, #tpu.memory_space<hbm>> -> memref<20480xi32, #tpu.memory_space<hbm>>
      %dma_start3A_757 = tpu.memref_slice %dma_start3A_756[%mul3A_2] : memref<20480xi32, #tpu.memory_space<hbm>> -> memref<640xi32, #tpu.memory_space<hbm>>
      %dma_start3A_758 = arith.constant 0 : i32
      %dma_start3A_759 = tpu.memref_slice %arg2[%run_scoped3A_606, %dma_start3A_758] : memref<26x20480xi32, #tpu.memory_space<hbm>> -> memref<1x20480xi32, #tpu.memory_space<hbm>>
      %dma_start3A_760 = tpu.memref_squeeze %dma_start3A_759 : memref<1x20480xi32, #tpu.memory_space<hbm>> -> memref<20480xi32, #tpu.memory_space<hbm>>
      %dma_start3A_761 = tpu.memref_slice %dma_start3A_760[%mul3A_2] : memref<20480xi32, #tpu.memory_space<hbm>> -> memref<640xi32, #tpu.memory_space<hbm>>
      tpu.enqueue_dma source(%dma_start3A_761 : memref<640xi32, #tpu.memory_space<hbm>>) target(%arg7 : memref<640xi32, #tpu.memory_space<vmem>>) target_semaphore(%run_scoped3A_753 : memref<!tpu.dma_semaphore, #tpu.memory_space<semaphore_mem>>)
      %dma_wait3A_762 = arith.constant 0 : i32
      %dma_wait3A_763 = tpu.memref_slice %arg2[%run_scoped3A_606, %dma_wait3A_762] : memref<26x20480xi32, #tpu.memory_space<hbm>> -> memref<1x20480xi32, #tpu.memory_space<hbm>>
      %dma_wait3A_764 = tpu.memref_squeeze %dma_wait3A_763 : memref<1x20480xi32, #tpu.memory_space<hbm>> -> memref<20480xi32, #tpu.memory_space<hbm>>
      %dma_wait3A_765 = tpu.memref_slice %dma_wait3A_764[%mul3A_2] : memref<20480xi32, #tpu.memory_space<hbm>> -> memref<640xi32, #tpu.memory_space<hbm>>
      %dma_wait3A_766 = arith.constant 0 : i32
      %dma_wait3A_767 = tpu.memref_slice %arg2[%run_scoped3A_606, %dma_wait3A_766] : memref<26x20480xi32, #tpu.memory_space<hbm>> -> memref<1x20480xi32, #tpu.memory_space<hbm>>
      %dma_wait3A_768 = tpu.memref_squeeze %dma_wait3A_767 : memref<1x20480xi32, #tpu.memory_space<hbm>> -> memref<20480xi32, #tpu.memory_space<hbm>>
      %dma_wait3A_769 = tpu.memref_slice %dma_wait3A_768[%mul3A_2] : memref<20480xi32, #tpu.memory_space<hbm>> -> memref<640xi32, #tpu.memory_space<hbm>>
      tpu.wait_dma2 semaphore(%run_scoped3A_753 : memref<!tpu.dma_semaphore, #tpu.memory_space<semaphore_mem>>) src(%dma_wait3A_769 : memref<640xi32, #tpu.memory_space<hbm>>) dst(%arg7 : memref<640xi32, #tpu.memory_space<vmem>>)
      tpu.yield
    }) : () -> ()
    %scan3A_607 = arith.constant 0 : i32
    %scan3A_608 = arith.constant 0 : i32
    %scan3A_609 = arith.constant 40 : i32
    %scan3A_610 = arith.addi %scan3A_608, %scan3A_609 : i32
    %scan3A_611 = arith.constant 1 : i32
    scf.for %scan3A_753 = %scan3A_608 to %scan3A_610 step %scan3A_611  : i32 {
      %mul3A_754 = arith.constant 16 : i32
      %mul3A_755 = arith.muli %scan3A_753, %mul3A_754 : i32
      %iota3A = tpu.iota {dimensions = array<i32: 0>} : vector<16xi32>
      %add3A_756 = vector.broadcast %mul3A_755 : i32 to vector<16xi32>
      %add3A_757 = arith.addi %add3A_756, %iota3A : vector<16xi32>
      %add3A_758 = vector.broadcast %mul3A_2 : i32 to vector<16xi32>
      %add3A_759 = arith.addi %add3A_758, %add3A_757 : vector<16xi32>
      %mul3A_760 = arith.constant 26 : i32
      %mul3A_761 = vector.broadcast %mul3A_760 : i32 to vector<16xi32>
      %mul3A_762 = arith.muli %add3A_759, %mul3A_761 : vector<16xi32>
      %add3A_763 = arith.constant 22 : i32
      %add3A_764 = vector.broadcast %add3A_763 : i32 to vector<16xi32>
      %add3A_765 = arith.addi %mul3A_762, %add3A_764 : vector<16xi32>
      %mul3A_766 = arith.constant 16 : i32
      %mul3A_767 = arith.muli %scan3A_753, %mul3A_766 : i32
      %swap3A = arith.index_cast %mul3A_767 : i32 to index
      %swap3A_768 = tpu.vector_load %arg11[%swap3A] {strides = array<i32>} : memref<640xi32, #tpu.memory_space<vmem>>, vector<16xi32>,
      %swap3A_769 = vector.shape_cast %swap3A_768 : vector<16xi32> to vector<16xi32>
      %swap3A_770 = vector.shape_cast %add3A_765 : vector<16xi32> to vector<16xi32>
      tpu.vector_store %arg11[%swap3A], %swap3A_770 {strides = array<i32>} : memref<640xi32, #tpu.memory_space<vmem>>, vector<16xi32>,
    }
    %scan3A_612 = arith.constant 40 : i32
    %dma_start3A_613 = arith.constant 22 : i32
    %dma_start3A_614 = arith.constant 0 : i32
    %dma_start3A_615 = arith.constant 0 : i32
    %dma_start3A_616 = tpu.memref_slice %arg3[%dma_start3A_613, %dma_start3A_614, %dma_start3A_615] : memref<26x100000x32xf32, #tpu.memory_space<hbm>> -> memref<1x100000x32xf32, #tpu.memory_space<hbm>>
    %dma_start3A_617 = tpu.memref_squeeze %dma_start3A_616 : memref<1x100000x32xf32, #tpu.memory_space<hbm>> -> memref<100000x32xf32, #tpu.memory_space<hbm>>
    %dma_start3A_618 = arith.constant 0 : i32
    %dma_start3A_619 = arith.constant 0 : i32
    %dma_start3A_620 = tpu.memref_slice %dma_start3A_617[%dma_start3A_618, %dma_start3A_619] : memref<100000x32xf32, #tpu.memory_space<hbm>> -> memref<100000x32xf32, #tpu.memory_space<hbm>>
    tpu.enqueue_indirect_dma source(%dma_start3A_620 : memref<100000x32xf32, #tpu.memory_space<hbm>>) target(%arg15 : memref<640x32xf32, #tpu.memory_space<vmem>>) offsets(%arg7 : memref<640xi32, #tpu.memory_space<vmem>>) semaphore(%arg19 : memref<!tpu.dma_semaphore, #tpu.memory_space<semaphore_mem>>)
    %dma_wait3A_621 = arith.constant 20 : i32
    %dma_wait3A_622 = arith.constant 0 : i32
    %dma_wait3A_623 = arith.constant 0 : i32
    %dma_wait3A_624 = tpu.memref_slice %arg3[%dma_wait3A_621, %dma_wait3A_622, %dma_wait3A_623] : memref<26x100000x32xf32, #tpu.memory_space<hbm>> -> memref<1x100000x32xf32, #tpu.memory_space<hbm>>
    %dma_wait3A_625 = tpu.memref_squeeze %dma_wait3A_624 : memref<1x100000x32xf32, #tpu.memory_space<hbm>> -> memref<100000x32xf32, #tpu.memory_space<hbm>>
    %dma_wait3A_626 = arith.constant 0 : i32
    %dma_wait3A_627 = arith.constant 0 : i32
    %dma_wait3A_628 = tpu.memref_slice %dma_wait3A_625[%dma_wait3A_626, %dma_wait3A_627] : memref<100000x32xf32, #tpu.memory_space<hbm>> -> memref<100000x32xf32, #tpu.memory_space<hbm>>
    tpu.wait_indirect_dma semaphore(%arg17 : memref<!tpu.dma_semaphore, #tpu.memory_space<semaphore_mem>>) src(%dma_wait3A_628 : memref<100000x32xf32, #tpu.memory_space<hbm>>) dst(%arg13 : memref<640x32xf32, #tpu.memory_space<vmem>>)
    %dma_start3A_629 = arith.constant 0 : i32
    %dma_start3A_630 = arith.constant 0 : i32
    %dma_start3A_631 = tpu.memref_slice %arg4[%dma_start3A_629, %dma_start3A_630] : memref<532480x32xf32, #tpu.memory_space<hbm>> -> memref<532480x32xf32, #tpu.memory_space<hbm>>
    tpu.enqueue_indirect_dma source(%arg13 : memref<640x32xf32, #tpu.memory_space<vmem>>) target(%dma_start3A_631 : memref<532480x32xf32, #tpu.memory_space<hbm>>) offsets(%arg9 : memref<640xi32, #tpu.memory_space<vmem>>) semaphore(%arg21 : memref<!tpu.dma_semaphore, #tpu.memory_space<semaphore_mem>>)
    %dma_wait3A_632 = arith.constant 0 : i32
    %dma_wait3A_633 = arith.constant 0 : i32
    %dma_wait3A_634 = tpu.memref_slice %arg4[%dma_wait3A_632, %dma_wait3A_633] : memref<532480x32xf32, #tpu.memory_space<hbm>> -> memref<532480x32xf32, #tpu.memory_space<hbm>>
    tpu.wait_indirect_dma semaphore(%arg24 : memref<!tpu.dma_semaphore, #tpu.memory_space<semaphore_mem>>) src(%arg16 : memref<640x32xf32, #tpu.memory_space<vmem>>) dst(%dma_wait3A_634 : memref<532480x32xf32, #tpu.memory_space<hbm>>)
    %run_scoped3A_635 = arith.constant 23 : i32
    "tpu.region"() ({
      %run_scoped3A_753 = tpu.sem_alloc : memref<!tpu.dma_semaphore, #tpu.memory_space<semaphore_mem>>
      %dma_start3A_754 = arith.constant 0 : i32
      %dma_start3A_755 = tpu.memref_slice %arg2[%run_scoped3A_635, %dma_start3A_754] : memref<26x20480xi32, #tpu.memory_space<hbm>> -> memref<1x20480xi32, #tpu.memory_space<hbm>>
      %dma_start3A_756 = tpu.memref_squeeze %dma_start3A_755 : memref<1x20480xi32, #tpu.memory_space<hbm>> -> memref<20480xi32, #tpu.memory_space<hbm>>
      %dma_start3A_757 = tpu.memref_slice %dma_start3A_756[%mul3A_2] : memref<20480xi32, #tpu.memory_space<hbm>> -> memref<640xi32, #tpu.memory_space<hbm>>
      %dma_start3A_758 = arith.constant 0 : i32
      %dma_start3A_759 = tpu.memref_slice %arg2[%run_scoped3A_635, %dma_start3A_758] : memref<26x20480xi32, #tpu.memory_space<hbm>> -> memref<1x20480xi32, #tpu.memory_space<hbm>>
      %dma_start3A_760 = tpu.memref_squeeze %dma_start3A_759 : memref<1x20480xi32, #tpu.memory_space<hbm>> -> memref<20480xi32, #tpu.memory_space<hbm>>
      %dma_start3A_761 = tpu.memref_slice %dma_start3A_760[%mul3A_2] : memref<20480xi32, #tpu.memory_space<hbm>> -> memref<640xi32, #tpu.memory_space<hbm>>
      tpu.enqueue_dma source(%dma_start3A_761 : memref<640xi32, #tpu.memory_space<hbm>>) target(%arg8 : memref<640xi32, #tpu.memory_space<vmem>>) target_semaphore(%run_scoped3A_753 : memref<!tpu.dma_semaphore, #tpu.memory_space<semaphore_mem>>)
      %dma_wait3A_762 = arith.constant 0 : i32
      %dma_wait3A_763 = tpu.memref_slice %arg2[%run_scoped3A_635, %dma_wait3A_762] : memref<26x20480xi32, #tpu.memory_space<hbm>> -> memref<1x20480xi32, #tpu.memory_space<hbm>>
      %dma_wait3A_764 = tpu.memref_squeeze %dma_wait3A_763 : memref<1x20480xi32, #tpu.memory_space<hbm>> -> memref<20480xi32, #tpu.memory_space<hbm>>
      %dma_wait3A_765 = tpu.memref_slice %dma_wait3A_764[%mul3A_2] : memref<20480xi32, #tpu.memory_space<hbm>> -> memref<640xi32, #tpu.memory_space<hbm>>
      %dma_wait3A_766 = arith.constant 0 : i32
      %dma_wait3A_767 = tpu.memref_slice %arg2[%run_scoped3A_635, %dma_wait3A_766] : memref<26x20480xi32, #tpu.memory_space<hbm>> -> memref<1x20480xi32, #tpu.memory_space<hbm>>
      %dma_wait3A_768 = tpu.memref_squeeze %dma_wait3A_767 : memref<1x20480xi32, #tpu.memory_space<hbm>> -> memref<20480xi32, #tpu.memory_space<hbm>>
      %dma_wait3A_769 = tpu.memref_slice %dma_wait3A_768[%mul3A_2] : memref<20480xi32, #tpu.memory_space<hbm>> -> memref<640xi32, #tpu.memory_space<hbm>>
      tpu.wait_dma2 semaphore(%run_scoped3A_753 : memref<!tpu.dma_semaphore, #tpu.memory_space<semaphore_mem>>) src(%dma_wait3A_769 : memref<640xi32, #tpu.memory_space<hbm>>) dst(%arg8 : memref<640xi32, #tpu.memory_space<vmem>>)
      tpu.yield
    }) : () -> ()
    %scan3A_636 = arith.constant 0 : i32
    %scan3A_637 = arith.constant 0 : i32
    %scan3A_638 = arith.constant 40 : i32
    %scan3A_639 = arith.addi %scan3A_637, %scan3A_638 : i32
    %scan3A_640 = arith.constant 1 : i32
    scf.for %scan3A_753 = %scan3A_637 to %scan3A_639 step %scan3A_640  : i32 {
      %mul3A_754 = arith.constant 16 : i32
      %mul3A_755 = arith.muli %scan3A_753, %mul3A_754 : i32
      %iota3A = tpu.iota {dimensions = array<i32: 0>} : vector<16xi32>
      %add3A_756 = vector.broadcast %mul3A_755 : i32 to vector<16xi32>
      %add3A_757 = arith.addi %add3A_756, %iota3A : vector<16xi32>
      %add3A_758 = vector.broadcast %mul3A_2 : i32 to vector<16xi32>
      %add3A_759 = arith.addi %add3A_758, %add3A_757 : vector<16xi32>
      %mul3A_760 = arith.constant 26 : i32
      %mul3A_761 = vector.broadcast %mul3A_760 : i32 to vector<16xi32>
      %mul3A_762 = arith.muli %add3A_759, %mul3A_761 : vector<16xi32>
      %add3A_763 = arith.constant 23 : i32
      %add3A_764 = vector.broadcast %add3A_763 : i32 to vector<16xi32>
      %add3A_765 = arith.addi %mul3A_762, %add3A_764 : vector<16xi32>
      %mul3A_766 = arith.constant 16 : i32
      %mul3A_767 = arith.muli %scan3A_753, %mul3A_766 : i32
      %swap3A = arith.index_cast %mul3A_767 : i32 to index
      %swap3A_768 = tpu.vector_load %arg12[%swap3A] {strides = array<i32>} : memref<640xi32, #tpu.memory_space<vmem>>, vector<16xi32>,
      %swap3A_769 = vector.shape_cast %swap3A_768 : vector<16xi32> to vector<16xi32>
      %swap3A_770 = vector.shape_cast %add3A_765 : vector<16xi32> to vector<16xi32>
      tpu.vector_store %arg12[%swap3A], %swap3A_770 {strides = array<i32>} : memref<640xi32, #tpu.memory_space<vmem>>, vector<16xi32>,
    }
    %scan3A_641 = arith.constant 40 : i32
    %dma_start3A_642 = arith.constant 23 : i32
    %dma_start3A_643 = arith.constant 0 : i32
    %dma_start3A_644 = arith.constant 0 : i32
    %dma_start3A_645 = tpu.memref_slice %arg3[%dma_start3A_642, %dma_start3A_643, %dma_start3A_644] : memref<26x100000x32xf32, #tpu.memory_space<hbm>> -> memref<1x100000x32xf32, #tpu.memory_space<hbm>>
    %dma_start3A_646 = tpu.memref_squeeze %dma_start3A_645 : memref<1x100000x32xf32, #tpu.memory_space<hbm>> -> memref<100000x32xf32, #tpu.memory_space<hbm>>
    %dma_start3A_647 = arith.constant 0 : i32
    %dma_start3A_648 = arith.constant 0 : i32
    %dma_start3A_649 = tpu.memref_slice %dma_start3A_646[%dma_start3A_647, %dma_start3A_648] : memref<100000x32xf32, #tpu.memory_space<hbm>> -> memref<100000x32xf32, #tpu.memory_space<hbm>>
    tpu.enqueue_indirect_dma source(%dma_start3A_649 : memref<100000x32xf32, #tpu.memory_space<hbm>>) target(%arg16 : memref<640x32xf32, #tpu.memory_space<vmem>>) offsets(%arg8 : memref<640xi32, #tpu.memory_space<vmem>>) semaphore(%arg20 : memref<!tpu.dma_semaphore, #tpu.memory_space<semaphore_mem>>)
    %dma_wait3A_650 = arith.constant 21 : i32
    %dma_wait3A_651 = arith.constant 0 : i32
    %dma_wait3A_652 = arith.constant 0 : i32
    %dma_wait3A_653 = tpu.memref_slice %arg3[%dma_wait3A_650, %dma_wait3A_651, %dma_wait3A_652] : memref<26x100000x32xf32, #tpu.memory_space<hbm>> -> memref<1x100000x32xf32, #tpu.memory_space<hbm>>
    %dma_wait3A_654 = tpu.memref_squeeze %dma_wait3A_653 : memref<1x100000x32xf32, #tpu.memory_space<hbm>> -> memref<100000x32xf32, #tpu.memory_space<hbm>>
    %dma_wait3A_655 = arith.constant 0 : i32
    %dma_wait3A_656 = arith.constant 0 : i32
    %dma_wait3A_657 = tpu.memref_slice %dma_wait3A_654[%dma_wait3A_655, %dma_wait3A_656] : memref<100000x32xf32, #tpu.memory_space<hbm>> -> memref<100000x32xf32, #tpu.memory_space<hbm>>
    tpu.wait_indirect_dma semaphore(%arg18 : memref<!tpu.dma_semaphore, #tpu.memory_space<semaphore_mem>>) src(%dma_wait3A_657 : memref<100000x32xf32, #tpu.memory_space<hbm>>) dst(%arg14 : memref<640x32xf32, #tpu.memory_space<vmem>>)
    %dma_start3A_658 = arith.constant 0 : i32
    %dma_start3A_659 = arith.constant 0 : i32
    %dma_start3A_660 = tpu.memref_slice %arg4[%dma_start3A_658, %dma_start3A_659] : memref<532480x32xf32, #tpu.memory_space<hbm>> -> memref<532480x32xf32, #tpu.memory_space<hbm>>
    tpu.enqueue_indirect_dma source(%arg14 : memref<640x32xf32, #tpu.memory_space<vmem>>) target(%dma_start3A_660 : memref<532480x32xf32, #tpu.memory_space<hbm>>) offsets(%arg10 : memref<640xi32, #tpu.memory_space<vmem>>) semaphore(%arg22 : memref<!tpu.dma_semaphore, #tpu.memory_space<semaphore_mem>>)
    %dma_wait3A_661 = arith.constant 0 : i32
    %dma_wait3A_662 = arith.constant 0 : i32
    %dma_wait3A_663 = tpu.memref_slice %arg4[%dma_wait3A_661, %dma_wait3A_662] : memref<532480x32xf32, #tpu.memory_space<hbm>> -> memref<532480x32xf32, #tpu.memory_space<hbm>>
    tpu.wait_indirect_dma semaphore(%arg21 : memref<!tpu.dma_semaphore, #tpu.memory_space<semaphore_mem>>) src(%arg13 : memref<640x32xf32, #tpu.memory_space<vmem>>) dst(%dma_wait3A_663 : memref<532480x32xf32, #tpu.memory_space<hbm>>)
    %run_scoped3A_664 = arith.constant 24 : i32
    "tpu.region"() ({
      %run_scoped3A_753 = tpu.sem_alloc : memref<!tpu.dma_semaphore, #tpu.memory_space<semaphore_mem>>
      %dma_start3A_754 = arith.constant 0 : i32
      %dma_start3A_755 = tpu.memref_slice %arg2[%run_scoped3A_664, %dma_start3A_754] : memref<26x20480xi32, #tpu.memory_space<hbm>> -> memref<1x20480xi32, #tpu.memory_space<hbm>>
      %dma_start3A_756 = tpu.memref_squeeze %dma_start3A_755 : memref<1x20480xi32, #tpu.memory_space<hbm>> -> memref<20480xi32, #tpu.memory_space<hbm>>
      %dma_start3A_757 = tpu.memref_slice %dma_start3A_756[%mul3A_2] : memref<20480xi32, #tpu.memory_space<hbm>> -> memref<640xi32, #tpu.memory_space<hbm>>
      %dma_start3A_758 = arith.constant 0 : i32
      %dma_start3A_759 = tpu.memref_slice %arg2[%run_scoped3A_664, %dma_start3A_758] : memref<26x20480xi32, #tpu.memory_space<hbm>> -> memref<1x20480xi32, #tpu.memory_space<hbm>>
      %dma_start3A_760 = tpu.memref_squeeze %dma_start3A_759 : memref<1x20480xi32, #tpu.memory_space<hbm>> -> memref<20480xi32, #tpu.memory_space<hbm>>
      %dma_start3A_761 = tpu.memref_slice %dma_start3A_760[%mul3A_2] : memref<20480xi32, #tpu.memory_space<hbm>> -> memref<640xi32, #tpu.memory_space<hbm>>
      tpu.enqueue_dma source(%dma_start3A_761 : memref<640xi32, #tpu.memory_space<hbm>>) target(%arg5 : memref<640xi32, #tpu.memory_space<vmem>>) target_semaphore(%run_scoped3A_753 : memref<!tpu.dma_semaphore, #tpu.memory_space<semaphore_mem>>)
      %dma_wait3A_762 = arith.constant 0 : i32
      %dma_wait3A_763 = tpu.memref_slice %arg2[%run_scoped3A_664, %dma_wait3A_762] : memref<26x20480xi32, #tpu.memory_space<hbm>> -> memref<1x20480xi32, #tpu.memory_space<hbm>>
      %dma_wait3A_764 = tpu.memref_squeeze %dma_wait3A_763 : memref<1x20480xi32, #tpu.memory_space<hbm>> -> memref<20480xi32, #tpu.memory_space<hbm>>
      %dma_wait3A_765 = tpu.memref_slice %dma_wait3A_764[%mul3A_2] : memref<20480xi32, #tpu.memory_space<hbm>> -> memref<640xi32, #tpu.memory_space<hbm>>
      %dma_wait3A_766 = arith.constant 0 : i32
      %dma_wait3A_767 = tpu.memref_slice %arg2[%run_scoped3A_664, %dma_wait3A_766] : memref<26x20480xi32, #tpu.memory_space<hbm>> -> memref<1x20480xi32, #tpu.memory_space<hbm>>
      %dma_wait3A_768 = tpu.memref_squeeze %dma_wait3A_767 : memref<1x20480xi32, #tpu.memory_space<hbm>> -> memref<20480xi32, #tpu.memory_space<hbm>>
      %dma_wait3A_769 = tpu.memref_slice %dma_wait3A_768[%mul3A_2] : memref<20480xi32, #tpu.memory_space<hbm>> -> memref<640xi32, #tpu.memory_space<hbm>>
      tpu.wait_dma2 semaphore(%run_scoped3A_753 : memref<!tpu.dma_semaphore, #tpu.memory_space<semaphore_mem>>) src(%dma_wait3A_769 : memref<640xi32, #tpu.memory_space<hbm>>) dst(%arg5 : memref<640xi32, #tpu.memory_space<vmem>>)
      tpu.yield
    }) : () -> ()
    %scan3A_665 = arith.constant 0 : i32
    %scan3A_666 = arith.constant 0 : i32
    %scan3A_667 = arith.constant 40 : i32
    %scan3A_668 = arith.addi %scan3A_666, %scan3A_667 : i32
    %scan3A_669 = arith.constant 1 : i32
    scf.for %scan3A_753 = %scan3A_666 to %scan3A_668 step %scan3A_669  : i32 {
      %mul3A_754 = arith.constant 16 : i32
      %mul3A_755 = arith.muli %scan3A_753, %mul3A_754 : i32
      %iota3A = tpu.iota {dimensions = array<i32: 0>} : vector<16xi32>
      %add3A_756 = vector.broadcast %mul3A_755 : i32 to vector<16xi32>
      %add3A_757 = arith.addi %add3A_756, %iota3A : vector<16xi32>
      %add3A_758 = vector.broadcast %mul3A_2 : i32 to vector<16xi32>
      %add3A_759 = arith.addi %add3A_758, %add3A_757 : vector<16xi32>
      %mul3A_760 = arith.constant 26 : i32
      %mul3A_761 = vector.broadcast %mul3A_760 : i32 to vector<16xi32>
      %mul3A_762 = arith.muli %add3A_759, %mul3A_761 : vector<16xi32>
      %add3A_763 = arith.constant 24 : i32
      %add3A_764 = vector.broadcast %add3A_763 : i32 to vector<16xi32>
      %add3A_765 = arith.addi %mul3A_762, %add3A_764 : vector<16xi32>
      %mul3A_766 = arith.constant 16 : i32
      %mul3A_767 = arith.muli %scan3A_753, %mul3A_766 : i32
      %swap3A = arith.index_cast %mul3A_767 : i32 to index
      %swap3A_768 = tpu.vector_load %arg9[%swap3A] {strides = array<i32>} : memref<640xi32, #tpu.memory_space<vmem>>, vector<16xi32>,
      %swap3A_769 = vector.shape_cast %swap3A_768 : vector<16xi32> to vector<16xi32>
      %swap3A_770 = vector.shape_cast %add3A_765 : vector<16xi32> to vector<16xi32>
      tpu.vector_store %arg9[%swap3A], %swap3A_770 {strides = array<i32>} : memref<640xi32, #tpu.memory_space<vmem>>, vector<16xi32>,
    }
    %scan3A_670 = arith.constant 40 : i32
    %dma_start3A_671 = arith.constant 24 : i32
    %dma_start3A_672 = arith.constant 0 : i32
    %dma_start3A_673 = arith.constant 0 : i32
    %dma_start3A_674 = tpu.memref_slice %arg3[%dma_start3A_671, %dma_start3A_672, %dma_start3A_673] : memref<26x100000x32xf32, #tpu.memory_space<hbm>> -> memref<1x100000x32xf32, #tpu.memory_space<hbm>>
    %dma_start3A_675 = tpu.memref_squeeze %dma_start3A_674 : memref<1x100000x32xf32, #tpu.memory_space<hbm>> -> memref<100000x32xf32, #tpu.memory_space<hbm>>
    %dma_start3A_676 = arith.constant 0 : i32
    %dma_start3A_677 = arith.constant 0 : i32
    %dma_start3A_678 = tpu.memref_slice %dma_start3A_675[%dma_start3A_676, %dma_start3A_677] : memref<100000x32xf32, #tpu.memory_space<hbm>> -> memref<100000x32xf32, #tpu.memory_space<hbm>>
    tpu.enqueue_indirect_dma source(%dma_start3A_678 : memref<100000x32xf32, #tpu.memory_space<hbm>>) target(%arg13 : memref<640x32xf32, #tpu.memory_space<vmem>>) offsets(%arg5 : memref<640xi32, #tpu.memory_space<vmem>>) semaphore(%arg17 : memref<!tpu.dma_semaphore, #tpu.memory_space<semaphore_mem>>)
    %dma_wait3A_679 = arith.constant 22 : i32
    %dma_wait3A_680 = arith.constant 0 : i32
    %dma_wait3A_681 = arith.constant 0 : i32
    %dma_wait3A_682 = tpu.memref_slice %arg3[%dma_wait3A_679, %dma_wait3A_680, %dma_wait3A_681] : memref<26x100000x32xf32, #tpu.memory_space<hbm>> -> memref<1x100000x32xf32, #tpu.memory_space<hbm>>
    %dma_wait3A_683 = tpu.memref_squeeze %dma_wait3A_682 : memref<1x100000x32xf32, #tpu.memory_space<hbm>> -> memref<100000x32xf32, #tpu.memory_space<hbm>>
    %dma_wait3A_684 = arith.constant 0 : i32
    %dma_wait3A_685 = arith.constant 0 : i32
    %dma_wait3A_686 = tpu.memref_slice %dma_wait3A_683[%dma_wait3A_684, %dma_wait3A_685] : memref<100000x32xf32, #tpu.memory_space<hbm>> -> memref<100000x32xf32, #tpu.memory_space<hbm>>
    tpu.wait_indirect_dma semaphore(%arg19 : memref<!tpu.dma_semaphore, #tpu.memory_space<semaphore_mem>>) src(%dma_wait3A_686 : memref<100000x32xf32, #tpu.memory_space<hbm>>) dst(%arg15 : memref<640x32xf32, #tpu.memory_space<vmem>>)
    %dma_start3A_687 = arith.constant 0 : i32
    %dma_start3A_688 = arith.constant 0 : i32
    %dma_start3A_689 = tpu.memref_slice %arg4[%dma_start3A_687, %dma_start3A_688] : memref<532480x32xf32, #tpu.memory_space<hbm>> -> memref<532480x32xf32, #tpu.memory_space<hbm>>
    tpu.enqueue_indirect_dma source(%arg15 : memref<640x32xf32, #tpu.memory_space<vmem>>) target(%dma_start3A_689 : memref<532480x32xf32, #tpu.memory_space<hbm>>) offsets(%arg11 : memref<640xi32, #tpu.memory_space<vmem>>) semaphore(%arg23 : memref<!tpu.dma_semaphore, #tpu.memory_space<semaphore_mem>>)
    %dma_wait3A_690 = arith.constant 0 : i32
    %dma_wait3A_691 = arith.constant 0 : i32
    %dma_wait3A_692 = tpu.memref_slice %arg4[%dma_wait3A_690, %dma_wait3A_691] : memref<532480x32xf32, #tpu.memory_space<hbm>> -> memref<532480x32xf32, #tpu.memory_space<hbm>>
    tpu.wait_indirect_dma semaphore(%arg22 : memref<!tpu.dma_semaphore, #tpu.memory_space<semaphore_mem>>) src(%arg14 : memref<640x32xf32, #tpu.memory_space<vmem>>) dst(%dma_wait3A_692 : memref<532480x32xf32, #tpu.memory_space<hbm>>)
    %run_scoped3A_693 = arith.constant 25 : i32
    "tpu.region"() ({
      %run_scoped3A_753 = tpu.sem_alloc : memref<!tpu.dma_semaphore, #tpu.memory_space<semaphore_mem>>
      %dma_start3A_754 = arith.constant 0 : i32
      %dma_start3A_755 = tpu.memref_slice %arg2[%run_scoped3A_693, %dma_start3A_754] : memref<26x20480xi32, #tpu.memory_space<hbm>> -> memref<1x20480xi32, #tpu.memory_space<hbm>>
      %dma_start3A_756 = tpu.memref_squeeze %dma_start3A_755 : memref<1x20480xi32, #tpu.memory_space<hbm>> -> memref<20480xi32, #tpu.memory_space<hbm>>
      %dma_start3A_757 = tpu.memref_slice %dma_start3A_756[%mul3A_2] : memref<20480xi32, #tpu.memory_space<hbm>> -> memref<640xi32, #tpu.memory_space<hbm>>
      %dma_start3A_758 = arith.constant 0 : i32
      %dma_start3A_759 = tpu.memref_slice %arg2[%run_scoped3A_693, %dma_start3A_758] : memref<26x20480xi32, #tpu.memory_space<hbm>> -> memref<1x20480xi32, #tpu.memory_space<hbm>>
      %dma_start3A_760 = tpu.memref_squeeze %dma_start3A_759 : memref<1x20480xi32, #tpu.memory_space<hbm>> -> memref<20480xi32, #tpu.memory_space<hbm>>
      %dma_start3A_761 = tpu.memref_slice %dma_start3A_760[%mul3A_2] : memref<20480xi32, #tpu.memory_space<hbm>> -> memref<640xi32, #tpu.memory_space<hbm>>
      tpu.enqueue_dma source(%dma_start3A_761 : memref<640xi32, #tpu.memory_space<hbm>>) target(%arg6 : memref<640xi32, #tpu.memory_space<vmem>>) target_semaphore(%run_scoped3A_753 : memref<!tpu.dma_semaphore, #tpu.memory_space<semaphore_mem>>)
      %dma_wait3A_762 = arith.constant 0 : i32
      %dma_wait3A_763 = tpu.memref_slice %arg2[%run_scoped3A_693, %dma_wait3A_762] : memref<26x20480xi32, #tpu.memory_space<hbm>> -> memref<1x20480xi32, #tpu.memory_space<hbm>>
      %dma_wait3A_764 = tpu.memref_squeeze %dma_wait3A_763 : memref<1x20480xi32, #tpu.memory_space<hbm>> -> memref<20480xi32, #tpu.memory_space<hbm>>
      %dma_wait3A_765 = tpu.memref_slice %dma_wait3A_764[%mul3A_2] : memref<20480xi32, #tpu.memory_space<hbm>> -> memref<640xi32, #tpu.memory_space<hbm>>
      %dma_wait3A_766 = arith.constant 0 : i32
      %dma_wait3A_767 = tpu.memref_slice %arg2[%run_scoped3A_693, %dma_wait3A_766] : memref<26x20480xi32, #tpu.memory_space<hbm>> -> memref<1x20480xi32, #tpu.memory_space<hbm>>
      %dma_wait3A_768 = tpu.memref_squeeze %dma_wait3A_767 : memref<1x20480xi32, #tpu.memory_space<hbm>> -> memref<20480xi32, #tpu.memory_space<hbm>>
      %dma_wait3A_769 = tpu.memref_slice %dma_wait3A_768[%mul3A_2] : memref<20480xi32, #tpu.memory_space<hbm>> -> memref<640xi32, #tpu.memory_space<hbm>>
      tpu.wait_dma2 semaphore(%run_scoped3A_753 : memref<!tpu.dma_semaphore, #tpu.memory_space<semaphore_mem>>) src(%dma_wait3A_769 : memref<640xi32, #tpu.memory_space<hbm>>) dst(%arg6 : memref<640xi32, #tpu.memory_space<vmem>>)
      tpu.yield
    }) : () -> ()
    %scan3A_694 = arith.constant 0 : i32
    %scan3A_695 = arith.constant 0 : i32
    %scan3A_696 = arith.constant 40 : i32
    %scan3A_697 = arith.addi %scan3A_695, %scan3A_696 : i32
    %scan3A_698 = arith.constant 1 : i32
    scf.for %scan3A_753 = %scan3A_695 to %scan3A_697 step %scan3A_698  : i32 {
      %mul3A_754 = arith.constant 16 : i32
      %mul3A_755 = arith.muli %scan3A_753, %mul3A_754 : i32
      %iota3A = tpu.iota {dimensions = array<i32: 0>} : vector<16xi32>
      %add3A_756 = vector.broadcast %mul3A_755 : i32 to vector<16xi32>
      %add3A_757 = arith.addi %add3A_756, %iota3A : vector<16xi32>
      %add3A_758 = vector.broadcast %mul3A_2 : i32 to vector<16xi32>
      %add3A_759 = arith.addi %add3A_758, %add3A_757 : vector<16xi32>
      %mul3A_760 = arith.constant 26 : i32
      %mul3A_761 = vector.broadcast %mul3A_760 : i32 to vector<16xi32>
      %mul3A_762 = arith.muli %add3A_759, %mul3A_761 : vector<16xi32>
      %add3A_763 = arith.constant 25 : i32
      %add3A_764 = vector.broadcast %add3A_763 : i32 to vector<16xi32>
      %add3A_765 = arith.addi %mul3A_762, %add3A_764 : vector<16xi32>
      %mul3A_766 = arith.constant 16 : i32
      %mul3A_767 = arith.muli %scan3A_753, %mul3A_766 : i32
      %swap3A = arith.index_cast %mul3A_767 : i32 to index
      %swap3A_768 = tpu.vector_load %arg10[%swap3A] {strides = array<i32>} : memref<640xi32, #tpu.memory_space<vmem>>, vector<16xi32>,
      %swap3A_769 = vector.shape_cast %swap3A_768 : vector<16xi32> to vector<16xi32>
      %swap3A_770 = vector.shape_cast %add3A_765 : vector<16xi32> to vector<16xi32>
      tpu.vector_store %arg10[%swap3A], %swap3A_770 {strides = array<i32>} : memref<640xi32, #tpu.memory_space<vmem>>, vector<16xi32>,
    }
    %scan3A_699 = arith.constant 40 : i32
    %dma_start3A_700 = arith.constant 25 : i32
    %dma_start3A_701 = arith.constant 0 : i32
    %dma_start3A_702 = arith.constant 0 : i32
    %dma_start3A_703 = tpu.memref_slice %arg3[%dma_start3A_700, %dma_start3A_701, %dma_start3A_702] : memref<26x100000x32xf32, #tpu.memory_space<hbm>> -> memref<1x100000x32xf32, #tpu.memory_space<hbm>>
    %dma_start3A_704 = tpu.memref_squeeze %dma_start3A_703 : memref<1x100000x32xf32, #tpu.memory_space<hbm>> -> memref<100000x32xf32, #tpu.memory_space<hbm>>
    %dma_start3A_705 = arith.constant 0 : i32
    %dma_start3A_706 = arith.constant 0 : i32
    %dma_start3A_707 = tpu.memref_slice %dma_start3A_704[%dma_start3A_705, %dma_start3A_706] : memref<100000x32xf32, #tpu.memory_space<hbm>> -> memref<100000x32xf32, #tpu.memory_space<hbm>>
    tpu.enqueue_indirect_dma source(%dma_start3A_707 : memref<100000x32xf32, #tpu.memory_space<hbm>>) target(%arg14 : memref<640x32xf32, #tpu.memory_space<vmem>>) offsets(%arg6 : memref<640xi32, #tpu.memory_space<vmem>>) semaphore(%arg18 : memref<!tpu.dma_semaphore, #tpu.memory_space<semaphore_mem>>)
    %dma_wait3A_708 = arith.constant 23 : i32
    %dma_wait3A_709 = arith.constant 0 : i32
    %dma_wait3A_710 = arith.constant 0 : i32
    %dma_wait3A_711 = tpu.memref_slice %arg3[%dma_wait3A_708, %dma_wait3A_709, %dma_wait3A_710] : memref<26x100000x32xf32, #tpu.memory_space<hbm>> -> memref<1x100000x32xf32, #tpu.memory_space<hbm>>
    %dma_wait3A_712 = tpu.memref_squeeze %dma_wait3A_711 : memref<1x100000x32xf32, #tpu.memory_space<hbm>> -> memref<100000x32xf32, #tpu.memory_space<hbm>>
    %dma_wait3A_713 = arith.constant 0 : i32
    %dma_wait3A_714 = arith.constant 0 : i32
    %dma_wait3A_715 = tpu.memref_slice %dma_wait3A_712[%dma_wait3A_713, %dma_wait3A_714] : memref<100000x32xf32, #tpu.memory_space<hbm>> -> memref<100000x32xf32, #tpu.memory_space<hbm>>
    tpu.wait_indirect_dma semaphore(%arg20 : memref<!tpu.dma_semaphore, #tpu.memory_space<semaphore_mem>>) src(%dma_wait3A_715 : memref<100000x32xf32, #tpu.memory_space<hbm>>) dst(%arg16 : memref<640x32xf32, #tpu.memory_space<vmem>>)
    %dma_start3A_716 = arith.constant 0 : i32
    %dma_start3A_717 = arith.constant 0 : i32
    %dma_start3A_718 = tpu.memref_slice %arg4[%dma_start3A_716, %dma_start3A_717] : memref<532480x32xf32, #tpu.memory_space<hbm>> -> memref<532480x32xf32, #tpu.memory_space<hbm>>
    tpu.enqueue_indirect_dma source(%arg16 : memref<640x32xf32, #tpu.memory_space<vmem>>) target(%dma_start3A_718 : memref<532480x32xf32, #tpu.memory_space<hbm>>) offsets(%arg12 : memref<640xi32, #tpu.memory_space<vmem>>) semaphore(%arg24 : memref<!tpu.dma_semaphore, #tpu.memory_space<semaphore_mem>>)
    %dma_wait3A_719 = arith.constant 24 : i32
    %dma_wait3A_720 = arith.constant 0 : i32
    %dma_wait3A_721 = arith.constant 0 : i32
    %dma_wait3A_722 = tpu.memref_slice %arg3[%dma_wait3A_719, %dma_wait3A_720, %dma_wait3A_721] : memref<26x100000x32xf32, #tpu.memory_space<hbm>> -> memref<1x100000x32xf32, #tpu.memory_space<hbm>>
    %dma_wait3A_723 = tpu.memref_squeeze %dma_wait3A_722 : memref<1x100000x32xf32, #tpu.memory_space<hbm>> -> memref<100000x32xf32, #tpu.memory_space<hbm>>
    %dma_wait3A_724 = arith.constant 0 : i32
    %dma_wait3A_725 = arith.constant 0 : i32
    %dma_wait3A_726 = tpu.memref_slice %dma_wait3A_723[%dma_wait3A_724, %dma_wait3A_725] : memref<100000x32xf32, #tpu.memory_space<hbm>> -> memref<100000x32xf32, #tpu.memory_space<hbm>>
    tpu.wait_indirect_dma semaphore(%arg17 : memref<!tpu.dma_semaphore, #tpu.memory_space<semaphore_mem>>) src(%dma_wait3A_726 : memref<100000x32xf32, #tpu.memory_space<hbm>>) dst(%arg13 : memref<640x32xf32, #tpu.memory_space<vmem>>)
    %dma_start3A_727 = arith.constant 0 : i32
    %dma_start3A_728 = arith.constant 0 : i32
    %dma_start3A_729 = tpu.memref_slice %arg4[%dma_start3A_727, %dma_start3A_728] : memref<532480x32xf32, #tpu.memory_space<hbm>> -> memref<532480x32xf32, #tpu.memory_space<hbm>>
    tpu.enqueue_indirect_dma source(%arg13 : memref<640x32xf32, #tpu.memory_space<vmem>>) target(%dma_start3A_729 : memref<532480x32xf32, #tpu.memory_space<hbm>>) offsets(%arg9 : memref<640xi32, #tpu.memory_space<vmem>>) semaphore(%arg21 : memref<!tpu.dma_semaphore, #tpu.memory_space<semaphore_mem>>)
    %dma_wait3A_730 = arith.constant 25 : i32
    %dma_wait3A_731 = arith.constant 0 : i32
    %dma_wait3A_732 = arith.constant 0 : i32
    %dma_wait3A_733 = tpu.memref_slice %arg3[%dma_wait3A_730, %dma_wait3A_731, %dma_wait3A_732] : memref<26x100000x32xf32, #tpu.memory_space<hbm>> -> memref<1x100000x32xf32, #tpu.memory_space<hbm>>
    %dma_wait3A_734 = tpu.memref_squeeze %dma_wait3A_733 : memref<1x100000x32xf32, #tpu.memory_space<hbm>> -> memref<100000x32xf32, #tpu.memory_space<hbm>>
    %dma_wait3A_735 = arith.constant 0 : i32
    %dma_wait3A_736 = arith.constant 0 : i32
    %dma_wait3A_737 = tpu.memref_slice %dma_wait3A_734[%dma_wait3A_735, %dma_wait3A_736] : memref<100000x32xf32, #tpu.memory_space<hbm>> -> memref<100000x32xf32, #tpu.memory_space<hbm>>
    tpu.wait_indirect_dma semaphore(%arg18 : memref<!tpu.dma_semaphore, #tpu.memory_space<semaphore_mem>>) src(%dma_wait3A_737 : memref<100000x32xf32, #tpu.memory_space<hbm>>) dst(%arg14 : memref<640x32xf32, #tpu.memory_space<vmem>>)
    %dma_start3A_738 = arith.constant 0 : i32
    %dma_start3A_739 = arith.constant 0 : i32
    %dma_start3A_740 = tpu.memref_slice %arg4[%dma_start3A_738, %dma_start3A_739] : memref<532480x32xf32, #tpu.memory_space<hbm>> -> memref<532480x32xf32, #tpu.memory_space<hbm>>
    tpu.enqueue_indirect_dma source(%arg14 : memref<640x32xf32, #tpu.memory_space<vmem>>) target(%dma_start3A_740 : memref<532480x32xf32, #tpu.memory_space<hbm>>) offsets(%arg10 : memref<640xi32, #tpu.memory_space<vmem>>) semaphore(%arg22 : memref<!tpu.dma_semaphore, #tpu.memory_space<semaphore_mem>>)
    %dma_wait3A_741 = arith.constant 0 : i32
    %dma_wait3A_742 = arith.constant 0 : i32
    %dma_wait3A_743 = tpu.memref_slice %arg4[%dma_wait3A_741, %dma_wait3A_742] : memref<532480x32xf32, #tpu.memory_space<hbm>> -> memref<532480x32xf32, #tpu.memory_space<hbm>>
    tpu.wait_indirect_dma semaphore(%arg23 : memref<!tpu.dma_semaphore, #tpu.memory_space<semaphore_mem>>) src(%arg15 : memref<640x32xf32, #tpu.memory_space<vmem>>) dst(%dma_wait3A_743 : memref<532480x32xf32, #tpu.memory_space<hbm>>)
    %dma_wait3A_744 = arith.constant 0 : i32
    %dma_wait3A_745 = arith.constant 0 : i32
    %dma_wait3A_746 = tpu.memref_slice %arg4[%dma_wait3A_744, %dma_wait3A_745] : memref<532480x32xf32, #tpu.memory_space<hbm>> -> memref<532480x32xf32, #tpu.memory_space<hbm>>
    tpu.wait_indirect_dma semaphore(%arg24 : memref<!tpu.dma_semaphore, #tpu.memory_space<semaphore_mem>>) src(%arg16 : memref<640x32xf32, #tpu.memory_space<vmem>>) dst(%dma_wait3A_746 : memref<532480x32xf32, #tpu.memory_space<hbm>>)
    %dma_wait3A_747 = arith.constant 0 : i32
    %dma_wait3A_748 = arith.constant 0 : i32
    %dma_wait3A_749 = tpu.memref_slice %arg4[%dma_wait3A_747, %dma_wait3A_748] : memref<532480x32xf32, #tpu.memory_space<hbm>> -> memref<532480x32xf32, #tpu.memory_space<hbm>>
    tpu.wait_indirect_dma semaphore(%arg21 : memref<!tpu.dma_semaphore, #tpu.memory_space<semaphore_mem>>) src(%arg13 : memref<640x32xf32, #tpu.memory_space<vmem>>) dst(%dma_wait3A_749 : memref<532480x32xf32, #tpu.memory_space<hbm>>)
    %dma_wait3A_750 = arith.constant 0 : i32
    %dma_wait3A_751 = arith.constant 0 : i32
    %dma_wait3A_752 = tpu.memref_slice %arg4[%dma_wait3A_750, %dma_wait3A_751] : memref<532480x32xf32, #tpu.memory_space<hbm>> -> memref<532480x32xf32, #tpu.memory_space<hbm>>
    tpu.wait_indirect_dma semaphore(%arg22 : memref<!tpu.dma_semaphore, #tpu.memory_space<semaphore_mem>>) src(%arg14 : memref<640x32xf32, #tpu.memory_space<vmem>>) dst(%dma_wait3A_752 : memref<532480x32xf32, #tpu.memory_space<hbm>>)
    return
  }
}

</mosaic_0001>

<sc_bundles>
// kernel: kernel.3.cloned.1.call-start
scs
__scs_entry_jumppad:
0x0: {  	(pc) =	sbr.rel $0x88, $3  }
0x1: {  	(tag) =	ssettag $0x0;
	lr =	simm.s32 $0x1  }
0x2: {  	[smem:$0x3F9F] =	sst lr;
	_ =	strace $0xD0000000  }
0x3: {  	_ = 	snop  }
0x4: {  	_ = 	snop  }
0x5: {  	_ = 	snop  }
0x6: {  	_ = 	snop  }
0x7: {  	_ = 	snop  }
__scs_overlays_trampoline_lowered:
0x8: {  	[smem:$0x3FAE] =	sst s0  }
0x9: {  	[smem:$0x3FAF] =	sst s1  }
0xa: {  	[smem:$0x3FB0] =	sst s2  }
0xb: {  	[smem:$0x3FB1] =	sst s3  }
0xc: {  	[smem:$0x3FB2] =	sst s4  }
0xd: {  	[smem:$0x3FB3] =	sst s5  }
0xe: {  	[smem:$0x3FB4] =	sst s6  }
0xf: {  	[smem:$0x3FB5] =	sst s7  }
0x10: {  	[smem:$0x3FB6] =	sst s8  }
0x11: {  	[smem:$0x3FB7] =	sst s9;
	s0 =	simm.s32 @!p0 $0x0  }
0x12: {  	s1 =	sld [smem:$0x3F9D];
	s0 =	simm.s32 @p0 $0x1  }
0x13: {  	[smem:$0x3FB8] =	sst s0;
	s0 =	simm.s32 @!p1 $0x0  }
0x14: {  	s2 =	sld [smem:$0x3F9C];
	s0 =	simm.s32 @p1 $0x1  }
0x15: {  	[smem:$0x3FB9] =	sst s0;
	s0 =	simm.s32 @!p2 $0x0  }
0x16: {  	s3 =	sld [smem:$0x3FDB];
	s0 =	simm.s32 @p2 $0x1  }
0x17: {  	s4 =	simm.s32 $0x1BF5;
	[smem:$0x3FBB] =	sst s0  }
0x18: {  	s0 =	sld [smem:$0x3F9E];
	_ =	swait.ge [sflag:s4], $0x0  }
0x19: {  	s7 =	sld [smem:$0x3F9F]  }
0x1a: {  	s8 =	sadd.s32 $0xFFFFE003, lr  }
0x1b: {  	s9 =	sadd.s32 $0xFFFFFEF7, lr;
	s5 =	simm.s32 $0xFFFFFFFF;
	p2 =	slt.u32 s8, $0xFFFFF086  }
0x1c: {  	p1 =	slt.u32 s9, $0xF7A;
	s5 =	simm.s32 @!p2 $0x0  }
0x1d: {  	s5 =	simm.s32 @p1 $0x1;
	p0 =	seq.s32 s7, s2  }
0x1e: {  	s7 =	smul.u32 @!p0 $0xF7A, s2;
	p2 =	seq.s32 @!p0 s5, $0x0  }
0x1f: {  	s9 =	smul.u32 $0xF7A, s1;
	s8 =	simm.s32 @!p0 $0x1BF5;
	p2 =	por !p2, p0  }
0x20: {  	[sflag:s8] =	ssyncset.s32 @!p0 $0xFFFFF086;
	s6 =	sadd.s32 @!p0 s3, s7;
	s7 =	simm.s32 @!p0 $0x108  }
0x21: {  	s3 =	sadd.s32 s3, s9;
	s6 =	sadd.s32 @!p0 $0x88, s6;
	s7 =	simm.s32 @p2 $0x1082  }
0x22: {  	[simem:s7], [sflag:s8] =	dma.local @!p0 [hbm:s6], $0xF7A  }
0x23: {  	s9 =	sor.u32 $0xD0000000, s2;
	s6 =	simm.s32 $0x108;
	_ =	swait.ge @!p0 [sflag:s8], $0x0  }
0x24: {  	s3 =	sadd.s32 $0x88, s3;
	s6 =	simm.s32 @!p1 $0x1082;
	[sflag:s4] =	ssyncset.s32 $0xFFFFF086  }
0x25: {  	[simem:s6], [sflag:s4] =	dma.local [hbm:s3], $0xF7A  }
0x26: {  	[smem:$0x3F9F] =	sst s1;
	(tag) =	ssettag s2;
	_ =	strace s9  }
0x27: {  	s1 =	sld [smem:$0x3FAF]  }
0x28: {  	s2 =	sld [smem:$0x3FB0]  }
0x29: {  	s4 =	sld [smem:$0x3FB2]  }
0x2a: {  	p0 =	seq.s32 s5, $0x0;
	s5 =	sld [smem:$0x3FB3]  }
0x2b: {  	s6 =	sld [smem:$0x3FB4]  }
0x2c: {  	s7 =	sld [smem:$0x3FB5]  }
0x2d: {  	s3 =	simm.s32 $0x108;
	s8 =	sld [smem:$0x3FB6]  }
0x2e: {  	s3 =	simm.s32 @!p0 $0x1082;
	s9 =	sld [smem:$0x3FB7]  }
0x2f: {  	lr =	sadd.s32 s0, s3;
	s0 =	sld [smem:$0x3FAE]  }
0x30: {  	s3 =	sld [smem:$0x3FB1]  }
0x31: {  	[smem:$0x3FBA] =	sst s10  }
0x32: {  	s10 =	sld [smem:$0x3FB8];
	_ =	sdelay $0x3  }
0x33: {  	p0 =	seq.s32 s10, $0x1;
	s10 =	sld [smem:$0x3FBA];
	_ =	sdelay $0x3  }
0x34: {  	[smem:$0x3FBA] =	sst s10  }
0x35: {  	s10 =	sld [smem:$0x3FB9];
	_ =	sdelay $0x3  }
0x36: {  	p1 =	seq.s32 s10, $0x1;
	s10 =	sld [smem:$0x3FBA];
	_ =	sdelay $0x3  }
0x37: {  	[smem:$0x3FBA] =	sst s10  }
0x38: {  	s10 =	sld [smem:$0x3FBB]  }
0x39: {  	_ = 	snop;
	(pc) =	sbr.ind lr, $3  }
0x3a: {  	_ = 	snop  }
0x3b: {  	_ = 	snop  }
0x3c: {  	p2 =	seq.s32 s10, $0x1;
	s10 =	sld [smem:$0x3FBA]  }
0x3d: {  	_ =	shalt  }
0x3e: {  	_ =	shalt  }
0x3f: {  	_ =	shalt  }
0x40: {  	_ =	shalt  }
0x41: {  	_ =	shalt  }
0x42: {  	_ =	shalt  }
0x43: {  	_ =	shalt  }
0x44: {  	_ =	shalt  }
0x45: {  	_ =	shalt  }
0x46: {  	_ =	shalt  }
0x47: {  	_ =	shalt  }
0x48: {  	_ =	shalt  }
0x49: {  	_ =	shalt  }
0x4a: {  	_ =	shalt  }
0x4b: {  	_ =	shalt  }
0x4c: {  	_ =	shalt  }
0x4d: {  	_ =	shalt  }
0x4e: {  	_ =	shalt  }
0x4f: {  	_ =	shalt  }
0x50: {  	_ =	shalt  }
0x51: {  	_ =	shalt  }
0x52: {  	_ =	shalt  }
0x53: {  	_ =	shalt  }
0x54: {  	_ =	shalt  }
0x55: {  	_ =	shalt  }
0x56: {  	_ =	shalt  }
0x57: {  	_ =	shalt  }
0x58: {  	_ =	shalt  }
0x59: {  	_ =	shalt  }
0x5a: {  	_ =	shalt  }
0x5b: {  	_ =	shalt  }
0x5c: {  	_ =	shalt  }
0x5d: {  	_ =	shalt  }
0x5e: {  	_ =	shalt  }
0x5f: {  	_ =	shalt  }
0x60: {  	_ =	shalt  }
0x61: {  	_ =	shalt  }
0x62: {  	_ =	shalt  }
0x63: {  	_ =	shalt  }
0x64: {  	_ =	shalt  }
0x65: {  	_ =	shalt  }
0x66: {  	_ =	shalt  }
0x67: {  	_ =	shalt  }
0x68: {  	_ =	shalt  }
0x69: {  	_ =	shalt  }
0x6a: {  	_ =	shalt  }
0x6b: {  	_ =	shalt  }
0x6c: {  	_ =	shalt  }
0x6d: {  	_ =	shalt  }
0x6e: {  	_ =	shalt  }
0x6f: {  	_ =	shalt  }
0x70: {  	_ =	shalt  }
0x71: {  	_ =	shalt  }
0x72: {  	_ =	shalt  }
0x73: {  	_ =	shalt  }
0x74: {  	_ =	shalt  }
0x75: {  	_ =	shalt  }
0x76: {  	_ =	shalt  }
0x77: {  	_ =	shalt  }
0x78: {  	_ =	shalt  }
0x79: {  	_ =	shalt  }
0x7a: {  	_ =	shalt  }
0x7b: {  	_ =	shalt  }
0x7c: {  	_ =	shalt  }
0x7d: {  	_ =	shalt  }
0x7e: {  	_ =	shalt  }
0x7f: {  	_ =	shalt  }
0x80: {  	_ =	shalt  }
0x81: {  	_ =	shalt  }
0x82: {  	_ =	shalt  }
0x83: {  	_ =	shalt  }
0x84: {  	_ =	shalt  }
0x85: {  	_ =	shalt  }
0x86: {  	_ =	shalt  }
0x87: {  	_ =	shalt  }
.Lfunc_end0:
.L_simem_size_0:
called_computation.1_lowered:
.L_overlay_start_0:
0x88: {  	s2 =	sld [smem:$0x3FD9]  }
0x89: {  	s3 =	sld [smem:$0x3FFE];
	_ =	sdelay $0x1  }
0x8a: {  	s1 =	srdreg.scid  }
0x8b: {  	s0 =	sand.u32 $0x1, s1  }
0x8c: {  	s17 =	sshll.u32 s0, $0xA;
	s2 =	sadd.s32 s3, s2  }
0x8d: {  	s2 =	sadd.s32 s2, s17  }
0x8e: {  	[smem:$0x3FC6] =	sst s2  }
0x8f: {  	_ = 	snop  }
0x90: {  	s2 =	sld [smem:$0x3FD0];
	(tm) =	ssettm $0x1  }
0x91: {  	s18 =	sld [smem:$0x3FFB];
	_ =	sdelay $0x3  }
0x92: {  	_ =	strace s18  }
0x93: {  	s3 =	sld [smem:$0x3FFC];
	_ =	sdelay $0x3  }
0x94: {  	_ =	strace s3  }
0x95: {  	s3 =	sld [smem:$0x3FFD];
	_ =	sdelay $0x3  }
0x96: {  	_ =	strace s3  }
0x97: {  	_ =	strace $0x8FFFFFFF  }
0x98: {  	s19 =	sld [smem:$0x3FDB];
	_ =	sdelay $0x1  }
0x99: {  	s4 =	simm.s32 $_scs_section_size  }
0x9a: {  	s5 =	simm.s32 $_size__tile_overlayer_lowered;
	s6 =	simm.s32 $_tile_overlayer_lowered  }
0x9b: {  	s22 =	simm.s32 $0x1BFF;
	s21 =	sshll.u32 s6, $0x1;
	s3 =	sadd.s32 s4, s19  }
0x9c: {  	s7 =	simm.s32 $0x0;
	s20 =	sshll.u32 s5, $0x1;
	s5 =	sadd.s32 s21, s3  }
0x9d: {  	[timem:s7], [sflag:s22] =	dma.local [hbm:s5], s20  }
0x9e: {  	_ =	swait.ge [sflag:s22], s20  }
0x9f: {  	s4 =	ssub.s32 $0x0, s20;
	[sflag:s22] =	ssyncset.done $0x0  }
0xa0: {  	[sflag:s22] =	ssyncadd.s32 s4;
	_ =	sdelay $0x1  }
0xa1: {  	s23 =	simm.s32 $0x1B8B  }
0xa2: {  	_ =	swait.ge [sflag:s23], $0x1  }
0xa3: {  	[sflag:s23] =	ssyncset.done $0x0  }
0xa4: {  	s25 =	simm.s32 $0x1B8E;
	s24 =	sld [smem:$0x3FFE];
	[sflag:s23] =	ssyncadd.s32 $0xFFFFFFFF  }
0xa5: {  	s26 =	simm.s32 $execute0_lowered;
	[smem:$0x3FD2] =	sst s25  }
0xa6: {  	s5 =	sshll.u32 s26, $0x1;
	_ =	strace $0x80000046;
	[dreg:$0x1] =	wrdreg $0xFFFFFFFF  }
0xa7: {  	s28 =	simm.s32 $_size_execute0_lowered;
	s3 =	sadd.s32 s3, s5;
	[dreg:$0x0] =	wrdreg $0x0  }
0xa8: {  	s5 =	sshll.u32 s28, $0x1;
	[dreg:$0x2] =	wrdreg s3  }
0xa9: {  	[dreg:$0x3] =	wrdreg s5  }
0xaa: {  	[dreg:$0x4] =	wrdreg $0xC0  }
0xab: {  	_ =	task [dreg:s7], $0x5FFFF  }
0xac: {  	[dreg:$0x1] =	wrdreg $0xFFFFFFFF  }
0xad: {  	[dreg:$0x0] =	wrdreg $0x60  }
0xae: {  	[dreg:$0x2] =	wrdreg s24  }
0xaf: {  	[dreg:$0x3] =	wrdreg s2  }
0xb0: {  	[dreg:$0x4] =	wrdreg $0x9  }
0xb1: {  	_ =	task.clear_ibuf [dreg:s7], $0x5FFFF;
	_ =	strace $0x90000046  }
0xb2: {  	s29 =	simm.s32 $0x9;
	_ =	strace $0x80000048  }
0xb3: {  	_ =	swait.ge [sflag:s29], $0x1  }
0xb4: {  	[sflag:s29] =	ssyncadd.s32 $0xFFFFFFFF  }
0xb5: {  	_ =	strace $0x90000048  }
0xb6: {  	_ =	sfence  }
0xb7: {  	s30 =	sld [smem:$0x0];
	_ =	sdelay $0x2  }
0xb8: {  	s31 =	sshll.u32 s1, $0xD;
	s1 =	sshrl.u32 s1, $0x2  }
0xb9: {  	s3 =	sand.u32 $0x4000, s31;
	s1 =	sadd.s32 s1, s30  }
0xba: {  	s0 =	sor.u32 s3, s0;
	s1 =	sshll.u32 s1, $0x11  }
0xbb: {  	s0 =	sor.u32 s1, s0  }
0xbc: {  	s0 =	sadd.s32 $0x8F2B, s0  }
0xbd: {  	[sflag:s0] =	ssyncadd.remote.s32 $0x1  }
0xbe: {  	_ =	sfence.sel $0xFFFF  }
0xbf: {  	[dreg:$0x0] =	wrdreg $0xFFFFFFFF;
	(pc) =	sbr.abs _section_cstart, $3  }
0xc0: {  	[dreg:$0x1] =	wrdreg $0xFFFFFFFF  }
0xc1: {  	_ =	task.clear_ibuf [dreg:s7], $0x2FFFF;
	_ =	strace $0x9FFFFFFF  }
0xc2: {  	(tm) =	ssettm $0x7FFFFFFF  }
0xc3: {  	_ =	shalt  }
tec
execute0_lowered:
.L_overlay_start_1:
0x0: {  	(tag) =	ssettag $0x1  }
0x1: {  	s1 =	srdreg.scid;
	s2 =	stileid.u32  }
0x2: {  	s0 =	rddreg [dreg:$0x0];
	s4 =	simm.s32 $0x0;
	s28 =	simm.s32 $0x9  }
0x3: {  	s29 =	simm.s32 $0x280;
	s30 =	simm.s32 $0x1400;
	s31 =	simm.s32 $0x6400  }
0x4: {  	s3 =	sand.u32 $0x1, s1;
	s16 =	sshll.u32 s2, $0x1;
	s5 =	sadd.s32 $0x27ACE00, s0  }
0x5: {  	[smem:$0x7FF] =	sst s4;
	s19 =	sadd.s32 $0x1400, s0;
	s6 =	sadd.s32 $0x280E880, s0  }
0x6: {  	s20 =	sadd.s32 $0x1E00, s0;
	s7 =	sadd.s32 $0x2870300, s0;
	s21 =	sadd.s32 $0x2800, s0  }
0x7: {  	s2 =	rddreg [dreg:$0x1];
	s22 =	sadd.s32 $0x28D1D80, s0;
	s23 =	sadd.s32 $0x2933800, s0  }
0x8: {  	s24 =	sadd.s32 $0x3200, s0;
	_ =	strace $0x80000047;
	[dreg:$0x3] =	wrdreg s5  }
0x9: {  	s8 =	sadd.s32 $0x3C00, s0;
	s9 =	sadd.s32 $0x2995280, s0;
	[dreg:$0x5] =	wrdreg s6  }
0xa: {  	s25 =	sadd.s32 $0x4600, s0;
	s1 =	sor.u32 s3, s16;
	[dreg:$0x6] =	wrdreg s7  }
0xb: {  	s10 =	sadd.s32 $0x5000, s0;
	[dreg:$0x7] =	wrdreg s22;
	s15 =	smul.u32 $0x280, s1  }
0xc: {  	s11 =	sadd.s32 $0x5A00, s0;
	s12 =	sadd.s32 $0x6400, s0;
	[dreg:$0x8] =	wrdreg s23  }
0xd: {  	[dreg:$0x9] =	wrdreg s9;
	s22 =	sadd.s32 $0x2A58780, s0;
	s1 =	sshrl.u32 s15, $0x3  }
0xe: {  	s13 =	sadd.s32 $0x6E00, s0;
	[dreg:$0x18] =	wrdreg s22;
	s26 =	sadd.s32 s1, s20  }
0xf: {  	s14 =	sadd.s32 $0x7800, s0;
	s6 =	sadd.s32 s1, s21;
	[dreg:$0xb] =	wrdreg s26  }
0x10: {  	s3 =	ssub.s32 $0x2, s3;
	s7 =	sadd.s32 s1, s24;
	[dreg:$0xc] =	wrdreg s6  }
0x11: {  	s23 =	sadd.s32 $0x9600, s0;
	s8 =	sadd.s32 s1, s8;
	[dreg:$0xd] =	wrdreg s7  }
0x12: {  	s5 =	sadd.s32 $0xAA00, s0;
	s9 =	sadd.s32 s1, s25;
	[dreg:$0xe] =	wrdreg s8  }
0x13: {  	s18 =	sshrl.u32 s3, $0x1;
	s10 =	sadd.s32 s1, s10;
	[dreg:$0xf] =	wrdreg s9  }
0x14: {  	s22 =	sadd.s32 $0xFA00, s0;
	s11 =	sadd.s32 s1, s11;
	[dreg:$0x10] =	wrdreg s10  }
0x15: {  	v0 =	vlaneseq.u32;
	s3 =	ssub.s32 s3, s18;
	s16 =	sadd.s32 s1, s12;
	[dreg:$0x11] =	wrdreg s11  }
0x16: {  	v0 =	vor.u32 s15, v0;
	s15 =	simm.s32 $0x7;
	s18 =	sadd.s32 s1, s14;
	[dreg:$0x12] =	wrdreg s16  }
0x17: {  	s17 =	sadd.s32 s1, s0;
	s20 =	sadd.s32 $0x29F6D00, s0;
	[dreg:$0x14] =	wrdreg s18  }
0x18: {  	s21 =	sadd.s32 $0x8C00, s0;
	s24 =	sadd.s32 $0x2ABA200, s0;
	[dreg:$0x16] =	wrdreg s20  }
0x19: {  	s25 =	sadd.s32 $0xA000, s0;
	s12 =	sadd.s32 $0x2CA2680, s0;
	[dreg:$0x1a] =	wrdreg s24  }
0x1a: {  	s14 =	sadd.s32 $0x2D04100, s0;
	s4 =	sadd.s32 $0xA00, s17;
	[smem:$0x7F1] =	sst s12  }
0x1b: {  	s17 =	sadd.s32 s1, s13;
	s26 =	sadd.s32 $0x2B1BC80, s0;
	[smem:$0x7F3] =	sst s14  }
0x1c: {  	s6 =	sadd.s32 $0x2B7D700, s0;
	s7 =	sadd.s32 $0xB400, s0;
	[dreg:$0x4] =	wrdreg s4  }
0x1d: {  	s8 =	sadd.s32 $0x2BDF180, s0;
	s9 =	sadd.s32 $0xBE00, s0;
	[dreg:$0x13] =	wrdreg s17  }
0x1e: {  	s10 =	sadd.s32 $0x2C40C00, s0;
	s11 =	sadd.s32 $0xC800, s0;
	[dreg:$0x1c] =	wrdreg s26  }
0x1f: {  	s13 =	sadd.s32 $0xD200, s0;
	s16 =	sadd.s32 $0xDC00, s0;
	[dreg:$0x1e] =	wrdreg s6  }
0x20: {  	s18 =	sadd.s32 $0xE600, s0;
	s20 =	sadd.s32 $0xF000, s0;
	[smem:$0x7ED] =	sst s8  }
0x21: {  	s24 =	sadd.s32 $0x2EEC580, s0;
	s12 =	simm.s32 $0x6;
	[smem:$0x7EF] =	sst s10  }
0x22: {  	s14 =	simm.s32 $0x1180;
	s4 =	sadd.s32 s1, s19;
	[smem:$0x7FC] =	sst s24  }
0x23: {  	s19 =	sadd.s32 $0x8200, s0;
	s17 =	sadd.s32 $0x2D65B80, s0;
	[dreg:$0xa] =	wrdreg s4  }
0x24: {  	s26 =	sadd.s32 $0x10400, s0;
	s4 =	sadd.s32 s1, s19;
	[smem:$0x7F5] =	sst s17  }
0x25: {  	s24 =	sadd.s32 $0x30D4A00, s0;
	s19 =	sadd.s32 $0x2DC7600, s0;
	[dreg:$0x15] =	wrdreg s4  }
0x26: {  	s6 =	simm.s32 $0x10400;
	s4 =	sadd.s32 s1, s21;
	[smem:$0x7F7] =	sst s19  }
0x27: {  	s8 =	simm.s32 $0xC80;
	s21 =	sadd.s32 $0x2E29080, s0;
	[dreg:$0x17] =	wrdreg s4  }
0x28: {  	s10 =	simm.s32 $0x3;
	s4 =	sadd.s32 s1, s23;
	[smem:$0x7F9] =	sst s21  }
0x29: {  	s17 =	simm.s32 $0x0;
	s23 =	sadd.s32 $0x2E8AB00, s0;
	[dreg:$0x19] =	wrdreg s4  }
0x2a: {  	s21 =	sadd.s32 s1, s26;
	s4 =	sadd.s32 s1, s25;
	[smem:$0x7FB] =	sst s23  }
0x2b: {  	s26 =	smax.u32 s3, $0x1;
	s25 =	sadd.s32 $0x2F4E000, s0;
	[dreg:$0x1b] =	wrdreg s4  }
0x2c: {  	s3 =	simm.s32 $0x1;
	s4 =	sadd.s32 s1, s5;
	[smem:$0x7FD] =	sst s25  }
0x2d: {  	s23 =	sadd.s32 $0x3072F80, s0;
	[dreg:$0x1d] =	wrdreg s4;
	s4 =	sadd.s32 s1, s7  }
0x2e: {  	s25 =	sadd.s32 $0x3136480, s0;
	[dreg:$0x1f] =	wrdreg s4;
	s4 =	sadd.s32 s1, s9  }
0x2f: {  	s5 =	simm.s32 $0x780;
	[smem:$0x7EE] =	sst s4;
	s4 =	sadd.s32 s1, s11  }
0x30: {  	s7 =	simm.s32 $0x2;
	[smem:$0x7F0] =	sst s4;
	s4 =	sadd.s32 s1, s13  }
0x31: {  	s9 =	simm.s32 $0x5;
	[smem:$0x7F2] =	sst s4;
	s4 =	sadd.s32 s1, s16  }
0x32: {  	s11 =	simm.s32 $0xF00;
	[smem:$0x7F4] =	sst s4;
	s4 =	sadd.s32 s1, s18  }
0x33: {  	s13 =	simm.s32 $0x4;
	[smem:$0x7F6] =	sst s4;
	s4 =	sadd.s32 s1, s20  }
0x34: {  	s16 =	simm.s32 $0x8;
	s20 =	sadd.s32 $0x2FAFA80, s0;
	[smem:$0x7F8] =	sst s4  }
0x35: {  	s4 =	sadd.s32 s1, s22;
	s22 =	sadd.s32 $0x3011500, s0;
	s1 =	simm.s32 $0x500  }
0x36: {  	s0 =	simm.s32 $0xB400;
	[smem:$0x7FA] =	sst s4;
	s4 =	simm.s32 $0xA00  }
.LBB2_1:
0x37: {  	s18 =	simm.s32 $0x0;
	s19 =	rddreg [dreg:$0x4]  }
0x38: {  	[tilespmem:s18], [sflag:$0x9] =	stream.linear.gather [hbm4b:s19+s18], $0x280, $0x38;
	[tilespmem:$0x15400] =	vst v63  }
0x39: {  	v1 =	vadd.s32 s18, v0;
	_ =	swait.ge [sflag:s28], $0x280  }
0x3a: {  	v1 =	vmul.u32 $0x1A, v1;
	[sflag:s28] =	ssyncset.done $0x0  }
0x3b: {  	[sflag:s28] =	ssyncadd.s32 $0xFFFFFD80  }
0x3c: {  	s18 =	simm.s32 $0x10;
	s19 =	simm.s32 $0xA00;
	[tilespmem:s4+$0x0] =	vst v1  }
.LBB2_2:
0x3d: {  	p0 =	sne.s32 s18, $0x270  }
.Ltmp0:
0x3e: {  	_ = 	snop;
	(pc) =	sbr.rel @p0 .LBB2_2-.Ltmp0, $4  }
0x3f: {  	v1 =	vadd.s32 s18, v0  }
0x40: {  	v1 =	vmul.u32 $0x1A, v1  }
0x41: {  	s19 =	sadd.s32 $0x10, s19  }
0x42: {  	s18 =	sadd.s32 $0x10, s18;
	[tilespmem:s19+$0x0] =	vst v1  }
0x43: {  	s18 =	simm.s32 $0x0;
	s19 =	rddreg [dreg:$0xa]  }
0x44: {  	[tilespmem:s29], [sflag:$0x9] =	stream.linear.gather [hbm4b:s19+s18], $0x280, $0x38;
	v1 =	vadd.s32 s18, v0;
	[tilespmem:$0x15400] =	vst v63  }
0x45: {  	_ =	swait.ge [sflag:s28], $0x280;
	v1 =	vmul.u32 $0x1A, v1  }
0x46: {  	[sflag:s28] =	ssyncset.done $0x0  }
0x47: {  	s18 =	simm.s32 $0xC80;
	[sflag:s28] =	ssyncadd.s32 $0xFFFFFD80;
	v1 =	vor.u32 $0x1, v1  }
0x48: {  	s19 =	simm.s32 $0x10;
	[tilespmem:s18+$0x0] =	vst v1  }
.LBB2_4:
0x49: {  	p0 =	sne.s32 s19, $0x270  }
.Ltmp1:
0x4a: {  	v1 =	vadd.s32 s19, v0;
	s19 =	sadd.s32 $0x10, s19;
	(pc) =	sbr.rel @p0 .LBB2_4-.Ltmp1, $3  }
0x4b: {  	v1 =	vmul.u32 $0x1A, v1;
	_ =	sdelay $0x1  }
0x4c: {  	s18 =	sadd.s32 $0x10, s18;
	v1 =	vor.u32 $0x1, v1  }
0x4d: {  	[tilespmem:s18+$0x0] =	vst v1  }
0x4e: {  	s18 =	simm.s32 $0x0;
	s19 =	rddreg [dreg:$0x3]  }
0x4f: {  	[tilespmem:s30], [sflag:$0x1] =	stream.indirect.gather [hbm4b:s19+s29], $0x20, s18, s29, $0xb8;
	[tilespmem:$0x15400] =	vst v63  }
0x50: {  	s19 =	rddreg [dreg:$0x5]  }
0x51: {  	[tilespmem:s31], [sflag:$0x2] =	stream.indirect.gather [hbm4b:s19+s29], $0x20, s29, s29, $0xb8;
	[tilespmem:$0x15400] =	vst v63  }
0x52: {  	s19 =	rddreg [dreg:$0xb]  }
0x53: {  	v1 =	vadd.s32 s18, v0;
	[tilespmem:s1], [sflag:$0x9] =	stream.linear.gather [hbm4b:s19+s18], $0x280, $0x38;
	[tilespmem:$0x15400] =	vst v63  }
0x54: {  	v1 =	vmul.u32 $0x1A, v1;
	_ =	swait.ge [sflag:s28], $0x280  }
0x55: {  	[sflag:s28] =	ssyncset.done $0x0  }
0x56: {  	v1 =	vadd.s32 $0x2, v1;
	s18 =	simm.s32 $0xF00;
	[sflag:s28] =	ssyncadd.s32 $0xFFFFFD80  }
0x57: {  	s19 =	simm.s32 $0x10;
	[tilespmem:s18+$0x0] =	vst v1  }
.LBB2_6:
0x58: {  	p0 =	sne.s32 s19, $0x270  }
.Ltmp2:
0x59: {  	v1 =	vadd.s32 s19, v0;
	s19 =	sadd.s32 $0x10, s19;
	(pc) =	sbr.rel @p0 .LBB2_6-.Ltmp2, $3  }
0x5a: {  	v1 =	vmul.u32 $0x1A, v1;
	_ =	sdelay $0x1  }
0x5b: {  	s18 =	sadd.s32 $0x10, s18;
	v1 =	vadd.s32 $0x2, v1  }
0x5c: {  	[tilespmem:s18+$0x0] =	vst v1  }
0x5d: {  	s18 =	rddreg [dreg:$0x6]  }
0x5e: {  	[tilespmem:s0], [sflag:$0x3] =	stream.indirect.gather [hbm4b:s18+s29], $0x20, s1, s29, $0xb8;
	[tilespmem:$0x15400] =	vst v63  }
0x5f: {  	_ =	swait.ge [sflag:s3], $0x5000  }
0x60: {  	[sflag:s3] =	ssyncset.done $0x0  }
0x61: {  	[sflag:s3] =	ssyncadd.s32 $0xFFFFB000  }
0x62: {  	[hbm4b:s2+s29] =	stream.indirect.scatter [tilespmem:s30], [sflag:$0x5], $0x20, s4, s29, $0xb8;
	[tilespmem:$0x15400] =	vst v63  }
0x63: {  	s18 =	simm.s32 $0x0;
	s19 =	rddreg [dreg:$0xc]  }
0x64: {  	v1 =	vadd.s32 s18, v0;
	[tilespmem:s5], [sflag:$0x9] =	stream.linear.gather [hbm4b:s19+s18], $0x280, $0x38;
	[tilespmem:$0x15400] =	vst v63  }
0x65: {  	v1 =	vmul.u32 $0x1A, v1;
	_ =	swait.ge [sflag:s28], $0x280  }
0x66: {  	[sflag:s28] =	ssyncset.done $0x0  }
0x67: {  	v1 =	vadd.s32 $0x3, v1;
	s18 =	simm.s32 $0x1180;
	[sflag:s28] =	ssyncadd.s32 $0xFFFFFD80  }
0x68: {  	s19 =	simm.s32 $0x10;
	[tilespmem:s18+$0x0] =	vst v1  }
.LBB2_8:
0x69: {  	p0 =	sne.s32 s19, $0x270  }
.Ltmp3:
0x6a: {  	v1 =	vadd.s32 s19, v0;
	s19 =	sadd.s32 $0x10, s19;
	(pc) =	sbr.rel @p0 .LBB2_8-.Ltmp3, $3  }
0x6b: {  	v1 =	vmul.u32 $0x1A, v1;
	_ =	sdelay $0x1  }
0x6c: {  	s18 =	sadd.s32 $0x10, s18;
	v1 =	vadd.s32 $0x3, v1  }
0x6d: {  	[tilespmem:s18+$0x0] =	vst v1  }
0x6e: {  	s18 =	rddreg [dreg:$0x7]  }
0x6f: {  	[tilespmem:s6], [sflag:$0x4] =	stream.indirect.gather [hbm4b:s18+s29], $0x20, s5, s29, $0xb8;
	[tilespmem:$0x15400] =	vst v63  }
0x70: {  	_ =	swait.ge [sflag:s7], $0x5000  }
0x71: {  	[sflag:s7] =	ssyncset.done $0x0  }
0x72: {  	[sflag:s7] =	ssyncadd.s32 $0xFFFFB000  }
0x73: {  	[hbm4b:s2+s29] =	stream.indirect.scatter [tilespmem:s31], [sflag:$0x6], $0x20, s8, s29, $0xb8;
	[tilespmem:$0x15400] =	vst v63  }
0x74: {  	_ =	swait.ge [sflag:s9], $0x5000  }
0x75: {  	[sflag:s9] =	ssyncset.done $0x0  }
0x76: {  	s18 =	simm.s32 $0x0;
	s19 =	rddreg [dreg:$0xd];
	[sflag:s9] =	ssyncadd.s32 $0xFFFFB000  }
0x77: {  	v1 =	vadd.s32 s18, v0;
	[tilespmem:s18], [sflag:$0x9] =	stream.linear.gather [hbm4b:s19+s18], $0x280, $0x38;
	[tilespmem:$0x15400] =	vst v63  }
0x78: {  	v1 =	vmul.u32 $0x1A, v1;
	_ =	swait.ge [sflag:s28], $0x280  }
0x79: {  	[sflag:s28] =	ssyncset.done $0x0  }
0x7a: {  	v1 =	vadd.s32 $0x4, v1;
	s18 =	simm.s32 $0xA00;
	[sflag:s28] =	ssyncadd.s32 $0xFFFFFD80  }
0x7b: {  	s19 =	simm.s32 $0x10;
	[tilespmem:s18+$0x0] =	vst v1  }
.LBB2_10:
0x7c: {  	p0 =	sne.s32 s19, $0x270  }
.Ltmp4:
0x7d: {  	v1 =	vadd.s32 s19, v0;
	s19 =	sadd.s32 $0x10, s19;
	(pc) =	sbr.rel @p0 .LBB2_10-.Ltmp4, $3  }
0x7e: {  	v1 =	vmul.u32 $0x1A, v1;
	_ =	sdelay $0x1  }
0x7f: {  	s18 =	sadd.s32 $0x10, s18;
	v1 =	vadd.s32 $0x4, v1  }
0x80: {  	[tilespmem:s18+$0x0] =	vst v1  }
0x81: {  	s18 =	simm.s32 $0x0;
	s19 =	rddreg [dreg:$0x8]  }
0x82: {  	[tilespmem:s30], [sflag:$0x1] =	stream.indirect.gather [hbm4b:s19+s29], $0x20, s18, s29, $0xb8;
	[tilespmem:$0x15400] =	vst v63  }
0x83: {  	_ =	swait.ge [sflag:s10], $0x5000  }
0x84: {  	[sflag:s10] =	ssyncset.done $0x0  }
0x85: {  	[sflag:s10] =	ssyncadd.s32 $0xFFFFB000  }
0x86: {  	[hbm4b:s2+s29] =	stream.indirect.scatter [tilespmem:s0], [sflag:$0x7], $0x20, s11, s29, $0xb8;
	[tilespmem:$0x15400] =	vst v63  }
0x87: {  	_ =	swait.ge [sflag:s12], $0x5000  }
0x88: {  	[sflag:s12] =	ssyncset.done $0x0  }
0x89: {  	s19 =	rddreg [dreg:$0xe];
	[sflag:s12] =	ssyncadd.s32 $0xFFFFB000  }
0x8a: {  	v1 =	vadd.s32 s18, v0;
	[tilespmem:s29], [sflag:$0x9] =	stream.linear.gather [hbm4b:s19+s18], $0x280, $0x38;
	[tilespmem:$0x15400] =	vst v63  }
0x8b: {  	v1 =	vmul.u32 $0x1A, v1;
	_ =	swait.ge [sflag:s28], $0x280  }
0x8c: {  	[sflag:s28] =	ssyncset.done $0x0  }
0x8d: {  	v1 =	vadd.s32 $0x5, v1;
	s18 =	simm.s32 $0xC80;
	[sflag:s28] =	ssyncadd.s32 $0xFFFFFD80  }
0x8e: {  	s19 =	simm.s32 $0x10;
	[tilespmem:s18+$0x0] =	vst v1  }
.LBB2_12:
0x8f: {  	p0 =	sne.s32 s19, $0x270  }
.Ltmp5:
0x90: {  	v1 =	vadd.s32 s19, v0;
	s19 =	sadd.s32 $0x10, s19;
	(pc) =	sbr.rel @p0 .LBB2_12-.Ltmp5, $3  }
0x91: {  	v1 =	vmul.u32 $0x1A, v1;
	_ =	sdelay $0x1  }
0x92: {  	s18 =	sadd.s32 $0x10, s18;
	v1 =	vadd.s32 $0x5, v1  }
0x93: {  	[tilespmem:s18+$0x0] =	vst v1  }
0x94: {  	s18 =	rddreg [dreg:$0x9]  }
0x95: {  	[tilespmem:s31], [sflag:$0x2] =	stream.indirect.gather [hbm4b:s18+s29], $0x20, s29, s29, $0xb8;
	[tilespmem:$0x15400] =	vst v63  }
0x96: {  	_ =	swait.ge [sflag:s13], $0x5000  }
0x97: {  	[sflag:s13] =	ssyncset.done $0x0  }
0x98: {  	[sflag:s13] =	ssyncadd.s32 $0xFFFFB000  }
0x99: {  	[hbm4b:s2+s29] =	stream.indirect.scatter [tilespmem:s6], [sflag:$0x8], $0x20, s14, s29, $0xb8;
	[tilespmem:$0x15400] =	vst v63  }
0x9a: {  	_ =	swait.ge [sflag:s15], $0x5000  }
0x9b: {  	[sflag:s15] =	ssyncset.done $0x0  }
0x9c: {  	s18 =	simm.s32 $0x0;
	s19 =	rddreg [dreg:$0xf];
	[sflag:s15] =	ssyncadd.s32 $0xFFFFB000  }
0x9d: {  	v1 =	vadd.s32 s18, v0;
	[tilespmem:s1], [sflag:$0x9] =	stream.linear.gather [hbm4b:s19+s18], $0x280, $0x38;
	[tilespmem:$0x15400] =	vst v63  }
0x9e: {  	v1 =	vmul.u32 $0x1A, v1;
	_ =	swait.ge [sflag:s28], $0x280  }
0x9f: {  	[sflag:s28] =	ssyncset.done $0x0  }
0xa0: {  	v1 =	vadd.s32 $0x6, v1;
	s18 =	simm.s32 $0xF00;
	[sflag:s28] =	ssyncadd.s32 $0xFFFFFD80  }
0xa1: {  	s19 =	simm.s32 $0x10;
	[tilespmem:s18+$0x0] =	vst v1  }
.LBB2_14:
0xa2: {  	p0 =	sne.s32 s19, $0x270  }
.Ltmp6:
0xa3: {  	v1 =	vadd.s32 s19, v0;
	s19 =	sadd.s32 $0x10, s19;
	(pc) =	sbr.rel @p0 .LBB2_14-.Ltmp6, $3  }
0xa4: {  	v1 =	vmul.u32 $0x1A, v1;
	_ =	sdelay $0x1  }
0xa5: {  	s18 =	sadd.s32 $0x10, s18;
	v1 =	vadd.s32 $0x6, v1  }
0xa6: {  	[tilespmem:s18+$0x0] =	vst v1  }
0xa7: {  	s18 =	rddreg [dreg:$0x16]  }
0xa8: {  	[tilespmem:s0], [sflag:$0x3] =	stream.indirect.gather [hbm4b:s18+s29], $0x20, s1, s29, $0xb8;
	[tilespmem:$0x15400] =	vst v63  }
0xa9: {  	_ =	swait.ge [sflag:s3], $0x5000  }
0xaa: {  	[sflag:s3] =	ssyncset.done $0x0  }
0xab: {  	[sflag:s3] =	ssyncadd.s32 $0xFFFFB000  }
0xac: {  	[hbm4b:s2+s29] =	stream.indirect.scatter [tilespmem:s30], [sflag:$0x5], $0x20, s4, s29, $0xb8;
	[tilespmem:$0x15400] =	vst v63  }
0xad: {  	_ =	swait.ge [sflag:s16], $0x5000  }
0xae: {  	[sflag:s16] =	ssyncset.done $0x0  }
0xaf: {  	s18 =	simm.s32 $0x0;
	s19 =	rddreg [dreg:$0x10];
	[sflag:s16] =	ssyncadd.s32 $0xFFFFB000  }
0xb0: {  	v1 =	vadd.s32 s18, v0;
	[tilespmem:s5], [sflag:$0x9] =	stream.linear.gather [hbm4b:s19+s18], $0x280, $0x38;
	[tilespmem:$0x15400] =	vst v63  }
0xb1: {  	v1 =	vmul.u32 $0x1A, v1;
	_ =	swait.ge [sflag:s28], $0x280  }
0xb2: {  	[sflag:s28] =	ssyncset.done $0x0  }
0xb3: {  	v1 =	vadd.s32 $0x7, v1;
	s18 =	simm.s32 $0x1180;
	[sflag:s28] =	ssyncadd.s32 $0xFFFFFD80  }
0xb4: {  	s19 =	simm.s32 $0x10;
	[tilespmem:s18+$0x0] =	vst v1  }
.LBB2_16:
0xb5: {  	p0 =	sne.s32 s19, $0x270  }
.Ltmp7:
0xb6: {  	v1 =	vadd.s32 s19, v0;
	s19 =	sadd.s32 $0x10, s19;
	(pc) =	sbr.rel @p0 .LBB2_16-.Ltmp7, $3  }
0xb7: {  	v1 =	vmul.u32 $0x1A, v1;
	_ =	sdelay $0x1  }
0xb8: {  	s18 =	sadd.s32 $0x10, s18;
	v1 =	vadd.s32 $0x7, v1  }
0xb9: {  	[tilespmem:s18+$0x0] =	vst v1  }
0xba: {  	s18 =	rddreg [dreg:$0x18]  }
0xbb: {  	[tilespmem:s6], [sflag:$0x4] =	stream.indirect.gather [hbm4b:s18+s29], $0x20, s5, s29, $0xb8;
	[tilespmem:$0x15400] =	vst v63  }
0xbc: {  	_ =	swait.ge [sflag:s7], $0x5000  }
0xbd: {  	[sflag:s7] =	ssyncset.done $0x0  }
0xbe: {  	[sflag:s7] =	ssyncadd.s32 $0xFFFFB000  }
0xbf: {  	[hbm4b:s2+s29] =	stream.indirect.scatter [tilespmem:s31], [sflag:$0x6], $0x20, s8, s29, $0xb8;
	[tilespmem:$0x15400] =	vst v63  }
0xc0: {  	_ =	swait.ge [sflag:s9], $0x5000  }
0xc1: {  	[sflag:s9] =	ssyncset.done $0x0  }
0xc2: {  	s18 =	simm.s32 $0x0;
	s19 =	rddreg [dreg:$0x11];
	[sflag:s9] =	ssyncadd.s32 $0xFFFFB000  }
0xc3: {  	v1 =	vadd.s32 s18, v0;
	[tilespmem:s18], [sflag:$0x9] =	stream.linear.gather [hbm4b:s19+s18], $0x280, $0x38;
	[tilespmem:$0x15400] =	vst v63  }
0xc4: {  	v1 =	vmul.u32 $0x1A, v1;
	_ =	swait.ge [sflag:s28], $0x280  }
0xc5: {  	[sflag:s28] =	ssyncset.done $0x0  }
0xc6: {  	v1 =	vadd.s32 $0x8, v1;
	s18 =	simm.s32 $0xA00;
	[sflag:s28] =	ssyncadd.s32 $0xFFFFFD80  }
0xc7: {  	s19 =	simm.s32 $0x10;
	[tilespmem:s18+$0x0] =	vst v1  }
.LBB2_18:
0xc8: {  	p0 =	sne.s32 s19, $0x270  }
.Ltmp8:
0xc9: {  	v1 =	vadd.s32 s19, v0;
	s19 =	sadd.s32 $0x10, s19;
	(pc) =	sbr.rel @p0 .LBB2_18-.Ltmp8, $3  }
0xca: {  	v1 =	vmul.u32 $0x1A, v1;
	_ =	sdelay $0x1  }
0xcb: {  	s18 =	sadd.s32 $0x10, s18;
	v1 =	vadd.s32 $0x8, v1  }
0xcc: {  	[tilespmem:s18+$0x0] =	vst v1  }
0xcd: {  	s18 =	simm.s32 $0x0;
	s19 =	rddreg [dreg:$0x1a]  }
0xce: {  	[tilespmem:s30], [sflag:$0x1] =	stream.indirect.gather [hbm4b:s19+s29], $0x20, s18, s29, $0xb8;
	[tilespmem:$0x15400] =	vst v63  }
0xcf: {  	_ =	swait.ge [sflag:s10], $0x5000  }
0xd0: {  	[sflag:s10] =	ssyncset.done $0x0  }
0xd1: {  	[sflag:s10] =	ssyncadd.s32 $0xFFFFB000  }
0xd2: {  	[hbm4b:s2+s29] =	stream.indirect.scatter [tilespmem:s0], [sflag:$0x7], $0x20, s11, s29, $0xb8;
	[tilespmem:$0x15400] =	vst v63  }
0xd3: {  	_ =	swait.ge [sflag:s12], $0x5000  }
0xd4: {  	[sflag:s12] =	ssyncset.done $0x0  }
0xd5: {  	s19 =	rddreg [dreg:$0x12];
	[sflag:s12] =	ssyncadd.s32 $0xFFFFB000  }
0xd6: {  	v1 =	vadd.s32 s18, v0;
	[tilespmem:s29], [sflag:$0x9] =	stream.linear.gather [hbm4b:s19+s18], $0x280, $0x38;
	[tilespmem:$0x15400] =	vst v63  }
0xd7: {  	v1 =	vmul.u32 $0x1A, v1;
	_ =	swait.ge [sflag:s28], $0x280  }
0xd8: {  	[sflag:s28] =	ssyncset.done $0x0  }
0xd9: {  	v1 =	vadd.s32 $0x9, v1;
	s18 =	simm.s32 $0xC80;
	[sflag:s28] =	ssyncadd.s32 $0xFFFFFD80  }
0xda: {  	s19 =	simm.s32 $0x10;
	[tilespmem:s18+$0x0] =	vst v1  }
.LBB2_20:
0xdb: {  	p0 =	sne.s32 s19, $0x270  }
.Ltmp9:
0xdc: {  	v1 =	vadd.s32 s19, v0;
	s19 =	sadd.s32 $0x10, s19;
	(pc) =	sbr.rel @p0 .LBB2_20-.Ltmp9, $3  }
0xdd: {  	v1 =	vmul.u32 $0x1A, v1;
	_ =	sdelay $0x1  }
0xde: {  	s18 =	sadd.s32 $0x10, s18;
	v1 =	vadd.s32 $0x9, v1  }
0xdf: {  	[tilespmem:s18+$0x0] =	vst v1  }
0xe0: {  	s18 =	rddreg [dreg:$0x1c]  }
0xe1: {  	[tilespmem:s31], [sflag:$0x2] =	stream.indirect.gather [hbm4b:s18+s29], $0x20, s29, s29, $0xb8;
	[tilespmem:$0x15400] =	vst v63  }
0xe2: {  	_ =	swait.ge [sflag:s13], $0x5000  }
0xe3: {  	[sflag:s13] =	ssyncset.done $0x0  }
0xe4: {  	[sflag:s13] =	ssyncadd.s32 $0xFFFFB000  }
0xe5: {  	[hbm4b:s2+s29] =	stream.indirect.scatter [tilespmem:s6], [sflag:$0x8], $0x20, s14, s29, $0xb8;
	[tilespmem:$0x15400] =	vst v63  }
0xe6: {  	_ =	swait.ge [sflag:s15], $0x5000  }
0xe7: {  	[sflag:s15] =	ssyncset.done $0x0  }
0xe8: {  	s18 =	simm.s32 $0x0;
	s19 =	rddreg [dreg:$0x13];
	[sflag:s15] =	ssyncadd.s32 $0xFFFFB000  }
0xe9: {  	v1 =	vadd.s32 s18, v0;
	[tilespmem:s1], [sflag:$0x9] =	stream.linear.gather [hbm4b:s19+s18], $0x280, $0x38;
	[tilespmem:$0x15400] =	vst v63  }
0xea: {  	v1 =	vmul.u32 $0x1A, v1;
	_ =	swait.ge [sflag:s28], $0x280  }
0xeb: {  	[sflag:s28] =	ssyncset.done $0x0  }
0xec: {  	v1 =	vadd.s32 $0xA, v1;
	s18 =	simm.s32 $0xF00;
	[sflag:s28] =	ssyncadd.s32 $0xFFFFFD80  }
0xed: {  	s19 =	simm.s32 $0x10;
	[tilespmem:s18+$0x0] =	vst v1  }
.LBB2_22:
0xee: {  	p0 =	sne.s32 s19, $0x270  }
.Ltmp10:
0xef: {  	v1 =	vadd.s32 s19, v0;
	s19 =	sadd.s32 $0x10, s19;
	(pc) =	sbr.rel @p0 .LBB2_22-.Ltmp10, $3  }
0xf0: {  	v1 =	vmul.u32 $0x1A, v1;
	_ =	sdelay $0x1  }
0xf1: {  	s18 =	sadd.s32 $0x10, s18;
	v1 =	vadd.s32 $0xA, v1  }
0xf2: {  	[tilespmem:s18+$0x0] =	vst v1  }
0xf3: {  	s18 =	rddreg [dreg:$0x1e]  }
0xf4: {  	[tilespmem:s0], [sflag:$0x3] =	stream.indirect.gather [hbm4b:s18+s29], $0x20, s1, s29, $0xb8;
	[tilespmem:$0x15400] =	vst v63  }
0xf5: {  	_ =	swait.ge [sflag:s3], $0x5000  }
0xf6: {  	[sflag:s3] =	ssyncset.done $0x0  }
0xf7: {  	[sflag:s3] =	ssyncadd.s32 $0xFFFFB000  }
0xf8: {  	[hbm4b:s2+s29] =	stream.indirect.scatter [tilespmem:s30], [sflag:$0x5], $0x20, s4, s29, $0xb8;
	[tilespmem:$0x15400] =	vst v63  }
0xf9: {  	_ =	swait.ge [sflag:s16], $0x5000  }
0xfa: {  	[sflag:s16] =	ssyncset.done $0x0  }
0xfb: {  	s18 =	simm.s32 $0x0;
	s19 =	rddreg [dreg:$0x14];
	[sflag:s16] =	ssyncadd.s32 $0xFFFFB000  }
0xfc: {  	v1 =	vadd.s32 s18, v0;
	[tilespmem:s5], [sflag:$0x9] =	stream.linear.gather [hbm4b:s19+s18], $0x280, $0x38;
	[tilespmem:$0x15400] =	vst v63  }
0xfd: {  	v1 =	vmul.u32 $0x1A, v1;
	_ =	swait.ge [sflag:s28], $0x280  }
0xfe: {  	[sflag:s28] =	ssyncset.done $0x0  }
0xff: {  	v1 =	vadd.s32 $0xB, v1;
	s18 =	simm.s32 $0x1180;
	[sflag:s28] =	ssyncadd.s32 $0xFFFFFD80  }
0x100: {  	s19 =	simm.s32 $0x10;
	[tilespmem:s18+$0x0] =	vst v1  }
.LBB2_24:
0x101: {  	p0 =	sne.s32 s19, $0x270  }
.Ltmp11:
0x102: {  	v1 =	vadd.s32 s19, v0;
	s19 =	sadd.s32 $0x10, s19;
	(pc) =	sbr.rel @p0 .LBB2_24-.Ltmp11, $3  }
0x103: {  	v1 =	vmul.u32 $0x1A, v1;
	_ =	sdelay $0x1  }
0x104: {  	s18 =	sadd.s32 $0x10, s18;
	v1 =	vadd.s32 $0xB, v1  }
0x105: {  	[tilespmem:s18+$0x0] =	vst v1  }
0x106: {  	s18 =	sld [smem:$0x7ED];
	_ =	sdelay $0x2  }
0x107: {  	[tilespmem:s6], [sflag:$0x4] =	stream.indirect.gather [hbm4b:s18+s29], $0x20, s5, s29, $0xb8;
	[tilespmem:$0x15400] =	vst v63  }
0x108: {  	_ =	swait.ge [sflag:s7], $0x5000  }
0x109: {  	[sflag:s7] =	ssyncset.done $0x0  }
0x10a: {  	[sflag:s7] =	ssyncadd.s32 $0xFFFFB000  }
0x10b: {  	[hbm4b:s2+s29] =	stream.indirect.scatter [tilespmem:s31], [sflag:$0x6], $0x20, s8, s29, $0xb8;
	[tilespmem:$0x15400] =	vst v63  }
0x10c: {  	_ =	swait.ge [sflag:s9], $0x5000  }
0x10d: {  	[sflag:s9] =	ssyncset.done $0x0  }
0x10e: {  	s18 =	simm.s32 $0x0;
	s19 =	rddreg [dreg:$0x15];
	[sflag:s9] =	ssyncadd.s32 $0xFFFFB000  }
0x10f: {  	v1 =	vadd.s32 s18, v0;
	[tilespmem:s18], [sflag:$0x9] =	stream.linear.gather [hbm4b:s19+s18], $0x280, $0x38;
	[tilespmem:$0x15400] =	vst v63  }
0x110: {  	v1 =	vmul.u32 $0x1A, v1;
	_ =	swait.ge [sflag:s28], $0x280  }
0x111: {  	[sflag:s28] =	ssyncset.done $0x0  }
0x112: {  	v1 =	vadd.s32 $0xC, v1;
	s18 =	simm.s32 $0xA00;
	[sflag:s28] =	ssyncadd.s32 $0xFFFFFD80  }
0x113: {  	s19 =	simm.s32 $0x10;
	[tilespmem:s18+$0x0] =	vst v1  }
.LBB2_26:
0x114: {  	p0 =	sne.s32 s19, $0x270  }
.Ltmp12:
0x115: {  	v1 =	vadd.s32 s19, v0;
	s19 =	sadd.s32 $0x10, s19;
	(pc) =	sbr.rel @p0 .LBB2_26-.Ltmp12, $3  }
0x116: {  	v1 =	vmul.u32 $0x1A, v1;
	_ =	sdelay $0x1  }
0x117: {  	s18 =	sadd.s32 $0x10, s18;
	v1 =	vadd.s32 $0xC, v1  }
0x118: {  	[tilespmem:s18+$0x0] =	vst v1  }
0x119: {  	s19 =	sld [smem:$0x7EF];
	_ =	sdelay $0x1  }
0x11a: {  	s18 =	simm.s32 $0x0  }
0x11b: {  	[tilespmem:s30], [sflag:$0x1] =	stream.indirect.gather [hbm4b:s19+s29], $0x20, s18, s29, $0xb8;
	[tilespmem:$0x15400] =	vst v63  }
0x11c: {  	_ =	swait.ge [sflag:s10], $0x5000  }
0x11d: {  	[sflag:s10] =	ssyncset.done $0x0  }
0x11e: {  	[sflag:s10] =	ssyncadd.s32 $0xFFFFB000  }
0x11f: {  	[hbm4b:s2+s29] =	stream.indirect.scatter [tilespmem:s0], [sflag:$0x7], $0x20, s11, s29, $0xb8;
	[tilespmem:$0x15400] =	vst v63  }
0x120: {  	_ =	swait.ge [sflag:s12], $0x5000  }
0x121: {  	[sflag:s12] =	ssyncset.done $0x0  }
0x122: {  	s19 =	rddreg [dreg:$0x17];
	[sflag:s12] =	ssyncadd.s32 $0xFFFFB000  }
0x123: {  	v1 =	vadd.s32 s18, v0;
	[tilespmem:s29], [sflag:$0x9] =	stream.linear.gather [hbm4b:s19+s18], $0x280, $0x38;
	[tilespmem:$0x15400] =	vst v63  }
0x124: {  	v1 =	vmul.u32 $0x1A, v1;
	_ =	swait.ge [sflag:s28], $0x280  }
0x125: {  	[sflag:s28] =	ssyncset.done $0x0  }
0x126: {  	v1 =	vadd.s32 $0xD, v1;
	s18 =	simm.s32 $0xC80;
	[sflag:s28] =	ssyncadd.s32 $0xFFFFFD80  }
0x127: {  	s19 =	simm.s32 $0x10;
	[tilespmem:s18+$0x0] =	vst v1  }
.LBB2_28:
0x128: {  	p0 =	sne.s32 s19, $0x270  }
.Ltmp13:
0x129: {  	v1 =	vadd.s32 s19, v0;
	s19 =	sadd.s32 $0x10, s19;
	(pc) =	sbr.rel @p0 .LBB2_28-.Ltmp13, $3  }
0x12a: {  	v1 =	vmul.u32 $0x1A, v1;
	_ =	sdelay $0x1  }
0x12b: {  	s18 =	sadd.s32 $0x10, s18;
	v1 =	vadd.s32 $0xD, v1  }
0x12c: {  	[tilespmem:s18+$0x0] =	vst v1  }
0x12d: {  	s18 =	sld [smem:$0x7F1];
	_ =	sdelay $0x2  }
0x12e: {  	[tilespmem:s31], [sflag:$0x2] =	stream.indirect.gather [hbm4b:s18+s29], $0x20, s29, s29, $0xb8;
	[tilespmem:$0x15400] =	vst v63  }
0x12f: {  	_ =	swait.ge [sflag:s13], $0x5000  }
0x130: {  	[sflag:s13] =	ssyncset.done $0x0  }
0x131: {  	[sflag:s13] =	ssyncadd.s32 $0xFFFFB000  }
0x132: {  	[hbm4b:s2+s29] =	stream.indirect.scatter [tilespmem:s6], [sflag:$0x8], $0x20, s14, s29, $0xb8;
	[tilespmem:$0x15400] =	vst v63  }
0x133: {  	_ =	swait.ge [sflag:s15], $0x5000  }
0x134: {  	[sflag:s15] =	ssyncset.done $0x0  }
0x135: {  	s18 =	simm.s32 $0x0;
	s19 =	rddreg [dreg:$0x19];
	[sflag:s15] =	ssyncadd.s32 $0xFFFFB000  }
0x136: {  	v1 =	vadd.s32 s18, v0;
	[tilespmem:s1], [sflag:$0x9] =	stream.linear.gather [hbm4b:s19+s18], $0x280, $0x38;
	[tilespmem:$0x15400] =	vst v63  }
0x137: {  	v1 =	vmul.u32 $0x1A, v1;
	_ =	swait.ge [sflag:s28], $0x280  }
0x138: {  	[sflag:s28] =	ssyncset.done $0x0  }
0x139: {  	v1 =	vadd.s32 $0xE, v1;
	s18 =	simm.s32 $0xF00;
	[sflag:s28] =	ssyncadd.s32 $0xFFFFFD80  }
0x13a: {  	s19 =	simm.s32 $0x10;
	[tilespmem:s18+$0x0] =	vst v1  }
.LBB2_30:
0x13b: {  	p0 =	sne.s32 s19, $0x270  }
.Ltmp14:
0x13c: {  	v1 =	vadd.s32 s19, v0;
	s19 =	sadd.s32 $0x10, s19;
	(pc) =	sbr.rel @p0 .LBB2_30-.Ltmp14, $3  }
0x13d: {  	v1 =	vmul.u32 $0x1A, v1;
	_ =	sdelay $0x1  }
0x13e: {  	s18 =	sadd.s32 $0x10, s18;
	v1 =	vadd.s32 $0xE, v1  }
0x13f: {  	[tilespmem:s18+$0x0] =	vst v1  }
0x140: {  	s18 =	sld [smem:$0x7F3];
	_ =	sdelay $0x2  }
0x141: {  	[tilespmem:s0], [sflag:$0x3] =	stream.indirect.gather [hbm4b:s18+s29], $0x20, s1, s29, $0xb8;
	[tilespmem:$0x15400] =	vst v63  }
0x142: {  	_ =	swait.ge [sflag:s3], $0x5000  }
0x143: {  	[sflag:s3] =	ssyncset.done $0x0  }
0x144: {  	[sflag:s3] =	ssyncadd.s32 $0xFFFFB000  }
0x145: {  	[hbm4b:s2+s29] =	stream.indirect.scatter [tilespmem:s30], [sflag:$0x5], $0x20, s4, s29, $0xb8;
	[tilespmem:$0x15400] =	vst v63  }
0x146: {  	_ =	swait.ge [sflag:s16], $0x5000  }
0x147: {  	[sflag:s16] =	ssyncset.done $0x0  }
0x148: {  	s18 =	simm.s32 $0x0;
	s19 =	rddreg [dreg:$0x1b];
	[sflag:s16] =	ssyncadd.s32 $0xFFFFB000  }
0x149: {  	v1 =	vadd.s32 s18, v0;
	[tilespmem:s5], [sflag:$0x9] =	stream.linear.gather [hbm4b:s19+s18], $0x280, $0x38;
	[tilespmem:$0x15400] =	vst v63  }
0x14a: {  	v1 =	vmul.u32 $0x1A, v1;
	_ =	swait.ge [sflag:s28], $0x280  }
0x14b: {  	[sflag:s28] =	ssyncset.done $0x0  }
0x14c: {  	v1 =	vadd.s32 $0xF, v1;
	s18 =	simm.s32 $0x1180;
	[sflag:s28] =	ssyncadd.s32 $0xFFFFFD80  }
0x14d: {  	s19 =	simm.s32 $0x10;
	[tilespmem:s18+$0x0] =	vst v1  }
.LBB2_32:
0x14e: {  	p0 =	sne.s32 s19, $0x270  }
.Ltmp15:
0x14f: {  	v1 =	vadd.s32 s19, v0;
	s19 =	sadd.s32 $0x10, s19;
	(pc) =	sbr.rel @p0 .LBB2_32-.Ltmp15, $3  }
0x150: {  	v1 =	vmul.u32 $0x1A, v1;
	_ =	sdelay $0x1  }
0x151: {  	s18 =	sadd.s32 $0x10, s18;
	v1 =	vadd.s32 $0xF, v1  }
0x152: {  	[tilespmem:s18+$0x0] =	vst v1  }
0x153: {  	s18 =	sld [smem:$0x7F5];
	_ =	sdelay $0x2  }
0x154: {  	[tilespmem:s6], [sflag:$0x4] =	stream.indirect.gather [hbm4b:s18+s29], $0x20, s5, s29, $0xb8;
	[tilespmem:$0x15400] =	vst v63  }
0x155: {  	_ =	swait.ge [sflag:s7], $0x5000  }
0x156: {  	[sflag:s7] =	ssyncset.done $0x0  }
0x157: {  	[sflag:s7] =	ssyncadd.s32 $0xFFFFB000  }
0x158: {  	[hbm4b:s2+s29] =	stream.indirect.scatter [tilespmem:s31], [sflag:$0x6], $0x20, s8, s29, $0xb8;
	[tilespmem:$0x15400] =	vst v63  }
0x159: {  	_ =	swait.ge [sflag:s9], $0x5000  }
0x15a: {  	[sflag:s9] =	ssyncset.done $0x0  }
0x15b: {  	s18 =	simm.s32 $0x0;
	s19 =	rddreg [dreg:$0x1d];
	[sflag:s9] =	ssyncadd.s32 $0xFFFFB000  }
0x15c: {  	v1 =	vadd.s32 s18, v0;
	[tilespmem:s18], [sflag:$0x9] =	stream.linear.gather [hbm4b:s19+s18], $0x280, $0x38;
	[tilespmem:$0x15400] =	vst v63  }
0x15d: {  	v1 =	vmul.u32 $0x1A, v1;
	_ =	swait.ge [sflag:s28], $0x280  }
0x15e: {  	[sflag:s28] =	ssyncset.done $0x0  }
0x15f: {  	v1 =	vadd.s32 $0x10, v1;
	s18 =	simm.s32 $0xA00;
	[sflag:s28] =	ssyncadd.s32 $0xFFFFFD80  }
0x160: {  	s19 =	simm.s32 $0x10;
	[tilespmem:s18+$0x0] =	vst v1  }
.LBB2_34:
0x161: {  	p0 =	sne.s32 s19, $0x270  }
.Ltmp16:
0x162: {  	v1 =	vadd.s32 s19, v0;
	s19 =	sadd.s32 $0x10, s19;
	(pc) =	sbr.rel @p0 .LBB2_34-.Ltmp16, $3  }
0x163: {  	v1 =	vmul.u32 $0x1A, v1;
	_ =	sdelay $0x1  }
0x164: {  	s18 =	sadd.s32 $0x10, s18;
	v1 =	vadd.s32 $0x10, v1  }
0x165: {  	[tilespmem:s18+$0x0] =	vst v1  }
0x166: {  	s19 =	sld [smem:$0x7F7];
	_ =	sdelay $0x1  }
0x167: {  	s18 =	simm.s32 $0x0  }
0x168: {  	[tilespmem:s30], [sflag:$0x1] =	stream.indirect.gather [hbm4b:s19+s29], $0x20, s18, s29, $0xb8;
	[tilespmem:$0x15400] =	vst v63  }
0x169: {  	_ =	swait.ge [sflag:s10], $0x5000  }
0x16a: {  	[sflag:s10] =	ssyncset.done $0x0  }
0x16b: {  	[sflag:s10] =	ssyncadd.s32 $0xFFFFB000  }
0x16c: {  	[hbm4b:s2+s29] =	stream.indirect.scatter [tilespmem:s0], [sflag:$0x7], $0x20, s11, s29, $0xb8;
	[tilespmem:$0x15400] =	vst v63  }
0x16d: {  	_ =	swait.ge [sflag:s12], $0x5000  }
0x16e: {  	[sflag:s12] =	ssyncset.done $0x0  }
0x16f: {  	s19 =	rddreg [dreg:$0x1f];
	[sflag:s12] =	ssyncadd.s32 $0xFFFFB000  }
0x170: {  	v1 =	vadd.s32 s18, v0;
	[tilespmem:s29], [sflag:$0x9] =	stream.linear.gather [hbm4b:s19+s18], $0x280, $0x38;
	[tilespmem:$0x15400] =	vst v63  }
0x171: {  	v1 =	vmul.u32 $0x1A, v1;
	_ =	swait.ge [sflag:s28], $0x280  }
0x172: {  	[sflag:s28] =	ssyncset.done $0x0  }
0x173: {  	v1 =	vadd.s32 $0x11, v1;
	s18 =	simm.s32 $0xC80;
	[sflag:s28] =	ssyncadd.s32 $0xFFFFFD80  }
0x174: {  	s19 =	simm.s32 $0x10;
	[tilespmem:s18+$0x0] =	vst v1  }
.LBB2_36:
0x175: {  	p0 =	sne.s32 s19, $0x270  }
.Ltmp17:
0x176: {  	v1 =	vadd.s32 s19, v0;
	s19 =	sadd.s32 $0x10, s19;
	(pc) =	sbr.rel @p0 .LBB2_36-.Ltmp17, $3  }
0x177: {  	v1 =	vmul.u32 $0x1A, v1;
	_ =	sdelay $0x1  }
0x178: {  	s18 =	sadd.s32 $0x10, s18;
	v1 =	vadd.s32 $0x11, v1  }
0x179: {  	[tilespmem:s18+$0x0] =	vst v1  }
0x17a: {  	s18 =	sld [smem:$0x7F9];
	_ =	sdelay $0x2  }
0x17b: {  	[tilespmem:s31], [sflag:$0x2] =	stream.indirect.gather [hbm4b:s18+s29], $0x20, s29, s29, $0xb8;
	[tilespmem:$0x15400] =	vst v63  }
0x17c: {  	_ =	swait.ge [sflag:s13], $0x5000  }
0x17d: {  	[sflag:s13] =	ssyncset.done $0x0  }
0x17e: {  	[sflag:s13] =	ssyncadd.s32 $0xFFFFB000  }
0x17f: {  	[hbm4b:s2+s29] =	stream.indirect.scatter [tilespmem:s6], [sflag:$0x8], $0x20, s14, s29, $0xb8;
	[tilespmem:$0x15400] =	vst v63  }
0x180: {  	_ =	swait.ge [sflag:s15], $0x5000  }
0x181: {  	s19 =	sld [smem:$0x7EE]  }
0x182: {  	[sflag:s15] =	ssyncset.done $0x0  }
0x183: {  	s18 =	simm.s32 $0x0;
	[sflag:s15] =	ssyncadd.s32 $0xFFFFB000  }
0x184: {  	v1 =	vadd.s32 s18, v0;
	[tilespmem:s1], [sflag:$0x9] =	stream.linear.gather [hbm4b:s19+s18], $0x280, $0x38;
	[tilespmem:$0x15400] =	vst v63  }
0x185: {  	v1 =	vmul.u32 $0x1A, v1;
	_ =	swait.ge [sflag:s28], $0x280  }
0x186: {  	[sflag:s28] =	ssyncset.done $0x0  }
0x187: {  	v1 =	vadd.s32 $0x12, v1;
	s18 =	simm.s32 $0xF00;
	[sflag:s28] =	ssyncadd.s32 $0xFFFFFD80  }
0x188: {  	s19 =	simm.s32 $0x10;
	[tilespmem:s18+$0x0] =	vst v1  }
.LBB2_38:
0x189: {  	p0 =	sne.s32 s19, $0x270  }
.Ltmp18:
0x18a: {  	v1 =	vadd.s32 s19, v0;
	s19 =	sadd.s32 $0x10, s19;
	(pc) =	sbr.rel @p0 .LBB2_38-.Ltmp18, $3  }
0x18b: {  	v1 =	vmul.u32 $0x1A, v1;
	_ =	sdelay $0x1  }
0x18c: {  	s18 =	sadd.s32 $0x10, s18;
	v1 =	vadd.s32 $0x12, v1  }
0x18d: {  	[tilespmem:s18+$0x0] =	vst v1  }
0x18e: {  	s18 =	sld [smem:$0x7FB];
	_ =	sdelay $0x2  }
0x18f: {  	[tilespmem:s0], [sflag:$0x3] =	stream.indirect.gather [hbm4b:s18+s29], $0x20, s1, s29, $0xb8;
	[tilespmem:$0x15400] =	vst v63  }
0x190: {  	_ =	swait.ge [sflag:s3], $0x5000  }
0x191: {  	[sflag:s3] =	ssyncset.done $0x0  }
0x192: {  	[sflag:s3] =	ssyncadd.s32 $0xFFFFB000  }
0x193: {  	[hbm4b:s2+s29] =	stream.indirect.scatter [tilespmem:s30], [sflag:$0x5], $0x20, s4, s29, $0xb8;
	[tilespmem:$0x15400] =	vst v63  }
0x194: {  	_ =	swait.ge [sflag:s16], $0x5000  }
0x195: {  	s19 =	sld [smem:$0x7F0]  }
0x196: {  	[sflag:s16] =	ssyncset.done $0x0  }
0x197: {  	s18 =	simm.s32 $0x0;
	[sflag:s16] =	ssyncadd.s32 $0xFFFFB000  }
0x198: {  	v1 =	vadd.s32 s18, v0;
	[tilespmem:s5], [sflag:$0x9] =	stream.linear.gather [hbm4b:s19+s18], $0x280, $0x38;
	[tilespmem:$0x15400] =	vst v63  }
0x199: {  	v1 =	vmul.u32 $0x1A, v1;
	_ =	swait.ge [sflag:s28], $0x280  }
0x19a: {  	[sflag:s28] =	ssyncset.done $0x0  }
0x19b: {  	v1 =	vadd.s32 $0x13, v1;
	s18 =	simm.s32 $0x1180;
	[sflag:s28] =	ssyncadd.s32 $0xFFFFFD80  }
0x19c: {  	s19 =	simm.s32 $0x10;
	[tilespmem:s18+$0x0] =	vst v1  }
.LBB2_40:
0x19d: {  	p0 =	sne.s32 s19, $0x270  }
.Ltmp19:
0x19e: {  	v1 =	vadd.s32 s19, v0;
	s19 =	sadd.s32 $0x10, s19;
	(pc) =	sbr.rel @p0 .LBB2_40-.Ltmp19, $3  }
0x19f: {  	v1 =	vmul.u32 $0x1A, v1;
	_ =	sdelay $0x1  }
0x1a0: {  	s18 =	sadd.s32 $0x10, s18;
	v1 =	vadd.s32 $0x13, v1  }
0x1a1: {  	[tilespmem:s18+$0x0] =	vst v1  }
0x1a2: {  	s18 =	sld [smem:$0x7FC];
	_ =	sdelay $0x2  }
0x1a3: {  	[tilespmem:s6], [sflag:$0x4] =	stream.indirect.gather [hbm4b:s18+s29], $0x20, s5, s29, $0xb8;
	[tilespmem:$0x15400] =	vst v63  }
0x1a4: {  	_ =	swait.ge [sflag:s7], $0x5000  }
0x1a5: {  	[sflag:s7] =	ssyncset.done $0x0  }
0x1a6: {  	[sflag:s7] =	ssyncadd.s32 $0xFFFFB000  }
0x1a7: {  	[hbm4b:s2+s29] =	stream.indirect.scatter [tilespmem:s31], [sflag:$0x6], $0x20, s8, s29, $0xb8;
	[tilespmem:$0x15400] =	vst v63  }
0x1a8: {  	_ =	swait.ge [sflag:s9], $0x5000  }
0x1a9: {  	s19 =	sld [smem:$0x7F2]  }
0x1aa: {  	[sflag:s9] =	ssyncset.done $0x0  }
0x1ab: {  	s18 =	simm.s32 $0x0;
	[sflag:s9] =	ssyncadd.s32 $0xFFFFB000  }
0x1ac: {  	v1 =	vadd.s32 s18, v0;
	[tilespmem:s18], [sflag:$0x9] =	stream.linear.gather [hbm4b:s19+s18], $0x280, $0x38;
	[tilespmem:$0x15400] =	vst v63  }
0x1ad: {  	v1 =	vmul.u32 $0x1A, v1;
	_ =	swait.ge [sflag:s28], $0x280  }
0x1ae: {  	[sflag:s28] =	ssyncset.done $0x0  }
0x1af: {  	v1 =	vadd.s32 $0x14, v1;
	s18 =	simm.s32 $0xA00;
	[sflag:s28] =	ssyncadd.s32 $0xFFFFFD80  }
0x1b0: {  	s19 =	simm.s32 $0x10;
	[tilespmem:s18+$0x0] =	vst v1  }
.LBB2_42:
0x1b1: {  	p0 =	sne.s32 s19, $0x270  }
.Ltmp20:
0x1b2: {  	v1 =	vadd.s32 s19, v0;
	s19 =	sadd.s32 $0x10, s19;
	(pc) =	sbr.rel @p0 .LBB2_42-.Ltmp20, $3  }
0x1b3: {  	v1 =	vmul.u32 $0x1A, v1;
	_ =	sdelay $0x1  }
0x1b4: {  	s18 =	sadd.s32 $0x10, s18;
	v1 =	vadd.s32 $0x14, v1  }
0x1b5: {  	[tilespmem:s18+$0x0] =	vst v1  }
0x1b6: {  	s19 =	sld [smem:$0x7FD];
	_ =	sdelay $0x1  }
0x1b7: {  	s18 =	simm.s32 $0x0  }
0x1b8: {  	[tilespmem:s30], [sflag:$0x1] =	stream.indirect.gather [hbm4b:s19+s29], $0x20, s18, s29, $0xb8;
	[tilespmem:$0x15400] =	vst v63  }
0x1b9: {  	_ =	swait.ge [sflag:s10], $0x5000  }
0x1ba: {  	[sflag:s10] =	ssyncset.done $0x0  }
0x1bb: {  	[sflag:s10] =	ssyncadd.s32 $0xFFFFB000  }
0x1bc: {  	[hbm4b:s2+s29] =	stream.indirect.scatter [tilespmem:s0], [sflag:$0x7], $0x20, s11, s29, $0xb8;
	[tilespmem:$0x15400] =	vst v63  }
0x1bd: {  	_ =	swait.ge [sflag:s12], $0x5000  }
0x1be: {  	s19 =	sld [smem:$0x7F4]  }
0x1bf: {  	[sflag:s12] =	ssyncset.done $0x0  }
0x1c0: {  	[sflag:s12] =	ssyncadd.s32 $0xFFFFB000  }
0x1c1: {  	v1 =	vadd.s32 s18, v0;
	[tilespmem:s29], [sflag:$0x9] =	stream.linear.gather [hbm4b:s19+s18], $0x280, $0x38;
	[tilespmem:$0x15400] =	vst v63  }
0x1c2: {  	v1 =	vmul.u32 $0x1A, v1;
	_ =	swait.ge [sflag:s28], $0x280  }
0x1c3: {  	[sflag:s28] =	ssyncset.done $0x0  }
0x1c4: {  	v1 =	vadd.s32 $0x15, v1;
	s18 =	simm.s32 $0xC80;
	[sflag:s28] =	ssyncadd.s32 $0xFFFFFD80  }
0x1c5: {  	s19 =	simm.s32 $0x10;
	[tilespmem:s18+$0x0] =	vst v1  }
.LBB2_44:
0x1c6: {  	p0 =	sne.s32 s19, $0x270  }
.Ltmp21:
0x1c7: {  	v1 =	vadd.s32 s19, v0;
	s19 =	sadd.s32 $0x10, s19;
	(pc) =	sbr.rel @p0 .LBB2_44-.Ltmp21, $3  }
0x1c8: {  	v1 =	vmul.u32 $0x1A, v1;
	_ =	sdelay $0x1  }
0x1c9: {  	s18 =	sadd.s32 $0x10, s18;
	v1 =	vadd.s32 $0x15, v1  }
0x1ca: {  	[tilespmem:s18+$0x0] =	vst v1  }
0x1cb: {  	[tilespmem:s31], [sflag:$0x2] =	stream.indirect.gather [hbm4b:s20+s29], $0x20, s29, s29, $0xb8;
	[tilespmem:$0x15400] =	vst v63  }
0x1cc: {  	_ =	swait.ge [sflag:s13], $0x5000  }
0x1cd: {  	[sflag:s13] =	ssyncset.done $0x0  }
0x1ce: {  	[sflag:s13] =	ssyncadd.s32 $0xFFFFB000  }
0x1cf: {  	[hbm4b:s2+s29] =	stream.indirect.scatter [tilespmem:s6], [sflag:$0x8], $0x20, s14, s29, $0xb8;
	[tilespmem:$0x15400] =	vst v63  }
0x1d0: {  	_ =	swait.ge [sflag:s15], $0x5000  }
0x1d1: {  	s19 =	sld [smem:$0x7F6]  }
0x1d2: {  	[sflag:s15] =	ssyncset.done $0x0  }
0x1d3: {  	s18 =	simm.s32 $0x0;
	[sflag:s15] =	ssyncadd.s32 $0xFFFFB000  }
0x1d4: {  	v1 =	vadd.s32 s18, v0;
	[tilespmem:s1], [sflag:$0x9] =	stream.linear.gather [hbm4b:s19+s18], $0x280, $0x38;
	[tilespmem:$0x15400] =	vst v63  }
0x1d5: {  	v1 =	vmul.u32 $0x1A, v1;
	_ =	swait.ge [sflag:s28], $0x280  }
0x1d6: {  	[sflag:s28] =	ssyncset.done $0x0  }
0x1d7: {  	v1 =	vadd.s32 $0x16, v1;
	s18 =	simm.s32 $0xF00;
	[sflag:s28] =	ssyncadd.s32 $0xFFFFFD80  }
0x1d8: {  	s19 =	simm.s32 $0x10;
	[tilespmem:s18+$0x0] =	vst v1  }
.LBB2_46:
0x1d9: {  	p0 =	sne.s32 s19, $0x270  }
.Ltmp22:
0x1da: {  	v1 =	vadd.s32 s19, v0;
	s19 =	sadd.s32 $0x10, s19;
	(pc) =	sbr.rel @p0 .LBB2_46-.Ltmp22, $3  }
0x1db: {  	v1 =	vmul.u32 $0x1A, v1;
	_ =	sdelay $0x1  }
0x1dc: {  	s18 =	sadd.s32 $0x10, s18;
	v1 =	vadd.s32 $0x16, v1  }
0x1dd: {  	[tilespmem:s18+$0x0] =	vst v1  }
0x1de: {  	[tilespmem:s0], [sflag:$0x3] =	stream.indirect.gather [hbm4b:s22+s29], $0x20, s1, s29, $0xb8;
	[tilespmem:$0x15400] =	vst v63  }
0x1df: {  	_ =	swait.ge [sflag:s3], $0x5000  }
0x1e0: {  	[sflag:s3] =	ssyncset.done $0x0  }
0x1e1: {  	[sflag:s3] =	ssyncadd.s32 $0xFFFFB000  }
0x1e2: {  	[hbm4b:s2+s29] =	stream.indirect.scatter [tilespmem:s30], [sflag:$0x5], $0x20, s4, s29, $0xb8;
	[tilespmem:$0x15400] =	vst v63  }
0x1e3: {  	_ =	swait.ge [sflag:s16], $0x5000  }
0x1e4: {  	s19 =	sld [smem:$0x7F8]  }
0x1e5: {  	[sflag:s16] =	ssyncset.done $0x0  }
0x1e6: {  	s18 =	simm.s32 $0x0;
	[sflag:s16] =	ssyncadd.s32 $0xFFFFB000  }
0x1e7: {  	v1 =	vadd.s32 s18, v0;
	[tilespmem:s5], [sflag:$0x9] =	stream.linear.gather [hbm4b:s19+s18], $0x280, $0x38;
	[tilespmem:$0x15400] =	vst v63  }
0x1e8: {  	v1 =	vmul.u32 $0x1A, v1;
	_ =	swait.ge [sflag:s28], $0x280  }
0x1e9: {  	[sflag:s28] =	ssyncset.done $0x0  }
0x1ea: {  	v1 =	vadd.s32 $0x17, v1;
	s18 =	simm.s32 $0x1180;
	[sflag:s28] =	ssyncadd.s32 $0xFFFFFD80  }
0x1eb: {  	s19 =	simm.s32 $0x10;
	[tilespmem:s18+$0x0] =	vst v1  }
.LBB2_48:
0x1ec: {  	p0 =	sne.s32 s19, $0x270  }
.Ltmp23:
0x1ed: {  	v1 =	vadd.s32 s19, v0;
	s19 =	sadd.s32 $0x10, s19;
	(pc) =	sbr.rel @p0 .LBB2_48-.Ltmp23, $3  }
0x1ee: {  	v1 =	vmul.u32 $0x1A, v1;
	_ =	sdelay $0x1  }
0x1ef: {  	s18 =	sadd.s32 $0x10, s18;
	v1 =	vadd.s32 $0x17, v1  }
0x1f0: {  	[tilespmem:s18+$0x0] =	vst v1  }
0x1f1: {  	[tilespmem:s6], [sflag:$0x4] =	stream.indirect.gather [hbm4b:s23+s29], $0x20, s5, s29, $0xb8;
	[tilespmem:$0x15400] =	vst v63  }
0x1f2: {  	_ =	swait.ge [sflag:s7], $0x5000  }
0x1f3: {  	[sflag:s7] =	ssyncset.done $0x0  }
0x1f4: {  	[sflag:s7] =	ssyncadd.s32 $0xFFFFB000  }
0x1f5: {  	[hbm4b:s2+s29] =	stream.indirect.scatter [tilespmem:s31], [sflag:$0x6], $0x20, s8, s29, $0xb8;
	[tilespmem:$0x15400] =	vst v63  }
0x1f6: {  	_ =	swait.ge [sflag:s9], $0x5000  }
0x1f7: {  	s19 =	sld [smem:$0x7FA]  }
0x1f8: {  	[sflag:s9] =	ssyncset.done $0x0  }
0x1f9: {  	s18 =	simm.s32 $0x0;
	[sflag:s9] =	ssyncadd.s32 $0xFFFFB000  }
0x1fa: {  	v1 =	vadd.s32 s18, v0;
	[tilespmem:s18], [sflag:$0x9] =	stream.linear.gather [hbm4b:s19+s18], $0x280, $0x38;
	[tilespmem:$0x15400] =	vst v63  }
0x1fb: {  	v1 =	vmul.u32 $0x1A, v1;
	_ =	swait.ge [sflag:s28], $0x280  }
0x1fc: {  	[sflag:s28] =	ssyncset.done $0x0  }
0x1fd: {  	v1 =	vadd.s32 $0x18, v1;
	s18 =	simm.s32 $0xA00;
	[sflag:s28] =	ssyncadd.s32 $0xFFFFFD80  }
0x1fe: {  	s19 =	simm.s32 $0x10;
	[tilespmem:s18+$0x0] =	vst v1  }
.LBB2_50:
0x1ff: {  	p0 =	sne.s32 s19, $0x270  }
.Ltmp24:
0x200: {  	v1 =	vadd.s32 s19, v0;
	s19 =	sadd.s32 $0x10, s19;
	(pc) =	sbr.rel @p0 .LBB2_50-.Ltmp24, $3  }
0x201: {  	v1 =	vmul.u32 $0x1A, v1;
	_ =	sdelay $0x1  }
0x202: {  	s18 =	sadd.s32 $0x10, s18;
	v1 =	vadd.s32 $0x18, v1  }
0x203: {  	[tilespmem:s18+$0x0] =	vst v1  }
0x204: {  	s18 =	simm.s32 $0x0  }
0x205: {  	[tilespmem:s30], [sflag:$0x1] =	stream.indirect.gather [hbm4b:s24+s29], $0x20, s18, s29, $0xb8;
	[tilespmem:$0x15400] =	vst v63  }
0x206: {  	_ =	swait.ge [sflag:s10], $0x5000  }
0x207: {  	[sflag:s10] =	ssyncset.done $0x0  }
0x208: {  	[sflag:s10] =	ssyncadd.s32 $0xFFFFB000  }
0x209: {  	[hbm4b:s2+s29] =	stream.indirect.scatter [tilespmem:s0], [sflag:$0x7], $0x20, s11, s29, $0xb8;
	[tilespmem:$0x15400] =	vst v63  }
0x20a: {  	_ =	swait.ge [sflag:s12], $0x5000  }
0x20b: {  	[sflag:s12] =	ssyncset.done $0x0  }
0x20c: {  	[sflag:s12] =	ssyncadd.s32 $0xFFFFB000  }
0x20d: {  	v1 =	vadd.s32 s18, v0;
	[tilespmem:s29], [sflag:$0x9] =	stream.linear.gather [hbm4b:s21+s18], $0x280, $0x38;
	[tilespmem:$0x15400] =	vst v63  }
0x20e: {  	v1 =	vmul.u32 $0x1A, v1;
	_ =	swait.ge [sflag:s28], $0x280  }
0x20f: {  	[sflag:s28] =	ssyncset.done $0x0  }
0x210: {  	v1 =	vadd.s32 $0x19, v1;
	s18 =	simm.s32 $0xC80;
	[sflag:s28] =	ssyncadd.s32 $0xFFFFFD80  }
0x211: {  	s19 =	simm.s32 $0x10;
	[tilespmem:s18+$0x0] =	vst v1  }
.LBB2_52:
0x212: {  	p0 =	sne.s32 s19, $0x270  }
.Ltmp25:
0x213: {  	v1 =	vadd.s32 s19, v0;
	s19 =	sadd.s32 $0x10, s19;
	(pc) =	sbr.rel @p0 .LBB2_52-.Ltmp25, $3  }
0x214: {  	v1 =	vmul.u32 $0x1A, v1;
	_ =	sdelay $0x1  }
0x215: {  	s18 =	sadd.s32 $0x10, s18;
	v1 =	vadd.s32 $0x19, v1  }
0x216: {  	[tilespmem:s18+$0x0] =	vst v1  }
0x217: {  	[tilespmem:s31], [sflag:$0x2] =	stream.indirect.gather [hbm4b:s25+s29], $0x20, s29, s29, $0xb8;
	[tilespmem:$0x15400] =	vst v63  }
0x218: {  	_ =	swait.ge [sflag:s13], $0x5000  }
0x219: {  	[sflag:s13] =	ssyncset.done $0x0  }
0x21a: {  	[sflag:s13] =	ssyncadd.s32 $0xFFFFB000  }
0x21b: {  	[hbm4b:s2+s29] =	stream.indirect.scatter [tilespmem:s6], [sflag:$0x8], $0x20, s14, s29, $0xb8;
	[tilespmem:$0x15400] =	vst v63  }
0x21c: {  	_ =	swait.ge [sflag:s3], $0x5000  }
0x21d: {  	[sflag:s3] =	ssyncset.done $0x0  }
0x21e: {  	[sflag:s3] =	ssyncadd.s32 $0xFFFFB000  }
0x21f: {  	[hbm4b:s2+s29] =	stream.indirect.scatter [tilespmem:s30], [sflag:$0x5], $0x20, s4, s29, $0xb8;
	[tilespmem:$0x15400] =	vst v63  }
0x220: {  	_ =	swait.ge [sflag:s7], $0x5000  }
0x221: {  	[sflag:s7] =	ssyncset.done $0x0  }
0x222: {  	[sflag:s7] =	ssyncadd.s32 $0xFFFFB000  }
0x223: {  	[hbm4b:s2+s29] =	stream.indirect.scatter [tilespmem:s31], [sflag:$0x6], $0x20, s8, s29, $0xb8;
	[tilespmem:$0x15400] =	vst v63  }
0x224: {  	_ =	swait.ge [sflag:s15], $0x5000  }
0x225: {  	[sflag:s15] =	ssyncset.done $0x0  }
0x226: {  	[sflag:s15] =	ssyncadd.s32 $0xFFFFB000  }
0x227: {  	_ =	swait.ge [sflag:s16], $0x5000  }
0x228: {  	[sflag:s16] =	ssyncset.done $0x0  }
0x229: {  	s17 =	sadd.s32 $0x1, s17;
	[sflag:s16] =	ssyncadd.s32 $0xFFFFB000  }
0x22a: {  	p0 =	sne.s32 s17, s26;
	_ =	swait.ge [sflag:s9], $0x5000  }
.Ltmp26:
0x22b: {  	[sflag:s9] =	ssyncset.done $0x0;
	(pc) =	sbr.rel @p0 .LBB2_1-.Ltmp26, $4  }
0x22c: {  	[sflag:s9] =	ssyncadd.s32 $0xFFFFB000  }
0x22d: {  	_ =	swait.ge [sflag:s12], $0x5000  }
0x22e: {  	[sflag:s12] =	ssyncset.done $0x0  }
0x22f: {  	[sflag:s12] =	ssyncadd.s32 $0xFFFFB000  }
0x230: {  	_ =	sfence.sel $0x180000  }
0x231: {  	[bflag:$0x0] =	sbarrier.arrive $0xFFFF  }
0x232: {  	_ =	strace $0x90000047  }
0x233: {  	s0 =	stileid.u32;
	[bflag:$0x2] =	sbarrier.arrive $0xFFFF  }
0x234: {  	p0 =	sne.s32 s0, $0x0;
	s0 =	rddreg [dreg:$0x2]  }
0x235: {  	s0 =	sadd.s32 @!p0 $0x100000, s0  }
0x236: {  	[sflag:s0] =	ssyncadd.tile.s32 @!p0 $0x1;
	_ =	shalt  }
.Lfunc_end2:
_tile_overlayer_lowered:
.L_overlay_start_2:
0x237: {  	(tag) =	ssettag $0x2  }
0x238: {  	s0 =	rddreg [dreg:$0x0];
	s2 =	stileid.u32  }
0x239: {  	s1 =	rddreg [dreg:$0x1];
	p0 =	sne.s32 s2, $0x0  }
0x23a: {  	s3 =	rddreg [dreg:$0x2];
	[bflag:$0x3] =	sbarrier.arrive $0xFFFF;
	s2 =	simm.s32 @!p0 $0x1C09  }
0x23b: {  	[timem:s3], [sflag:s2] =	dma.local @!p0 [hbm:s0], s1  }
0x23c: {  	s0 =	simm.s32 @!p0 $0x9  }
0x23d: {  	_ =	swait.ge @!p0 [sflag:s0], s1  }
0x23e: {  	s1 =	ssub.s32 @!p0 $0x0, s1;
	[sflag:s0] =	ssyncset.done @!p0 $0x0  }
0x23f: {  	[sflag:s0] =	ssyncadd.s32 @!p0 s1  }
0x240: {  	[bflag:$0x3] =	sbarrier.arrive $0xFFFF  }
0x241: {  	_ =	shalt  }

// kernel: sparse-core-data-format-call.cloned.1.call-start
scs
called_computation_lowered:
.L_overlay_start_0:
0x0: {  	s2 =	sld [smem:$0x3FD9]  }
0x1: {  	s3 =	sld [smem:$0x3FFE];
	_ =	sdelay $0x1  }
0x2: {  	s1 =	srdreg.scid  }
0x3: {  	s0 =	sand.u32 $0x1, s1  }
0x4: {  	s18 =	sshll.u32 s0, $0xA;
	s2 =	sadd.s32 s3, s2  }
0x5: {  	s2 =	sadd.s32 s2, s18  }
0x6: {  	[smem:$0x3FC6] =	sst s2  }
0x7: {  	_ = 	snop  }
0x8: {  	s2 =	sld [smem:$0x3FD0];
	(tm) =	ssettm $0x1  }
0x9: {  	s19 =	sld [smem:$0x3FFB];
	_ =	sdelay $0x3  }
0xa: {  	_ =	strace s19  }
0xb: {  	s3 =	sld [smem:$0x3FFC];
	_ =	sdelay $0x3  }
0xc: {  	_ =	strace s3  }
0xd: {  	s3 =	sld [smem:$0x3FFD];
	_ =	sdelay $0x3  }
0xe: {  	_ =	strace s3  }
0xf: {  	_ =	strace $0x8FFFFFFF  }
0x10: {  	s20 =	sld [smem:$0x3FDB];
	_ =	sdelay $0x1  }
0x11: {  	s4 =	simm.s32 $_scs_section_size  }
0x12: {  	s5 =	simm.s32 $_size__tile_overlayer_lowered;
	s6 =	simm.s32 $_tile_overlayer_lowered  }
0x13: {  	s23 =	simm.s32 $0x1BFF;
	s22 =	sshll.u32 s6, $0x1;
	s3 =	sadd.s32 s4, s20  }
0x14: {  	s7 =	simm.s32 $0x0;
	s21 =	sshll.u32 s5, $0x1;
	s5 =	sadd.s32 s22, s3  }
0x15: {  	[timem:s7], [sflag:s23] =	dma.local [hbm:s5], s21  }
0x16: {  	_ =	swait.ge [sflag:s23], s21  }
0x17: {  	s4 =	ssub.s32 $0x0, s21;
	[sflag:s23] =	ssyncset.done $0x0  }
0x18: {  	[sflag:s23] =	ssyncadd.s32 s4;
	_ =	sdelay $0x1  }
0x19: {  	s24 =	simm.s32 $0x1B8B  }
0x1a: {  	_ =	swait.ge [sflag:s24], $0x1  }
0x1b: {  	[sflag:s24] =	ssyncset.done $0x0  }
0x1c: {  	s26 =	simm.s32 $0x1B8E;
	s25 =	sld [smem:$0x3FFE];
	[sflag:s24] =	ssyncadd.s32 $0xFFFFFFFF  }
0x1d: {  	s27 =	simm.s32 $execute0_lowered;
	[smem:$0x3FD2] =	sst s26  }
0x1e: {  	s5 =	sshll.u32 s27, $0x1;
	_ =	strace $0x80000049;
	[dreg:$0x1] =	wrdreg $0xFFFFFFFF  }
0x1f: {  	s28 =	simm.s32 $_size_execute0_lowered;
	s3 =	sadd.s32 s3, s5;
	[dreg:$0x0] =	wrdreg $0x0  }
0x20: {  	s5 =	sshll.u32 s28, $0x1;
	[dreg:$0x2] =	wrdreg s3  }
0x21: {  	[dreg:$0x3] =	wrdreg s5  }
0x22: {  	[dreg:$0x4] =	wrdreg $0xC0  }
0x23: {  	_ =	task [dreg:s7], $0x5FFFF  }
0x24: {  	[dreg:$0x1] =	wrdreg $0xFFFFFFFF  }
0x25: {  	[dreg:$0x0] =	wrdreg $0x60  }
0x26: {  	[dreg:$0x2] =	wrdreg s25  }
0x27: {  	[dreg:$0x3] =	wrdreg s2  }
0x28: {  	[dreg:$0x4] =	wrdreg $0x9  }
0x29: {  	_ =	task.clear_ibuf [dreg:s7], $0x5FFFF;
	_ =	strace $0x90000049  }
0x2a: {  	s29 =	simm.s32 $0x9;
	_ =	strace $0x8000004B  }
0x2b: {  	_ =	swait.ge [sflag:s29], $0x1  }
0x2c: {  	[sflag:s29] =	ssyncadd.s32 $0xFFFFFFFF  }
0x2d: {  	_ =	strace $0x9000004B  }
0x2e: {  	_ =	sfence  }
0x2f: {  	s30 =	sld [smem:$0x0];
	_ =	sdelay $0x2  }
0x30: {  	s31 =	sshll.u32 s1, $0xD;
	s1 =	sshrl.u32 s1, $0x2  }
0x31: {  	s3 =	sand.u32 $0x4000, s31;
	s1 =	sadd.s32 s1, s30  }
0x32: {  	s0 =	sor.u32 s3, s0;
	s1 =	sshll.u32 s1, $0x11  }
0x33: {  	s0 =	sor.u32 s1, s0  }
0x34: {  	s0 =	sadd.s32 $0x8F2B, s0  }
0x35: {  	[sflag:s0] =	ssyncadd.remote.s32 $0x1  }
0x36: {  	_ =	sfence.sel $0xFFFF  }
0x37: {  	[dreg:$0x0] =	wrdreg $0xFFFFFFFF;
	(pc) =	sbr.abs _section_cstart, $3  }
0x38: {  	[dreg:$0x1] =	wrdreg $0xFFFFFFFF  }
0x39: {  	_ =	task.clear_ibuf [dreg:s7], $0x2FFFF;
	_ =	strace $0x9FFFFFFF  }
0x3a: {  	(tm) =	ssettm $0x7FFFFFFF  }
0x3b: {  	_ =	shalt  }
tec
execute0_lowered:
.L_overlay_start_1:
0x0: {  	(tag) =	ssettag $0x1  }
0x1: {  	s0 =	stileid.u32  }
0x2: {  	s1 =	srdreg.scid;
	s2 =	sshll.u32 s0, $0x7  }
0x3: {  	s7 =	rddreg [dreg:$0x0];
	s3 =	sshll.u32 s1, $0x4;
	s1 =	sand.u32 $0x380, s2  }
0x4: {  	s8 =	simm.s32 $0x2;
	s30 =	sand.u32 $0x10, s3;
	s31 =	ssub.s32 $0x400, s1  }
0x5: {  	s14 =	simm.s32 $0x0;
	s2 =	sor.u32 s0, s30;
	s4 =	sand.u32 $0x380, s31  }
0x6: {  	s2 =	sshrl.u32 s2, $0x3;
	p0 =	sne.s32 s4, $0x0;
	s4 =	simm.s32 $0x1  }
0x7: {  	s3 =	sshrl.u32 s31, $0xA;
	s5 =	ssub.s32 $0x1D, s2;
	s4 =	simm.s32 @!p0 $0x0  }
0x8: {  	s9 =	simm.s32 $0x2000;
	s5 =	sshrl.u32 s5, $0x2;
	s3 =	sadd.s32 s4, s3  }
0x9: {  	s16 =	simm.s32 $0x0;
	s15 =	simm.s32 $0x0;
	s6 =	smul.u32 s5, s3  }
.Ltmp0:
0xa: {  	s11 =	simm.s32 $0x0;
	s4 =	rddreg [dreg:$0x1];
	(pc) =	sbr.rel .LBB1_1-.Ltmp0, $4  }
0xb: {  	s13 =	simm.s32 $0x0;
	s7 =	sadd.s32 $0xA00, s7;
	s3 =	rddreg [dreg:$0x2]  }
0xc: {  	_ =	strace $0x8000004A;
	s5 =	simm.s32 $0x1;
	s6 =	smul.u32 $0x14, s6  }
0xd: {  	s12 =	smov.u32 s1;
	s10 =	smov.u32 s2;
	[sflag:s5] =	ssyncpa.u1 $0x0  }
0xe: {  	p0 =	por $0x0, $0x0;
	[sflag:s8] =	ssyncpa.u1 $0x0;
	s8 =	sor.u32 $0x1, s6  }
.LBB1_4:
0xf: {  	s19 =	sand.u32 $0xF80, s15;
	s16 =	smul.u32 $0x1A000, s16  }
0x10: {  	s20 =	sshrl.u32 s15, $0x3;
	s19 =	sadd.s32 s4, s19  }
0x11: {  	s31 =	sand.u32 $0x7, s15;
	s20 =	sand.u32 $0xF, s20;
	s16 =	sadd.s32 s16, s19  }
0x12: {  	s14 =	sshll.u32 s14, $0xC;
	s15 =	sshll.u32 s31, $0x12;
	s16 =	sadd.s32 s20, s16  }
0x13: {  	[tilespmem:s18+$0x0 ss:$0x81] =	vst.msk $0xffff, v0;
	s15 =	sor.u32 $0x400, s15;
	s14 =	sadd.s32 s14, s16  }
0x14: {  	[hbm4b:s14+s15] =	stream.strided.scatter [tilespmem:s17], [sflag:$0x2], $0x1000, s9, s15, $0x20;
	[tilespmem:$0x4040] =	vst v63  }
.LBB1_5:
0x15: {  	s17 =	sadd.s32 $0x4, s10  }
0x16: {  	s14 =	simm.s32 $0x1;
	p2 =	sgt.s32 s17, $0x19  }
0x17: {  	s14 =	simm.s32 @!p2 $0x0  }
0x18: {  	s18 =	sadd.s32 s14, s11  }
0x19: {  	s20 =	smov.u32 s12;
	s14 =	sadd.s32 $0x400, s12;
	p3 =	sgt.s32 s18, $0x13  }
0x1a: {  	s20 =	smov.u32 @p3 s14  }
0x1b: {  	p1 =	slt.u32 s13, $0x2;
	s17 =	smov.u32 @p2 s2;
	p2 =	sgt.s32 s20, $0x3FF  }
0x1c: {  	s19 =	simm.s32 @!p1 $0x2;
	s20 =	smov.u32 @p2 s1;
	p2 =	sne.s32 s13, s8  }
.Ltmp1:
0x1d: {  	_ =	swait.ge @!p1 [sflag:s19], $0x1000;
	(pc) =	sbr.rel @!p2 .LBB1_6-.Ltmp1, $4  }
0x1e: {  	s16 =	smov.u32 s11;
	[sflag:s19] =	ssyncset.done @!p1 $0x0  }
0x1f: {  	s15 =	smov.u32 s12;
	p0 =	por !p0, !p0;
	[sflag:s19] =	ssyncadd.s32 @!p1 $0xFFFFF000  }
0x20: {  	s18 =	simm.s32 @p3 $0x0;
	s14 =	smov.u32 s10;
	s10 =	smov.u32 s17  }
0x21: {  	s11 =	smov.u32 s18;
	s13 =	sadd.s32 $0x1, s13;
	s12 =	smov.u32 s20  }
.LBB1_1:
0x22: {  	p1 =	sge.u32 s13, s6  }
0x23: {  	s18 =	smul.u32 @!p1 $0x2800, s12  }
0x24: {  	s31 =	sadd.s32 $0xFFFFFFFF, s13;
	s17 =	sxor.u32 @!p1 $0xFFFFFFFF, s13;
	s19 =	sshll.u32 @!p1 s11, $0x9  }
0x25: {  	s20 =	sshll.u32 @!p1 s10, $0x4;
	s17 =	sshll.u32 @!p1 s17, $0xC;
	s18 =	sadd.s32 @!p1 s7, s18  }
0x26: {  	s20 =	sand.u32 @!p1 $0x1F0, s20;
	s17 =	sand.u32 @!p1 $0x1000, s17;
	s18 =	sadd.s32 @!p1 s19, s18  }
0x27: {  	s19 =	simm.s32 @!p1 $0x20;
	s18 =	sadd.s32 @!p1 s20, s18;
	s20 =	simm.s32 @!p1 $0x14000  }
0x28: {  	[tilespmem:s17], [sflag:$0x1] =	stream.strided.gather @!p1 [hbm4b:s18+s19], $0x1000, s20, s19, $0x38;
	[tilespmem:$0x4040] =	vst v63  }
0x29: {  	p1 =	sge.u32 s31, s6  }
.Ltmp2:
0x2a: {  	_ = 	snop;
	(pc) =	sbr.rel @p1 .LBB1_5-.Ltmp2, $1  }
0x2b: {  	_ =	sdelay $0x3  }
0x2c: {  	s17 =	simm.s32 $0x1  }
0x2d: {  	_ =	swait.ge [sflag:s5], $0x1000;
	s17 =	simm.s32 @!p0 $0x0  }
0x2e: {  	[sflag:s5] =	ssyncset.done $0x0;
	s18 =	sshll.u32 s17, $0xC  }
0x2f: {  	[sflag:s5] =	ssyncadd.s32 $0xFFFFF000;
	s21 =	sor.u32 $0x10, s18  }
0x30: {  	s17 =	smul.u32 $0x4080, s17;
	v1 =	vld [tilespmem:s21+$0x0]  }
0x31: {  	s30 =	sand.u32 $0x1, s13;
	v0 =	vld [tilespmem:s21+$0xFFFFFFF0]  }
0x32: {  	s18 =	smul.u32 $0x4080, s30;
	s17 =	sshrl.u32 s17, $0x2  }
0x33: {  	s19 =	sor.u32 $0x2000, s17  }
0x34: {  	s31 =	sshrl.u32 s18, $0x2;
	s18 =	sadd.s32 $0x0, s19  }
0x35: {  	s20 =	simm.s32 $0x4;
	s21 =	sadd.s32 $0x20, s21;
	s17 =	sor.u32 $0x2000, s31;
	[tilespmem:s18+$0x810 ss:$0x81] =	vst.msk $0xffff, v1  }
.LBB1_3:
0x36: {  	v1 =	vld [tilespmem:s21+$0x0];
	p1 =	sne.s32 s20, $0x1FC;
	[tilespmem:s18+$0x0 ss:$0x81] =	vst.msk $0xffff, v0;
	s18 =	smov.u32 s20;
	s20 =	sadd.s32 $0x4, s20  }
.Ltmp3:
0x37: {  	v0 =	vld [tilespmem:s21+$0xFFFFFFF0];
	(pc) =	sbr.rel @p1 .LBB1_3-.Ltmp3, $4  }
0x38: {  	_ = 	snop  }
0x39: {  	s18 =	sshra.s32 s18, $0x2  }
0x3a: {  	s18 =	sadd.s32 s18, s19  }
0x3b: {  	s21 =	sadd.s32 $0x20, s21;
	[tilespmem:s18+$0x810 ss:$0x81] =	vst.msk $0xffff, v1  }
.Ltmp4:
0x3c: {  	_ = 	snop;
	(pc) =	sbr.rel .LBB1_4-.Ltmp4, $1  }
0x3d: {  	_ =	sdelay $0x3  }
.LBB1_6:
0x3e: {  	_ =	sfence.sel $0x180000  }
0x3f: {  	s1 =	simm.s32 $0x1;
	[bflag:$0x0] =	sbarrier.arrive $0xFFFF  }
0x40: {  	s31 =	simm.s32 $0x2;
	[sflag:s1] =	ssyncpa.u1 $0x1  }
0x41: {  	[sflag:s31] =	ssyncpa.u1 $0x1  }
0x42: {  	p0 =	sne.s32 s0, $0x0;
	_ =	strace $0x9000004A  }
0x43: {  	s0 =	sadd.s32 @!p0 $0x100000, s3;
	[bflag:$0x2] =	sbarrier.arrive $0xFFFF  }
0x44: {  	[sflag:s0] =	ssyncadd.tile.s32 @!p0 $0x1;
	_ =	shalt  }
.Lfunc_end1:
_tile_overlayer_lowered:
.L_overlay_start_2:
0x45: {  	(tag) =	ssettag $0x2  }
0x46: {  	s0 =	rddreg [dreg:$0x0];
	s2 =	stileid.u32  }
0x47: {  	s1 =	rddreg [dreg:$0x1];
	p0 =	sne.s32 s2, $0x0  }
0x48: {  	s3 =	rddreg [dreg:$0x2];
	[bflag:$0x3] =	sbarrier.arrive $0xFFFF;
	s2 =	simm.s32 @!p0 $0x1C01  }
0x49: {  	[timem:s3], [sflag:s2] =	dma.local @!p0 [hbm:s0], s1  }
0x4a: {  	s0 =	simm.s32 @!p0 $0x1  }
0x4b: {  	_ =	swait.ge @!p0 [sflag:s0], s1  }
0x4c: {  	s1 =	ssub.s32 @!p0 $0x0, s1;
	[sflag:s0] =	ssyncset.done @!p0 $0x0  }
0x4d: {  	[sflag:s0] =	ssyncadd.s32 @!p0 s1  }
0x4e: {  	[bflag:$0x3] =	sbarrier.arrive $0xFFFF  }
0x4f: {  	_ =	shalt  }

</sc_bundles>
